<compile_context>
chip_gen: v7x
topology: tpu7x:2x2x1
jax: 0.10.2.dev20260603
libtpu: 0.0.44.dev20260713+nightly
codegen_flags: <defaults>
</compile_context>

<pallas_src>
import functools

import jax
import jax.numpy as jnp
from jax import lax
from jax.experimental import pallas as pl
from jax.experimental.pallas import tpu as pltpu
from jax.experimental.pallas import tpu_sc as plsc

N = 10000
D_HID = 64
DEG_W = 16
NC = 2
NS = 16
NW = NC * NS
CHUNK = 128
NBUF = 5
Q0 = 120
Q1 = 40
N_PAD = 10240
RPS = N_PAD // NS
EPS = 1e-5


def _sc_mesh():
    return plsc.VectorSubcoreMesh(core_axis_name="c", subcore_axis_name="s")


def _zero_rows(ref, n_rows, width):
    zero16 = jnp.zeros((16,), jnp.float32)

    def body(i, _):
        for j in range(width // 16):
            ref[i, pl.ds(j * 16, 16)] = zero16
        return 0

    lax.fori_loop(0, n_rows, body, 0)


def _sc_aggregate(p, src, dst, q0, q1, with_deg):
    assert q0 % NBUF == 0 and q1 % NBUF == 0
    assert NBUF * CHUNK == RPS
    qmax = max(q0, q1)

    out_type = [jax.ShapeDtypeStruct((2 * N_PAD, D_HID), jnp.float32)]
    scratch = [
        pltpu.VMEM((qmax, CHUNK), jnp.int32),
        pltpu.VMEM((qmax, CHUNK), jnp.int32),
        pltpu.VMEM((NBUF * CHUNK, D_HID), jnp.float32),
    ]
    scratch += [pltpu.SemaphoreType.DMA for _ in range(3 * NBUF)]
    scratch.append(pltpu.VMEM_SHARED((N_PAD, D_HID), jnp.float32))
    if with_deg:
        out_type.append(jax.ShapeDtypeStruct((2 * N_PAD, DEG_W), jnp.float32))
        scratch += [
            pltpu.VMEM((CHUNK, DEG_W), jnp.float32),
            pltpu.VMEM_SHARED((N_PAD, DEG_W), jnp.float32),
        ]

    def body(p_hbm, src_hbm, dst_hbm, *rest):
        if with_deg:
            (acc_out, deg_out, src_v, dst_v, rows_v, *tail) = rest
            sems = tail[:3 * NBUF]
            acc_sh, ones_v, deg_sh = tail[3 * NBUF:]
        else:
            (acc_out, src_v, dst_v, rows_v, *tail) = rest
            sems = tail[:3 * NBUF]
            (acc_sh,) = tail[3 * NBUF:]
        gsems, ssems, osems = (sems[:NBUF], sems[NBUF:2 * NBUF],
                               sems[2 * NBUF:])

        cid = lax.axis_index("c")
        sid = lax.axis_index("s")
        row0 = sid * RPS
        quota = jnp.where(cid == 0, q0, q1)
        tile_base = jnp.where(cid == 0, sid * q0, NS * q0 + sid * q1)

        pltpu.sync_copy(src_hbm.at[pl.ds(tile_base, qmax)], src_v)
        pltpu.sync_copy(dst_hbm.at[pl.ds(tile_base, qmax)], dst_v)

        _zero_rows(rows_v, RPS, D_HID)
        pltpu.sync_copy(rows_v, acc_sh.at[pl.ds(row0, RPS)])
        if with_deg:
            _zero_rows(ones_v, CHUNK, DEG_W)
            for k in range(RPS // CHUNK):
                pltpu.sync_copy(ones_v, deg_sh.at[pl.ds(row0 + k * CHUNK, CHUNK)])
            one16 = jnp.ones((16,), jnp.float32)

            def fill_ones(i, _):
                ones_v[i, :] = one16
                return 0

            lax.fori_loop(0, CHUNK, fill_ones, 0)
        plsc.subcore_barrier()

        def group(i, _):
            c0 = i * NBUF
            gathers = [
                pltpu.async_copy(
                    p_hbm.at[src_v.at[c0 + b]],
                    rows_v.at[pl.ds(b * CHUNK, CHUNK)], gsems[b])
                for b in range(NBUF)
            ]
            scatters = []
            for b in range(NBUF):
                gathers[b].wait()
                scatters.append(pltpu.async_copy(
                    rows_v.at[pl.ds(b * CHUNK, CHUNK)],
                    acc_sh.at[dst_v.at[c0 + b]], ssems[b], add=True))
                if with_deg:
                    scatters.append(pltpu.async_copy(
                        ones_v, deg_sh.at[dst_v.at[c0 + b]], osems[b],
                        add=True))
            for s in scatters:
                s.wait()
            return 0

        lax.fori_loop(0, quota // NBUF, group, 0)
        plsc.subcore_barrier()

        out0 = cid * N_PAD + row0
        pltpu.sync_copy(acc_sh.at[pl.ds(row0, RPS)], acc_out.at[pl.ds(out0, RPS)])
        if with_deg:
            pltpu.sync_copy(deg_sh.at[pl.ds(row0, RPS)], deg_out.at[pl.ds(out0, RPS)])

    fn = pl.kernel(
        body,
        out_type=tuple(out_type),
        mesh=_sc_mesh(),
        scratch_types=tuple(scratch),
        compiler_params=pltpu.CompilerParams(use_tc_tiling_on_sc=False),
    )
    res = fn(p, src, dst)
    if with_deg:
        return res
    return res[0] if isinstance(res, (tuple, list)) else res


def _project2(x, wl, wr):

    def body(x_ref, wl_ref, wr_ref, p_ref, r_ref):
        xv = x_ref[...]
        p_ref[...] = jnp.dot(xv, wl_ref[...], preferred_element_type=jnp.float32)
        r_ref[...] = jnp.dot(xv, wr_ref[...], preferred_element_type=jnp.float32)

    d = wl.shape[1]
    return pl.pallas_call(
        body,
        out_shape=[jax.ShapeDtypeStruct((N, d), jnp.float32)] * 2,
    )(x, wl, wr)


def _sum_parts(acc_ref, lo, hi):
    return acc_ref[0:N, lo:hi] + acc_ref[N_PAD:N_PAD + N, lo:hi]


def _deg_from_parts(deg_ref):
    d = _sum_parts(deg_ref, 0, DEG_W)
    return jnp.max(d, axis=1, keepdims=True)


def _bn_relu(pre, g, be):
    mu = jnp.mean(pre, axis=0, keepdims=True)
    var = jnp.mean((pre - mu) ** 2, axis=0, keepdims=True)
    h = g * (pre - mu) * lax.rsqrt(var + EPS) + be
    return jnp.maximum(h, 0.0)


def _layer1_post(acc1, deg, r, b1, g1, be1):

    def body(acc_ref, deg_ref, r_ref, b_ref, g_ref, be_ref, h_ref):
        a = _sum_parts(acc_ref, 0, D_HID)
        degv = _deg_from_parts(deg_ref)
        pre = a / jnp.maximum(degv, 1.0) + r_ref[...] + b_ref[...]
        h_ref[...] = _bn_relu(pre, g_ref[...], be_ref[...])

    return pl.pallas_call(
        body,
        out_shape=jax.ShapeDtypeStruct((N, D_HID), jnp.float32),
    )(acc1, deg, r, b1, g1, be1)


def _layer2_post(acc2, deg, h, wl, wr, b2, g2, be2):

    def body(acc2_ref, deg_ref, h_ref, wl_ref, wr_ref, b_ref, g_ref, be_ref, o_ref):
        a = _sum_parts(acc2_ref, 0, D_HID)
        degv = _deg_from_parts(deg_ref)
        agg = a / jnp.maximum(degv, 1.0)
        z = (jnp.dot(agg, wl_ref[...], preferred_element_type=jnp.float32)
             + jnp.dot(h_ref[...], wr_ref[...], preferred_element_type=jnp.float32)
             + b_ref[...])
        o_ref[...] = _bn_relu(z, g_ref[...], be_ref[...])

    d_out = wl.shape[1]
    return pl.pallas_call(
        body,
        out_shape=jax.ShapeDtypeStruct((N, d_out), jnp.float32),
    )(acc2, deg, h, wl, wr, b2, g2, be2)


def kernel(x, edge_index, W1_l, W1_r, b1, g1, be1, W2_l, W2_r, b2, g2, be2):
    ei = edge_index.astype(jnp.int32)
    n_edges = ei.shape[1]
    total_chunks = NS * (Q0 + Q1)
    assert total_chunks * CHUNK >= n_edges
    rows_total = total_chunks + max(Q0, Q1)
    pad = rows_total * CHUNK - n_edges
    src = jnp.concatenate([ei[0], jnp.zeros((pad,), jnp.int32)])
    dst = jnp.concatenate([ei[1], jnp.full((pad,), N, jnp.int32)])
    src = src.reshape(rows_total, CHUNK)
    dst = dst.reshape(rows_total, CHUNK)

    b1r, g1r, be1r = b1.reshape(1, -1), g1.reshape(1, -1), be1.reshape(1, -1)
    b2r, g2r, be2r = b2.reshape(1, -1), g2.reshape(1, -1), be2.reshape(1, -1)

    p1, r1 = _project2(x, W1_l, W1_r)
    acc1, deg = _sc_aggregate(p1, src, dst, Q0, Q1, with_deg=True)
    h = _layer1_post(acc1, deg, r1, b1r, g1r, be1r)
    acc2 = _sc_aggregate(h, src, dst, Q0, Q1, with_deg=False)
    return _layer2_post(acc2, deg, h, W2_l, W2_r, b2r, g2r, be2r)

# --- scband reference (transcript-rebuilt; emitter-appended) ---
"""Pipeline reference for scband-graph-sage-node-45801531245071 (READ-ONLY COPY).

The authoritative reference and input builder live on the scoring server;
editing this copy changes nothing except your own understanding.
"""

import jax, jax.numpy as jnp
import numpy as np

N_NODES = 10000
N_EDGES = 320000
D_IN = 128
D_HID = 64  # hidden_dim // 2
D_OUT = 128


def _sage_conv(x, edge_index, W_l, W_r, b_l):
    # PyG SAGEConv (mean aggregation): out = lin_l(mean_j x_j) + lin_r(x_i)
    src = edge_index[0]
    dst = edge_index[1]
    n = x.shape[0]
    msgs = x[src]  # gather
    agg = jax.ops.segment_sum(msgs, dst, num_segments=n)  # scatter-add
    deg = jax.ops.segment_sum(jnp.ones((src.shape[0],), dtype=x.dtype), dst, num_segments=n)
    agg = agg / jnp.maximum(deg, 1.0)[:, None]
    return agg @ W_l + b_l + x @ W_r


def _batch_norm(x, gamma, beta, eps=1e-5):
    # BatchNorm1d in training mode: batch statistics, biased variance
    mu = jnp.mean(x, axis=0)
    var = jnp.var(x, axis=0)
    return gamma * (x - mu) / jnp.sqrt(var + eps) + beta


def setup_inputs(seed: int = 0) -> dict:
    key = jax.random.key(seed)
    ks = jax.random.split(key, 12)
    x = jax.random.normal(ks[0], (N_NODES, D_IN), dtype=jnp.float32)
    edge_index = jax.random.randint(ks[1], (2, N_EDGES), 0, N_NODES, dtype=jnp.int64)
    s1 = 1.0 / np.sqrt(D_IN)
    s2 = 1.0 / np.sqrt(D_HID)
    W1_l = jax.random.uniform(ks[2], (D_IN, D_HID), jnp.float32, -s1, s1)
    W1_r = jax.random.uniform(ks[3], (D_IN, D_HID), jnp.float32, -s1, s1)
    b1 = jax.random.uniform(ks[4], (D_HID,), jnp.float32, -s1, s1)
    g1 = jnp.ones((D_HID,), jnp.float32)
    be1 = jnp.zeros((D_HID,), jnp.float32)
    W2_l = jax.random.uniform(ks[5], (D_HID, D_OUT), jnp.float32, -s2, s2)
    W2_r = jax.random.uniform(ks[6], (D_HID, D_OUT), jnp.float32, -s2, s2)
    b2 = jax.random.uniform(ks[7], (D_OUT,), jnp.float32, -s2, s2)
    g2 = jnp.ones((D_OUT,), jnp.float32)
    be2 = jnp.zeros((D_OUT,), jnp.float32)
    return {"x": x, "edge_index": edge_index, "W1_l": W1_l, "W1_r": W1_r, "b1": b1,
            "g1": g1, "be1": be1, "W2_l": W2_l, "W2_r": W2_r, "b2": b2, "g2": g2, "be2": be2}


def reference(x, edge_index, W1_l, W1_r, b1, g1, be1, W2_l, W2_r, b2, g2, be2):
    h = _sage_conv(x, edge_index, W1_l, W1_r, b1)
    h = _batch_norm(h, g1, be1)
    h = jax.nn.relu(h)
    h = _sage_conv(h, edge_index, W2_l, W2_r, b2)
    h = _batch_norm(h, g2, be2)
    h = jax.nn.relu(h)
    return h

if __name__ == "__main__":
    import jax
    _d = setup_inputs()
    print(jax.jit(kernel)(*tuple(_d.values())))

</pallas_src>

<mosaic_0001>
#map = affine_map<(d0, d1) -> (0, 0)>
module attributes {stable_mosaic.version = 14 : i64} {
  func.func @body(%arg0: i32, %arg1: i32, %arg2: memref<10000x64xf32, #tpu.memory_space<hbm>>, %arg3: memref<2680x128xi32, #tpu.memory_space<hbm>>, %arg4: memref<2680x128xi32, #tpu.memory_space<hbm>>, %arg5: memref<20480x64xf32, #tpu.memory_space<hbm>>, %arg6: memref<120x128xi32, #tpu.memory_space<vmem>>, %arg7: memref<120x128xi32, #tpu.memory_space<vmem>>, %arg8: memref<640x64xf32, #tpu.memory_space<vmem>>, %arg9: memref<!tpu.dma_semaphore, #tpu.memory_space<semaphore_mem>>, %arg10: memref<!tpu.dma_semaphore, #tpu.memory_space<semaphore_mem>>, %arg11: memref<!tpu.dma_semaphore, #tpu.memory_space<semaphore_mem>>, %arg12: memref<!tpu.dma_semaphore, #tpu.memory_space<semaphore_mem>>, %arg13: memref<!tpu.dma_semaphore, #tpu.memory_space<semaphore_mem>>, %arg14: memref<!tpu.dma_semaphore, #tpu.memory_space<semaphore_mem>>, %arg15: memref<!tpu.dma_semaphore, #tpu.memory_space<semaphore_mem>>, %arg16: memref<!tpu.dma_semaphore, #tpu.memory_space<semaphore_mem>>, %arg17: memref<!tpu.dma_semaphore, #tpu.memory_space<semaphore_mem>>, %arg18: memref<!tpu.dma_semaphore, #tpu.memory_space<semaphore_mem>>, %arg19: memref<!tpu.dma_semaphore, #tpu.memory_space<semaphore_mem>>, %arg20: memref<!tpu.dma_semaphore, #tpu.memory_space<semaphore_mem>>, %arg21: memref<!tpu.dma_semaphore, #tpu.memory_space<semaphore_mem>>, %arg22: memref<!tpu.dma_semaphore, #tpu.memory_space<semaphore_mem>>, %arg23: memref<!tpu.dma_semaphore, #tpu.memory_space<semaphore_mem>>, %arg24: memref<10240x64xf32, #tpu.memory_space<vmem_shared>>) attributes {dimension_semantics = [#tpu.dimension_semantics<core_parallel>, #tpu.dimension_semantics<subcore_parallel>], iteration_bounds = array<i64: 2, 16>, scalar_prefetch = 0 : i64, scratch_operands = 19 : i64, tpu.core_type = #tpu.core_type<sc_vector_subcore>, window_params = [{transform_indices = #map}, {transform_indices = #map}, {transform_indices = #map}, {transform_indices = #map}]} {
    %mul3A = arith.constant 640 : i32
    %mul3A_0 = arith.muli %arg1, %mul3A : i32
    %eq3A = arith.constant 0 : i32
    %eq3A_1 = arith.cmpi eq, %arg0, %eq3A : i32
    %jit3A = arith.constant 120 : i32
    %jit3A_2 = arith.constant 40 : i32
    %select_n3A = arith.select %eq3A_1, %jit3A, %jit3A_2 : i32
    %eq3A_3 = arith.constant 0 : i32
    %eq3A_4 = arith.cmpi eq, %arg0, %eq3A_3 : i32
    %mul3A_5 = arith.constant 120 : i32
    %mul3A_6 = arith.muli %arg1, %mul3A_5 : i32
    %mul3A_7 = arith.constant 40 : i32
    %mul3A_8 = arith.muli %arg1, %mul3A_7 : i32
    %add3A = arith.constant 1920 : i32
    %add3A_9 = arith.addi %add3A, %mul3A_8 : i32
    %select_n3A_10 = arith.select %eq3A_4, %mul3A_6, %add3A_9 : i32
    "tpu.region"() ({
      %run_scoped3A = tpu.sem_alloc : memref<!tpu.dma_semaphore, #tpu.memory_space<semaphore_mem>>
      %dma_start3A = arith.constant 0 : i32
      %dma_start3A_51 = tpu.memref_slice %arg3[%select_n3A_10, %dma_start3A] : memref<2680x128xi32, #tpu.memory_space<hbm>> -> memref<120x128xi32, #tpu.memory_space<hbm>>
      %dma_start3A_52 = arith.constant 0 : i32
      %dma_start3A_53 = tpu.memref_slice %arg3[%select_n3A_10, %dma_start3A_52] : memref<2680x128xi32, #tpu.memory_space<hbm>> -> memref<120x128xi32, #tpu.memory_space<hbm>>
      tpu.enqueue_dma source(%dma_start3A_53 : memref<120x128xi32, #tpu.memory_space<hbm>>) target(%arg6 : memref<120x128xi32, #tpu.memory_space<vmem>>) target_semaphore(%run_scoped3A : memref<!tpu.dma_semaphore, #tpu.memory_space<semaphore_mem>>)
      %dma_wait3A = arith.constant 0 : i32
      %dma_wait3A_54 = tpu.memref_slice %arg3[%select_n3A_10, %dma_wait3A] : memref<2680x128xi32, #tpu.memory_space<hbm>> -> memref<120x128xi32, #tpu.memory_space<hbm>>
      %dma_wait3A_55 = arith.constant 0 : i32
      %dma_wait3A_56 = tpu.memref_slice %arg3[%select_n3A_10, %dma_wait3A_55] : memref<2680x128xi32, #tpu.memory_space<hbm>> -> memref<120x128xi32, #tpu.memory_space<hbm>>
      tpu.wait_dma2 semaphore(%run_scoped3A : memref<!tpu.dma_semaphore, #tpu.memory_space<semaphore_mem>>) src(%dma_wait3A_56 : memref<120x128xi32, #tpu.memory_space<hbm>>) dst(%arg6 : memref<120x128xi32, #tpu.memory_space<vmem>>)
      tpu.yield
    }) : () -> ()
    "tpu.region"() ({
      %run_scoped3A = tpu.sem_alloc : memref<!tpu.dma_semaphore, #tpu.memory_space<semaphore_mem>>
      %dma_start3A = arith.constant 0 : i32
      %dma_start3A_51 = tpu.memref_slice %arg4[%select_n3A_10, %dma_start3A] : memref<2680x128xi32, #tpu.memory_space<hbm>> -> memref<120x128xi32, #tpu.memory_space<hbm>>
      %dma_start3A_52 = arith.constant 0 : i32
      %dma_start3A_53 = tpu.memref_slice %arg4[%select_n3A_10, %dma_start3A_52] : memref<2680x128xi32, #tpu.memory_space<hbm>> -> memref<120x128xi32, #tpu.memory_space<hbm>>
      tpu.enqueue_dma source(%dma_start3A_53 : memref<120x128xi32, #tpu.memory_space<hbm>>) target(%arg7 : memref<120x128xi32, #tpu.memory_space<vmem>>) target_semaphore(%run_scoped3A : memref<!tpu.dma_semaphore, #tpu.memory_space<semaphore_mem>>)
      %dma_wait3A = arith.constant 0 : i32
      %dma_wait3A_54 = tpu.memref_slice %arg4[%select_n3A_10, %dma_wait3A] : memref<2680x128xi32, #tpu.memory_space<hbm>> -> memref<120x128xi32, #tpu.memory_space<hbm>>
      %dma_wait3A_55 = arith.constant 0 : i32
      %dma_wait3A_56 = tpu.memref_slice %arg4[%select_n3A_10, %dma_wait3A_55] : memref<2680x128xi32, #tpu.memory_space<hbm>> -> memref<120x128xi32, #tpu.memory_space<hbm>>
      tpu.wait_dma2 semaphore(%run_scoped3A : memref<!tpu.dma_semaphore, #tpu.memory_space<semaphore_mem>>) src(%dma_wait3A_56 : memref<120x128xi32, #tpu.memory_space<hbm>>) dst(%arg7 : memref<120x128xi32, #tpu.memory_space<vmem>>)
      tpu.yield
    }) : () -> ()
    %broadcast_in_dim3A = arith.constant 0.000000e+00 : f32
    %broadcast_in_dim3A_11 = vector.broadcast %broadcast_in_dim3A : f32 to vector<16xf32>
    %scan3A = arith.constant 0 : i32
    %scan3A_12 = arith.constant 0 : i32
    %scan3A_13 = arith.constant 640 : i32
    %scan3A_14 = arith.addi %scan3A_12, %scan3A_13 : i32
    %scan3A_15 = arith.constant 1 : i32
    %scan3A_16 = scf.for %scan3A_51 = %scan3A_12 to %scan3A_14 step %scan3A_15 iter_args(%scan3A_52 = %scan3A) -> (i32)  : i32 {
      %swap3A = arith.index_cast %scan3A_51 : i32 to index
      %swap3A_53 = arith.constant 0 : index
      %swap3A_54 = tpu.vector_load %arg8[%swap3A, %swap3A_53] {strides = array<i32>} : memref<640x64xf32, #tpu.memory_space<vmem>>, vector<1x16xf32>,
      %swap3A_55 = vector.shape_cast %swap3A_54 : vector<1x16xf32> to vector<16xf32>
      %swap3A_56 = vector.shape_cast %broadcast_in_dim3A_11 : vector<16xf32> to vector<1x16xf32>
      tpu.vector_store %arg8[%swap3A, %swap3A_53], %swap3A_56 {strides = array<i32>} : memref<640x64xf32, #tpu.memory_space<vmem>>, vector<1x16xf32>,
      %swap3A_57 = arith.index_cast %scan3A_51 : i32 to index
      %swap3A_58 = arith.constant 16 : index
      %swap3A_59 = tpu.vector_load %arg8[%swap3A_57, %swap3A_58] {strides = array<i32>} : memref<640x64xf32, #tpu.memory_space<vmem>>, vector<1x16xf32>,
      %swap3A_60 = vector.shape_cast %swap3A_59 : vector<1x16xf32> to vector<16xf32>
      %swap3A_61 = vector.shape_cast %broadcast_in_dim3A_11 : vector<16xf32> to vector<1x16xf32>
      tpu.vector_store %arg8[%swap3A_57, %swap3A_58], %swap3A_61 {strides = array<i32>} : memref<640x64xf32, #tpu.memory_space<vmem>>, vector<1x16xf32>,
      %swap3A_62 = arith.index_cast %scan3A_51 : i32 to index
      %swap3A_63 = arith.constant 32 : index
      %swap3A_64 = tpu.vector_load %arg8[%swap3A_62, %swap3A_63] {strides = array<i32>} : memref<640x64xf32, #tpu.memory_space<vmem>>, vector<1x16xf32>,
      %swap3A_65 = vector.shape_cast %swap3A_64 : vector<1x16xf32> to vector<16xf32>
      %swap3A_66 = vector.shape_cast %broadcast_in_dim3A_11 : vector<16xf32> to vector<1x16xf32>
      tpu.vector_store %arg8[%swap3A_62, %swap3A_63], %swap3A_66 {strides = array<i32>} : memref<640x64xf32, #tpu.memory_space<vmem>>, vector<1x16xf32>,
      %swap3A_67 = arith.index_cast %scan3A_51 : i32 to index
      %swap3A_68 = arith.constant 48 : index
      %swap3A_69 = tpu.vector_load %arg8[%swap3A_67, %swap3A_68] {strides = array<i32>} : memref<640x64xf32, #tpu.memory_space<vmem>>, vector<1x16xf32>,
      %swap3A_70 = vector.shape_cast %swap3A_69 : vector<1x16xf32> to vector<16xf32>
      %swap3A_71 = vector.shape_cast %broadcast_in_dim3A_11 : vector<16xf32> to vector<1x16xf32>
      tpu.vector_store %arg8[%swap3A_67, %swap3A_68], %swap3A_71 {strides = array<i32>} : memref<640x64xf32, #tpu.memory_space<vmem>>, vector<1x16xf32>,
      %scan3A_72 = arith.constant 0 : i32
      scf.yield %scan3A_72 : i32
    }
    %scan3A_17 = arith.constant 640 : i32
    "tpu.region"() ({
      %run_scoped3A = tpu.sem_alloc : memref<!tpu.dma_semaphore, #tpu.memory_space<semaphore_mem>>
      %dma_start3A = arith.constant 0 : i32
      %dma_start3A_51 = tpu.memref_slice %arg24[%mul3A_0, %dma_start3A] : memref<10240x64xf32, #tpu.memory_space<vmem_shared>> -> memref<640x64xf32, #tpu.memory_space<vmem_shared>>
      %dma_start3A_52 = arith.constant 0 : i32
      %dma_start3A_53 = tpu.memref_slice %arg24[%mul3A_0, %dma_start3A_52] : memref<10240x64xf32, #tpu.memory_space<vmem_shared>> -> memref<640x64xf32, #tpu.memory_space<vmem_shared>>
      tpu.enqueue_dma source(%arg8 : memref<640x64xf32, #tpu.memory_space<vmem>>) target(%dma_start3A_53 : memref<640x64xf32, #tpu.memory_space<vmem_shared>>) target_semaphore(%run_scoped3A : memref<!tpu.dma_semaphore, #tpu.memory_space<semaphore_mem>>)
      %dma_wait3A = arith.constant 0 : i32
      %dma_wait3A_54 = tpu.memref_slice %arg24[%mul3A_0, %dma_wait3A] : memref<10240x64xf32, #tpu.memory_space<vmem_shared>> -> memref<640x64xf32, #tpu.memory_space<vmem_shared>>
      %dma_wait3A_55 = arith.constant 0 : i32
      %dma_wait3A_56 = tpu.memref_slice %arg24[%mul3A_0, %dma_wait3A_55] : memref<10240x64xf32, #tpu.memory_space<vmem_shared>> -> memref<640x64xf32, #tpu.memory_space<vmem_shared>>
      tpu.wait_dma2 semaphore(%run_scoped3A : memref<!tpu.dma_semaphore, #tpu.memory_space<semaphore_mem>>) src(%arg8 : memref<640x64xf32, #tpu.memory_space<vmem>>) dst(%dma_wait3A_56 : memref<640x64xf32, #tpu.memory_space<vmem_shared>>)
      tpu.yield
    }) : () -> ()
    %barrier3A = arith.constant 0 : index
    tpu.barrier barrier_id(%barrier3A)
    %jit3A_18 = arith.constant 5 : i32
    %div3A = arith.divsi %select_n3A, %jit3A_18 : i32
    %sign3A = arith.constant 0 : i32
    %sign3A_19 = arith.cmpi sgt, %select_n3A, %sign3A : i32
    %sign3A_20 = arith.extui %sign3A_19 : i1 to i32
    %sign3A_21 = arith.constant 0 : i32
    %sign3A_22 = arith.cmpi slt, %select_n3A, %sign3A_21 : i32
    %sign3A_23 = arith.extui %sign3A_22 : i1 to i32
    %sign3A_24 = arith.subi %sign3A_20, %sign3A_23 : i32
    %sign3A_25 = arith.constant 0 : i32
    %sign3A_26 = arith.cmpi sgt, %jit3A_18, %sign3A_25 : i32
    %sign3A_27 = arith.extui %sign3A_26 : i1 to i32
    %sign3A_28 = arith.constant 0 : i32
    %sign3A_29 = arith.cmpi slt, %jit3A_18, %sign3A_28 : i32
    %sign3A_30 = arith.extui %sign3A_29 : i1 to i32
    %sign3A_31 = arith.subi %sign3A_27, %sign3A_30 : i32
    %ne3A = arith.cmpi ne, %sign3A_24, %sign3A_31 : i32
    %rem3A = arith.remsi %select_n3A, %jit3A_18 : i32
    %ne3A_32 = arith.constant 0 : i32
    %ne3A_33 = arith.cmpi ne, %rem3A, %ne3A_32 : i32
    %and3A = arith.andi %ne3A, %ne3A_33 : i1
    %sub3A = arith.constant 1 : i32
    %sub3A_34 = arith.subi %div3A, %sub3A : i32
    %select_n3A_35 = arith.select %and3A, %sub3A_34, %div3A : i32
    %while3A = arith.constant 0 : i32
    %while3A_36 = arith.constant 0 : i32
    %while3A_37 = arith.subi %select_n3A_35, %while3A : i32
    %while3A_38 = arith.addi %while3A, %while3A_37 : i32
    %while3A_39 = arith.constant 1 : i32
    %while3A_40 = arith.divsi %while3A_37, %while3A_39 : i32
    %while3A_41 = arith.muli %while3A_40, %while3A_39 : i32
    %while3A_42 = arith.addi %while3A, %while3A_41 : i32
    %while3A_43 = arith.constant 1 : i32
    %while3A_44 = scf.for %while3A_51 = %while3A to %while3A_42 step %while3A_43 iter_args(%while3A_52 = %while3A_36) -> (i32)  : i32 {
      %mul3A_53 = arith.constant 5 : i32
      %mul3A_54 = arith.muli %while3A_51, %mul3A_53 : i32
      %add3A_55 = arith.constant 0 : i32
      %add3A_56 = arith.addi %mul3A_54, %add3A_55 : i32
      %dma_start3A = arith.constant 0 : i32
      %dma_start3A_57 = arith.constant 0 : i32
      %dma_start3A_58 = tpu.memref_slice %arg8[%dma_start3A, %dma_start3A_57] : memref<640x64xf32, #tpu.memory_space<vmem>> -> memref<128x64xf32, #tpu.memory_space<vmem>>
      %dma_start3A_59 = arith.constant 0 : i32
      %dma_start3A_60 = tpu.memref_slice %arg6[%add3A_56, %dma_start3A_59] : memref<120x128xi32, #tpu.memory_space<vmem>> -> memref<1x128xi32, #tpu.memory_space<vmem>>
      %dma_start3A_61 = tpu.memref_squeeze %dma_start3A_60 : memref<1x128xi32, #tpu.memory_space<vmem>> -> memref<128xi32, #tpu.memory_space<vmem>>
      %dma_start3A_62 = arith.constant 0 : i32
      %dma_start3A_63 = arith.constant 0 : i32
      %dma_start3A_64 = tpu.memref_slice %arg2[%dma_start3A_62, %dma_start3A_63] : memref<10000x64xf32, #tpu.memory_space<hbm>> -> memref<10000x64xf32, #tpu.memory_space<hbm>>
      tpu.enqueue_indirect_dma source(%dma_start3A_64 : memref<10000x64xf32, #tpu.memory_space<hbm>>) target(%dma_start3A_58 : memref<128x64xf32, #tpu.memory_space<vmem>>) offsets(%dma_start3A_61 : memref<128xi32, #tpu.memory_space<vmem>>) semaphore(%arg9 : memref<!tpu.dma_semaphore, #tpu.memory_space<semaphore_mem>>)
      %add3A_65 = arith.constant 1 : i32
      %add3A_66 = arith.addi %mul3A_54, %add3A_65 : i32
      %dma_start3A_67 = arith.constant 128 : i32
      %dma_start3A_68 = arith.constant 0 : i32
      %dma_start3A_69 = tpu.memref_slice %arg8[%dma_start3A_67, %dma_start3A_68] : memref<640x64xf32, #tpu.memory_space<vmem>> -> memref<128x64xf32, #tpu.memory_space<vmem>>
      %dma_start3A_70 = arith.constant 0 : i32
      %dma_start3A_71 = tpu.memref_slice %arg6[%add3A_66, %dma_start3A_70] : memref<120x128xi32, #tpu.memory_space<vmem>> -> memref<1x128xi32, #tpu.memory_space<vmem>>
      %dma_start3A_72 = tpu.memref_squeeze %dma_start3A_71 : memref<1x128xi32, #tpu.memory_space<vmem>> -> memref<128xi32, #tpu.memory_space<vmem>>
      %dma_start3A_73 = arith.constant 0 : i32
      %dma_start3A_74 = arith.constant 0 : i32
      %dma_start3A_75 = tpu.memref_slice %arg2[%dma_start3A_73, %dma_start3A_74] : memref<10000x64xf32, #tpu.memory_space<hbm>> -> memref<10000x64xf32, #tpu.memory_space<hbm>>
      tpu.enqueue_indirect_dma source(%dma_start3A_75 : memref<10000x64xf32, #tpu.memory_space<hbm>>) target(%dma_start3A_69 : memref<128x64xf32, #tpu.memory_space<vmem>>) offsets(%dma_start3A_72 : memref<128xi32, #tpu.memory_space<vmem>>) semaphore(%arg10 : memref<!tpu.dma_semaphore, #tpu.memory_space<semaphore_mem>>)
      %add3A_76 = arith.constant 2 : i32
      %add3A_77 = arith.addi %mul3A_54, %add3A_76 : i32
      %dma_start3A_78 = arith.constant 256 : i32
      %dma_start3A_79 = arith.constant 0 : i32
      %dma_start3A_80 = tpu.memref_slice %arg8[%dma_start3A_78, %dma_start3A_79] : memref<640x64xf32, #tpu.memory_space<vmem>> -> memref<128x64xf32, #tpu.memory_space<vmem>>
      %dma_start3A_81 = arith.constant 0 : i32
      %dma_start3A_82 = tpu.memref_slice %arg6[%add3A_77, %dma_start3A_81] : memref<120x128xi32, #tpu.memory_space<vmem>> -> memref<1x128xi32, #tpu.memory_space<vmem>>
      %dma_start3A_83 = tpu.memref_squeeze %dma_start3A_82 : memref<1x128xi32, #tpu.memory_space<vmem>> -> memref<128xi32, #tpu.memory_space<vmem>>
      %dma_start3A_84 = arith.constant 0 : i32
      %dma_start3A_85 = arith.constant 0 : i32
      %dma_start3A_86 = tpu.memref_slice %arg2[%dma_start3A_84, %dma_start3A_85] : memref<10000x64xf32, #tpu.memory_space<hbm>> -> memref<10000x64xf32, #tpu.memory_space<hbm>>
      tpu.enqueue_indirect_dma source(%dma_start3A_86 : memref<10000x64xf32, #tpu.memory_space<hbm>>) target(%dma_start3A_80 : memref<128x64xf32, #tpu.memory_space<vmem>>) offsets(%dma_start3A_83 : memref<128xi32, #tpu.memory_space<vmem>>) semaphore(%arg11 : memref<!tpu.dma_semaphore, #tpu.memory_space<semaphore_mem>>)
      %add3A_87 = arith.constant 3 : i32
      %add3A_88 = arith.addi %mul3A_54, %add3A_87 : i32
      %dma_start3A_89 = arith.constant 384 : i32
      %dma_start3A_90 = arith.constant 0 : i32
      %dma_start3A_91 = tpu.memref_slice %arg8[%dma_start3A_89, %dma_start3A_90] : memref<640x64xf32, #tpu.memory_space<vmem>> -> memref<128x64xf32, #tpu.memory_space<vmem>>
      %dma_start3A_92 = arith.constant 0 : i32
      %dma_start3A_93 = tpu.memref_slice %arg6[%add3A_88, %dma_start3A_92] : memref<120x128xi32, #tpu.memory_space<vmem>> -> memref<1x128xi32, #tpu.memory_space<vmem>>
      %dma_start3A_94 = tpu.memref_squeeze %dma_start3A_93 : memref<1x128xi32, #tpu.memory_space<vmem>> -> memref<128xi32, #tpu.memory_space<vmem>>
      %dma_start3A_95 = arith.constant 0 : i32
      %dma_start3A_96 = arith.constant 0 : i32
      %dma_start3A_97 = tpu.memref_slice %arg2[%dma_start3A_95, %dma_start3A_96] : memref<10000x64xf32, #tpu.memory_space<hbm>> -> memref<10000x64xf32, #tpu.memory_space<hbm>>
      tpu.enqueue_indirect_dma source(%dma_start3A_97 : memref<10000x64xf32, #tpu.memory_space<hbm>>) target(%dma_start3A_91 : memref<128x64xf32, #tpu.memory_space<vmem>>) offsets(%dma_start3A_94 : memref<128xi32, #tpu.memory_space<vmem>>) semaphore(%arg12 : memref<!tpu.dma_semaphore, #tpu.memory_space<semaphore_mem>>)
      %add3A_98 = arith.constant 4 : i32
      %add3A_99 = arith.addi %mul3A_54, %add3A_98 : i32
      %dma_start3A_100 = arith.constant 512 : i32
      %dma_start3A_101 = arith.constant 0 : i32
      %dma_start3A_102 = tpu.memref_slice %arg8[%dma_start3A_100, %dma_start3A_101] : memref<640x64xf32, #tpu.memory_space<vmem>> -> memref<128x64xf32, #tpu.memory_space<vmem>>
      %dma_start3A_103 = arith.constant 0 : i32
      %dma_start3A_104 = tpu.memref_slice %arg6[%add3A_99, %dma_start3A_103] : memref<120x128xi32, #tpu.memory_space<vmem>> -> memref<1x128xi32, #tpu.memory_space<vmem>>
      %dma_start3A_105 = tpu.memref_squeeze %dma_start3A_104 : memref<1x128xi32, #tpu.memory_space<vmem>> -> memref<128xi32, #tpu.memory_space<vmem>>
      %dma_start3A_106 = arith.constant 0 : i32
      %dma_start3A_107 = arith.constant 0 : i32
      %dma_start3A_108 = tpu.memref_slice %arg2[%dma_start3A_106, %dma_start3A_107] : memref<10000x64xf32, #tpu.memory_space<hbm>> -> memref<10000x64xf32, #tpu.memory_space<hbm>>
      tpu.enqueue_indirect_dma source(%dma_start3A_108 : memref<10000x64xf32, #tpu.memory_space<hbm>>) target(%dma_start3A_102 : memref<128x64xf32, #tpu.memory_space<vmem>>) offsets(%dma_start3A_105 : memref<128xi32, #tpu.memory_space<vmem>>) semaphore(%arg13 : memref<!tpu.dma_semaphore, #tpu.memory_space<semaphore_mem>>)
      %dma_wait3A = arith.constant 0 : i32
      %dma_wait3A_109 = arith.constant 0 : i32
      %dma_wait3A_110 = tpu.memref_slice %arg8[%dma_wait3A, %dma_wait3A_109] : memref<640x64xf32, #tpu.memory_space<vmem>> -> memref<128x64xf32, #tpu.memory_space<vmem>>
      %dma_wait3A_111 = arith.constant 0 : i32
      %dma_wait3A_112 = tpu.memref_slice %arg6[%add3A_56, %dma_wait3A_111] : memref<120x128xi32, #tpu.memory_space<vmem>> -> memref<1x128xi32, #tpu.memory_space<vmem>>
      %dma_wait3A_113 = tpu.memref_squeeze %dma_wait3A_112 : memref<1x128xi32, #tpu.memory_space<vmem>> -> memref<128xi32, #tpu.memory_space<vmem>>
      %dma_wait3A_114 = arith.constant 0 : i32
      %dma_wait3A_115 = arith.constant 0 : i32
      %dma_wait3A_116 = tpu.memref_slice %arg2[%dma_wait3A_114, %dma_wait3A_115] : memref<10000x64xf32, #tpu.memory_space<hbm>> -> memref<10000x64xf32, #tpu.memory_space<hbm>>
      tpu.wait_indirect_dma semaphore(%arg9 : memref<!tpu.dma_semaphore, #tpu.memory_space<semaphore_mem>>) src(%dma_wait3A_116 : memref<10000x64xf32, #tpu.memory_space<hbm>>) dst(%dma_wait3A_110 : memref<128x64xf32, #tpu.memory_space<vmem>>)
      %add3A_117 = arith.constant 0 : i32
      %add3A_118 = arith.addi %mul3A_54, %add3A_117 : i32
      %dma_start3A_119 = arith.constant 0 : i32
      %dma_start3A_120 = arith.constant 0 : i32
      %dma_start3A_121 = tpu.memref_slice %arg8[%dma_start3A_119, %dma_start3A_120] : memref<640x64xf32, #tpu.memory_space<vmem>> -> memref<128x64xf32, #tpu.memory_space<vmem>>
      %dma_start3A_122 = arith.constant 0 : i32
      %dma_start3A_123 = tpu.memref_slice %arg7[%add3A_118, %dma_start3A_122] : memref<120x128xi32, #tpu.memory_space<vmem>> -> memref<1x128xi32, #tpu.memory_space<vmem>>
      %dma_start3A_124 = tpu.memref_squeeze %dma_start3A_123 : memref<1x128xi32, #tpu.memory_space<vmem>> -> memref<128xi32, #tpu.memory_space<vmem>>
      %dma_start3A_125 = arith.constant 0 : i32
      %dma_start3A_126 = arith.constant 0 : i32
      %dma_start3A_127 = tpu.memref_slice %arg24[%dma_start3A_125, %dma_start3A_126] : memref<10240x64xf32, #tpu.memory_space<vmem_shared>> -> memref<10240x64xf32, #tpu.memory_space<vmem_shared>>
      tpu.enqueue_indirect_dma source(%dma_start3A_121 : memref<128x64xf32, #tpu.memory_space<vmem>>) target(%dma_start3A_127 : memref<10240x64xf32, #tpu.memory_space<vmem_shared>>) offsets(%dma_start3A_124 : memref<128xi32, #tpu.memory_space<vmem>>) semaphore(%arg14 : memref<!tpu.dma_semaphore, #tpu.memory_space<semaphore_mem>>) {add = true}
      %dma_wait3A_128 = arith.constant 128 : i32
      %dma_wait3A_129 = arith.constant 0 : i32
      %dma_wait3A_130 = tpu.memref_slice %arg8[%dma_wait3A_128, %dma_wait3A_129] : memref<640x64xf32, #tpu.memory_space<vmem>> -> memref<128x64xf32, #tpu.memory_space<vmem>>
      %dma_wait3A_131 = arith.constant 0 : i32
      %dma_wait3A_132 = tpu.memref_slice %arg6[%add3A_66, %dma_wait3A_131] : memref<120x128xi32, #tpu.memory_space<vmem>> -> memref<1x128xi32, #tpu.memory_space<vmem>>
      %dma_wait3A_133 = tpu.memref_squeeze %dma_wait3A_132 : memref<1x128xi32, #tpu.memory_space<vmem>> -> memref<128xi32, #tpu.memory_space<vmem>>
      %dma_wait3A_134 = arith.constant 0 : i32
      %dma_wait3A_135 = arith.constant 0 : i32
      %dma_wait3A_136 = tpu.memref_slice %arg2[%dma_wait3A_134, %dma_wait3A_135] : memref<10000x64xf32, #tpu.memory_space<hbm>> -> memref<10000x64xf32, #tpu.memory_space<hbm>>
      tpu.wait_indirect_dma semaphore(%arg10 : memref<!tpu.dma_semaphore, #tpu.memory_space<semaphore_mem>>) src(%dma_wait3A_136 : memref<10000x64xf32, #tpu.memory_space<hbm>>) dst(%dma_wait3A_130 : memref<128x64xf32, #tpu.memory_space<vmem>>)
      %add3A_137 = arith.constant 1 : i32
      %add3A_138 = arith.addi %mul3A_54, %add3A_137 : i32
      %dma_start3A_139 = arith.constant 128 : i32
      %dma_start3A_140 = arith.constant 0 : i32
      %dma_start3A_141 = tpu.memref_slice %arg8[%dma_start3A_139, %dma_start3A_140] : memref<640x64xf32, #tpu.memory_space<vmem>> -> memref<128x64xf32, #tpu.memory_space<vmem>>
      %dma_start3A_142 = arith.constant 0 : i32
      %dma_start3A_143 = tpu.memref_slice %arg7[%add3A_138, %dma_start3A_142] : memref<120x128xi32, #tpu.memory_space<vmem>> -> memref<1x128xi32, #tpu.memory_space<vmem>>
      %dma_start3A_144 = tpu.memref_squeeze %dma_start3A_143 : memref<1x128xi32, #tpu.memory_space<vmem>> -> memref<128xi32, #tpu.memory_space<vmem>>
      %dma_start3A_145 = arith.constant 0 : i32
      %dma_start3A_146 = arith.constant 0 : i32
      %dma_start3A_147 = tpu.memref_slice %arg24[%dma_start3A_145, %dma_start3A_146] : memref<10240x64xf32, #tpu.memory_space<vmem_shared>> -> memref<10240x64xf32, #tpu.memory_space<vmem_shared>>
      tpu.enqueue_indirect_dma source(%dma_start3A_141 : memref<128x64xf32, #tpu.memory_space<vmem>>) target(%dma_start3A_147 : memref<10240x64xf32, #tpu.memory_space<vmem_shared>>) offsets(%dma_start3A_144 : memref<128xi32, #tpu.memory_space<vmem>>) semaphore(%arg15 : memref<!tpu.dma_semaphore, #tpu.memory_space<semaphore_mem>>) {add = true}
      %dma_wait3A_148 = arith.constant 256 : i32
      %dma_wait3A_149 = arith.constant 0 : i32
      %dma_wait3A_150 = tpu.memref_slice %arg8[%dma_wait3A_148, %dma_wait3A_149] : memref<640x64xf32, #tpu.memory_space<vmem>> -> memref<128x64xf32, #tpu.memory_space<vmem>>
      %dma_wait3A_151 = arith.constant 0 : i32
      %dma_wait3A_152 = tpu.memref_slice %arg6[%add3A_77, %dma_wait3A_151] : memref<120x128xi32, #tpu.memory_space<vmem>> -> memref<1x128xi32, #tpu.memory_space<vmem>>
      %dma_wait3A_153 = tpu.memref_squeeze %dma_wait3A_152 : memref<1x128xi32, #tpu.memory_space<vmem>> -> memref<128xi32, #tpu.memory_space<vmem>>
      %dma_wait3A_154 = arith.constant 0 : i32
      %dma_wait3A_155 = arith.constant 0 : i32
      %dma_wait3A_156 = tpu.memref_slice %arg2[%dma_wait3A_154, %dma_wait3A_155] : memref<10000x64xf32, #tpu.memory_space<hbm>> -> memref<10000x64xf32, #tpu.memory_space<hbm>>
      tpu.wait_indirect_dma semaphore(%arg11 : memref<!tpu.dma_semaphore, #tpu.memory_space<semaphore_mem>>) src(%dma_wait3A_156 : memref<10000x64xf32, #tpu.memory_space<hbm>>) dst(%dma_wait3A_150 : memref<128x64xf32, #tpu.memory_space<vmem>>)
      %add3A_157 = arith.constant 2 : i32
      %add3A_158 = arith.addi %mul3A_54, %add3A_157 : i32
      %dma_start3A_159 = arith.constant 256 : i32
      %dma_start3A_160 = arith.constant 0 : i32
      %dma_start3A_161 = tpu.memref_slice %arg8[%dma_start3A_159, %dma_start3A_160] : memref<640x64xf32, #tpu.memory_space<vmem>> -> memref<128x64xf32, #tpu.memory_space<vmem>>
      %dma_start3A_162 = arith.constant 0 : i32
      %dma_start3A_163 = tpu.memref_slice %arg7[%add3A_158, %dma_start3A_162] : memref<120x128xi32, #tpu.memory_space<vmem>> -> memref<1x128xi32, #tpu.memory_space<vmem>>
      %dma_start3A_164 = tpu.memref_squeeze %dma_start3A_163 : memref<1x128xi32, #tpu.memory_space<vmem>> -> memref<128xi32, #tpu.memory_space<vmem>>
      %dma_start3A_165 = arith.constant 0 : i32
      %dma_start3A_166 = arith.constant 0 : i32
      %dma_start3A_167 = tpu.memref_slice %arg24[%dma_start3A_165, %dma_start3A_166] : memref<10240x64xf32, #tpu.memory_space<vmem_shared>> -> memref<10240x64xf32, #tpu.memory_space<vmem_shared>>
      tpu.enqueue_indirect_dma source(%dma_start3A_161 : memref<128x64xf32, #tpu.memory_space<vmem>>) target(%dma_start3A_167 : memref<10240x64xf32, #tpu.memory_space<vmem_shared>>) offsets(%dma_start3A_164 : memref<128xi32, #tpu.memory_space<vmem>>) semaphore(%arg16 : memref<!tpu.dma_semaphore, #tpu.memory_space<semaphore_mem>>) {add = true}
      %dma_wait3A_168 = arith.constant 384 : i32
      %dma_wait3A_169 = arith.constant 0 : i32
      %dma_wait3A_170 = tpu.memref_slice %arg8[%dma_wait3A_168, %dma_wait3A_169] : memref<640x64xf32, #tpu.memory_space<vmem>> -> memref<128x64xf32, #tpu.memory_space<vmem>>
      %dma_wait3A_171 = arith.constant 0 : i32
      %dma_wait3A_172 = tpu.memref_slice %arg6[%add3A_88, %dma_wait3A_171] : memref<120x128xi32, #tpu.memory_space<vmem>> -> memref<1x128xi32, #tpu.memory_space<vmem>>
      %dma_wait3A_173 = tpu.memref_squeeze %dma_wait3A_172 : memref<1x128xi32, #tpu.memory_space<vmem>> -> memref<128xi32, #tpu.memory_space<vmem>>
      %dma_wait3A_174 = arith.constant 0 : i32
      %dma_wait3A_175 = arith.constant 0 : i32
      %dma_wait3A_176 = tpu.memref_slice %arg2[%dma_wait3A_174, %dma_wait3A_175] : memref<10000x64xf32, #tpu.memory_space<hbm>> -> memref<10000x64xf32, #tpu.memory_space<hbm>>
      tpu.wait_indirect_dma semaphore(%arg12 : memref<!tpu.dma_semaphore, #tpu.memory_space<semaphore_mem>>) src(%dma_wait3A_176 : memref<10000x64xf32, #tpu.memory_space<hbm>>) dst(%dma_wait3A_170 : memref<128x64xf32, #tpu.memory_space<vmem>>)
      %add3A_177 = arith.constant 3 : i32
      %add3A_178 = arith.addi %mul3A_54, %add3A_177 : i32
      %dma_start3A_179 = arith.constant 384 : i32
      %dma_start3A_180 = arith.constant 0 : i32
      %dma_start3A_181 = tpu.memref_slice %arg8[%dma_start3A_179, %dma_start3A_180] : memref<640x64xf32, #tpu.memory_space<vmem>> -> memref<128x64xf32, #tpu.memory_space<vmem>>
      %dma_start3A_182 = arith.constant 0 : i32
      %dma_start3A_183 = tpu.memref_slice %arg7[%add3A_178, %dma_start3A_182] : memref<120x128xi32, #tpu.memory_space<vmem>> -> memref<1x128xi32, #tpu.memory_space<vmem>>
      %dma_start3A_184 = tpu.memref_squeeze %dma_start3A_183 : memref<1x128xi32, #tpu.memory_space<vmem>> -> memref<128xi32, #tpu.memory_space<vmem>>
      %dma_start3A_185 = arith.constant 0 : i32
      %dma_start3A_186 = arith.constant 0 : i32
      %dma_start3A_187 = tpu.memref_slice %arg24[%dma_start3A_185, %dma_start3A_186] : memref<10240x64xf32, #tpu.memory_space<vmem_shared>> -> memref<10240x64xf32, #tpu.memory_space<vmem_shared>>
      tpu.enqueue_indirect_dma source(%dma_start3A_181 : memref<128x64xf32, #tpu.memory_space<vmem>>) target(%dma_start3A_187 : memref<10240x64xf32, #tpu.memory_space<vmem_shared>>) offsets(%dma_start3A_184 : memref<128xi32, #tpu.memory_space<vmem>>) semaphore(%arg17 : memref<!tpu.dma_semaphore, #tpu.memory_space<semaphore_mem>>) {add = true}
      %dma_wait3A_188 = arith.constant 512 : i32
      %dma_wait3A_189 = arith.constant 0 : i32
      %dma_wait3A_190 = tpu.memref_slice %arg8[%dma_wait3A_188, %dma_wait3A_189] : memref<640x64xf32, #tpu.memory_space<vmem>> -> memref<128x64xf32, #tpu.memory_space<vmem>>
      %dma_wait3A_191 = arith.constant 0 : i32
      %dma_wait3A_192 = tpu.memref_slice %arg6[%add3A_99, %dma_wait3A_191] : memref<120x128xi32, #tpu.memory_space<vmem>> -> memref<1x128xi32, #tpu.memory_space<vmem>>
      %dma_wait3A_193 = tpu.memref_squeeze %dma_wait3A_192 : memref<1x128xi32, #tpu.memory_space<vmem>> -> memref<128xi32, #tpu.memory_space<vmem>>
      %dma_wait3A_194 = arith.constant 0 : i32
      %dma_wait3A_195 = arith.constant 0 : i32
      %dma_wait3A_196 = tpu.memref_slice %arg2[%dma_wait3A_194, %dma_wait3A_195] : memref<10000x64xf32, #tpu.memory_space<hbm>> -> memref<10000x64xf32, #tpu.memory_space<hbm>>
      tpu.wait_indirect_dma semaphore(%arg13 : memref<!tpu.dma_semaphore, #tpu.memory_space<semaphore_mem>>) src(%dma_wait3A_196 : memref<10000x64xf32, #tpu.memory_space<hbm>>) dst(%dma_wait3A_190 : memref<128x64xf32, #tpu.memory_space<vmem>>)
      %add3A_197 = arith.constant 4 : i32
      %add3A_198 = arith.addi %mul3A_54, %add3A_197 : i32
      %dma_start3A_199 = arith.constant 512 : i32
      %dma_start3A_200 = arith.constant 0 : i32
      %dma_start3A_201 = tpu.memref_slice %arg8[%dma_start3A_199, %dma_start3A_200] : memref<640x64xf32, #tpu.memory_space<vmem>> -> memref<128x64xf32, #tpu.memory_space<vmem>>
      %dma_start3A_202 = arith.constant 0 : i32
      %dma_start3A_203 = tpu.memref_slice %arg7[%add3A_198, %dma_start3A_202] : memref<120x128xi32, #tpu.memory_space<vmem>> -> memref<1x128xi32, #tpu.memory_space<vmem>>
      %dma_start3A_204 = tpu.memref_squeeze %dma_start3A_203 : memref<1x128xi32, #tpu.memory_space<vmem>> -> memref<128xi32, #tpu.memory_space<vmem>>
      %dma_start3A_205 = arith.constant 0 : i32
      %dma_start3A_206 = arith.constant 0 : i32
      %dma_start3A_207 = tpu.memref_slice %arg24[%dma_start3A_205, %dma_start3A_206] : memref<10240x64xf32, #tpu.memory_space<vmem_shared>> -> memref<10240x64xf32, #tpu.memory_space<vmem_shared>>
      tpu.enqueue_indirect_dma source(%dma_start3A_201 : memref<128x64xf32, #tpu.memory_space<vmem>>) target(%dma_start3A_207 : memref<10240x64xf32, #tpu.memory_space<vmem_shared>>) offsets(%dma_start3A_204 : memref<128xi32, #tpu.memory_space<vmem>>) semaphore(%arg18 : memref<!tpu.dma_semaphore, #tpu.memory_space<semaphore_mem>>) {add = true}
      %dma_wait3A_208 = arith.constant 0 : i32
      %dma_wait3A_209 = arith.constant 0 : i32
      %dma_wait3A_210 = tpu.memref_slice %arg8[%dma_wait3A_208, %dma_wait3A_209] : memref<640x64xf32, #tpu.memory_space<vmem>> -> memref<128x64xf32, #tpu.memory_space<vmem>>
      %dma_wait3A_211 = arith.constant 0 : i32
      %dma_wait3A_212 = tpu.memref_slice %arg7[%add3A_118, %dma_wait3A_211] : memref<120x128xi32, #tpu.memory_space<vmem>> -> memref<1x128xi32, #tpu.memory_space<vmem>>
      %dma_wait3A_213 = tpu.memref_squeeze %dma_wait3A_212 : memref<1x128xi32, #tpu.memory_space<vmem>> -> memref<128xi32, #tpu.memory_space<vmem>>
      %dma_wait3A_214 = arith.constant 0 : i32
      %dma_wait3A_215 = arith.constant 0 : i32
      %dma_wait3A_216 = tpu.memref_slice %arg24[%dma_wait3A_214, %dma_wait3A_215] : memref<10240x64xf32, #tpu.memory_space<vmem_shared>> -> memref<10240x64xf32, #tpu.memory_space<vmem_shared>>
      tpu.wait_indirect_dma semaphore(%arg14 : memref<!tpu.dma_semaphore, #tpu.memory_space<semaphore_mem>>) src(%dma_wait3A_210 : memref<128x64xf32, #tpu.memory_space<vmem>>) dst(%dma_wait3A_216 : memref<10240x64xf32, #tpu.memory_space<vmem_shared>>)
      %dma_wait3A_217 = arith.constant 128 : i32
      %dma_wait3A_218 = arith.constant 0 : i32
      %dma_wait3A_219 = tpu.memref_slice %arg8[%dma_wait3A_217, %dma_wait3A_218] : memref<640x64xf32, #tpu.memory_space<vmem>> -> memref<128x64xf32, #tpu.memory_space<vmem>>
      %dma_wait3A_220 = arith.constant 0 : i32
      %dma_wait3A_221 = tpu.memref_slice %arg7[%add3A_138, %dma_wait3A_220] : memref<120x128xi32, #tpu.memory_space<vmem>> -> memref<1x128xi32, #tpu.memory_space<vmem>>
      %dma_wait3A_222 = tpu.memref_squeeze %dma_wait3A_221 : memref<1x128xi32, #tpu.memory_space<vmem>> -> memref<128xi32, #tpu.memory_space<vmem>>
      %dma_wait3A_223 = arith.constant 0 : i32
      %dma_wait3A_224 = arith.constant 0 : i32
      %dma_wait3A_225 = tpu.memref_slice %arg24[%dma_wait3A_223, %dma_wait3A_224] : memref<10240x64xf32, #tpu.memory_space<vmem_shared>> -> memref<10240x64xf32, #tpu.memory_space<vmem_shared>>
      tpu.wait_indirect_dma semaphore(%arg15 : memref<!tpu.dma_semaphore, #tpu.memory_space<semaphore_mem>>) src(%dma_wait3A_219 : memref<128x64xf32, #tpu.memory_space<vmem>>) dst(%dma_wait3A_225 : memref<10240x64xf32, #tpu.memory_space<vmem_shared>>)
      %dma_wait3A_226 = arith.constant 256 : i32
      %dma_wait3A_227 = arith.constant 0 : i32
      %dma_wait3A_228 = tpu.memref_slice %arg8[%dma_wait3A_226, %dma_wait3A_227] : memref<640x64xf32, #tpu.memory_space<vmem>> -> memref<128x64xf32, #tpu.memory_space<vmem>>
      %dma_wait3A_229 = arith.constant 0 : i32
      %dma_wait3A_230 = tpu.memref_slice %arg7[%add3A_158, %dma_wait3A_229] : memref<120x128xi32, #tpu.memory_space<vmem>> -> memref<1x128xi32, #tpu.memory_space<vmem>>
      %dma_wait3A_231 = tpu.memref_squeeze %dma_wait3A_230 : memref<1x128xi32, #tpu.memory_space<vmem>> -> memref<128xi32, #tpu.memory_space<vmem>>
      %dma_wait3A_232 = arith.constant 0 : i32
      %dma_wait3A_233 = arith.constant 0 : i32
      %dma_wait3A_234 = tpu.memref_slice %arg24[%dma_wait3A_232, %dma_wait3A_233] : memref<10240x64xf32, #tpu.memory_space<vmem_shared>> -> memref<10240x64xf32, #tpu.memory_space<vmem_shared>>
      tpu.wait_indirect_dma semaphore(%arg16 : memref<!tpu.dma_semaphore, #tpu.memory_space<semaphore_mem>>) src(%dma_wait3A_228 : memref<128x64xf32, #tpu.memory_space<vmem>>) dst(%dma_wait3A_234 : memref<10240x64xf32, #tpu.memory_space<vmem_shared>>)
      %dma_wait3A_235 = arith.constant 384 : i32
      %dma_wait3A_236 = arith.constant 0 : i32
      %dma_wait3A_237 = tpu.memref_slice %arg8[%dma_wait3A_235, %dma_wait3A_236] : memref<640x64xf32, #tpu.memory_space<vmem>> -> memref<128x64xf32, #tpu.memory_space<vmem>>
      %dma_wait3A_238 = arith.constant 0 : i32
      %dma_wait3A_239 = tpu.memref_slice %arg7[%add3A_178, %dma_wait3A_238] : memref<120x128xi32, #tpu.memory_space<vmem>> -> memref<1x128xi32, #tpu.memory_space<vmem>>
      %dma_wait3A_240 = tpu.memref_squeeze %dma_wait3A_239 : memref<1x128xi32, #tpu.memory_space<vmem>> -> memref<128xi32, #tpu.memory_space<vmem>>
      %dma_wait3A_241 = arith.constant 0 : i32
      %dma_wait3A_242 = arith.constant 0 : i32
      %dma_wait3A_243 = tpu.memref_slice %arg24[%dma_wait3A_241, %dma_wait3A_242] : memref<10240x64xf32, #tpu.memory_space<vmem_shared>> -> memref<10240x64xf32, #tpu.memory_space<vmem_shared>>
      tpu.wait_indirect_dma semaphore(%arg17 : memref<!tpu.dma_semaphore, #tpu.memory_space<semaphore_mem>>) src(%dma_wait3A_237 : memref<128x64xf32, #tpu.memory_space<vmem>>) dst(%dma_wait3A_243 : memref<10240x64xf32, #tpu.memory_space<vmem_shared>>)
      %dma_wait3A_244 = arith.constant 512 : i32
      %dma_wait3A_245 = arith.constant 0 : i32
      %dma_wait3A_246 = tpu.memref_slice %arg8[%dma_wait3A_244, %dma_wait3A_245] : memref<640x64xf32, #tpu.memory_space<vmem>> -> memref<128x64xf32, #tpu.memory_space<vmem>>
      %dma_wait3A_247 = arith.constant 0 : i32
      %dma_wait3A_248 = tpu.memref_slice %arg7[%add3A_198, %dma_wait3A_247] : memref<120x128xi32, #tpu.memory_space<vmem>> -> memref<1x128xi32, #tpu.memory_space<vmem>>
      %dma_wait3A_249 = tpu.memref_squeeze %dma_wait3A_248 : memref<1x128xi32, #tpu.memory_space<vmem>> -> memref<128xi32, #tpu.memory_space<vmem>>
      %dma_wait3A_250 = arith.constant 0 : i32
      %dma_wait3A_251 = arith.constant 0 : i32
      %dma_wait3A_252 = tpu.memref_slice %arg24[%dma_wait3A_250, %dma_wait3A_251] : memref<10240x64xf32, #tpu.memory_space<vmem_shared>> -> memref<10240x64xf32, #tpu.memory_space<vmem_shared>>
      tpu.wait_indirect_dma semaphore(%arg18 : memref<!tpu.dma_semaphore, #tpu.memory_space<semaphore_mem>>) src(%dma_wait3A_246 : memref<128x64xf32, #tpu.memory_space<vmem>>) dst(%dma_wait3A_252 : memref<10240x64xf32, #tpu.memory_space<vmem_shared>>)
      %while3A_253 = arith.constant 0 : i32
      scf.yield %while3A_253 : i32
    }
    %while3A_45 = arith.constant 1 : i32
    %while3A_46 = scf.for %while3A_51 = %while3A_42 to %while3A_38 step %while3A_45 iter_args(%while3A_52 = %while3A_44) -> (i32)  : i32 {
      %mul3A_53 = arith.constant 5 : i32
      %mul3A_54 = arith.muli %while3A_51, %mul3A_53 : i32
      %add3A_55 = arith.constant 0 : i32
      %add3A_56 = arith.addi %mul3A_54, %add3A_55 : i32
      %dma_start3A = arith.constant 0 : i32
      %dma_start3A_57 = arith.constant 0 : i32
      %dma_start3A_58 = tpu.memref_slice %arg8[%dma_start3A, %dma_start3A_57] : memref<640x64xf32, #tpu.memory_space<vmem>> -> memref<128x64xf32, #tpu.memory_space<vmem>>
      %dma_start3A_59 = arith.constant 0 : i32
      %dma_start3A_60 = tpu.memref_slice %arg6[%add3A_56, %dma_start3A_59] : memref<120x128xi32, #tpu.memory_space<vmem>> -> memref<1x128xi32, #tpu.memory_space<vmem>>
      %dma_start3A_61 = tpu.memref_squeeze %dma_start3A_60 : memref<1x128xi32, #tpu.memory_space<vmem>> -> memref<128xi32, #tpu.memory_space<vmem>>
      %dma_start3A_62 = arith.constant 0 : i32
      %dma_start3A_63 = arith.constant 0 : i32
      %dma_start3A_64 = tpu.memref_slice %arg2[%dma_start3A_62, %dma_start3A_63] : memref<10000x64xf32, #tpu.memory_space<hbm>> -> memref<10000x64xf32, #tpu.memory_space<hbm>>
      tpu.enqueue_indirect_dma source(%dma_start3A_64 : memref<10000x64xf32, #tpu.memory_space<hbm>>) target(%dma_start3A_58 : memref<128x64xf32, #tpu.memory_space<vmem>>) offsets(%dma_start3A_61 : memref<128xi32, #tpu.memory_space<vmem>>) semaphore(%arg9 : memref<!tpu.dma_semaphore, #tpu.memory_space<semaphore_mem>>)
      %add3A_65 = arith.constant 1 : i32
      %add3A_66 = arith.addi %mul3A_54, %add3A_65 : i32
      %dma_start3A_67 = arith.constant 128 : i32
      %dma_start3A_68 = arith.constant 0 : i32
      %dma_start3A_69 = tpu.memref_slice %arg8[%dma_start3A_67, %dma_start3A_68] : memref<640x64xf32, #tpu.memory_space<vmem>> -> memref<128x64xf32, #tpu.memory_space<vmem>>
      %dma_start3A_70 = arith.constant 0 : i32
      %dma_start3A_71 = tpu.memref_slice %arg6[%add3A_66, %dma_start3A_70] : memref<120x128xi32, #tpu.memory_space<vmem>> -> memref<1x128xi32, #tpu.memory_space<vmem>>
      %dma_start3A_72 = tpu.memref_squeeze %dma_start3A_71 : memref<1x128xi32, #tpu.memory_space<vmem>> -> memref<128xi32, #tpu.memory_space<vmem>>
      %dma_start3A_73 = arith.constant 0 : i32
      %dma_start3A_74 = arith.constant 0 : i32
      %dma_start3A_75 = tpu.memref_slice %arg2[%dma_start3A_73, %dma_start3A_74] : memref<10000x64xf32, #tpu.memory_space<hbm>> -> memref<10000x64xf32, #tpu.memory_space<hbm>>
      tpu.enqueue_indirect_dma source(%dma_start3A_75 : memref<10000x64xf32, #tpu.memory_space<hbm>>) target(%dma_start3A_69 : memref<128x64xf32, #tpu.memory_space<vmem>>) offsets(%dma_start3A_72 : memref<128xi32, #tpu.memory_space<vmem>>) semaphore(%arg10 : memref<!tpu.dma_semaphore, #tpu.memory_space<semaphore_mem>>)
      %add3A_76 = arith.constant 2 : i32
      %add3A_77 = arith.addi %mul3A_54, %add3A_76 : i32
      %dma_start3A_78 = arith.constant 256 : i32
      %dma_start3A_79 = arith.constant 0 : i32
      %dma_start3A_80 = tpu.memref_slice %arg8[%dma_start3A_78, %dma_start3A_79] : memref<640x64xf32, #tpu.memory_space<vmem>> -> memref<128x64xf32, #tpu.memory_space<vmem>>
      %dma_start3A_81 = arith.constant 0 : i32
      %dma_start3A_82 = tpu.memref_slice %arg6[%add3A_77, %dma_start3A_81] : memref<120x128xi32, #tpu.memory_space<vmem>> -> memref<1x128xi32, #tpu.memory_space<vmem>>
      %dma_start3A_83 = tpu.memref_squeeze %dma_start3A_82 : memref<1x128xi32, #tpu.memory_space<vmem>> -> memref<128xi32, #tpu.memory_space<vmem>>
      %dma_start3A_84 = arith.constant 0 : i32
      %dma_start3A_85 = arith.constant 0 : i32
      %dma_start3A_86 = tpu.memref_slice %arg2[%dma_start3A_84, %dma_start3A_85] : memref<10000x64xf32, #tpu.memory_space<hbm>> -> memref<10000x64xf32, #tpu.memory_space<hbm>>
      tpu.enqueue_indirect_dma source(%dma_start3A_86 : memref<10000x64xf32, #tpu.memory_space<hbm>>) target(%dma_start3A_80 : memref<128x64xf32, #tpu.memory_space<vmem>>) offsets(%dma_start3A_83 : memref<128xi32, #tpu.memory_space<vmem>>) semaphore(%arg11 : memref<!tpu.dma_semaphore, #tpu.memory_space<semaphore_mem>>)
      %add3A_87 = arith.constant 3 : i32
      %add3A_88 = arith.addi %mul3A_54, %add3A_87 : i32
      %dma_start3A_89 = arith.constant 384 : i32
      %dma_start3A_90 = arith.constant 0 : i32
      %dma_start3A_91 = tpu.memref_slice %arg8[%dma_start3A_89, %dma_start3A_90] : memref<640x64xf32, #tpu.memory_space<vmem>> -> memref<128x64xf32, #tpu.memory_space<vmem>>
      %dma_start3A_92 = arith.constant 0 : i32
      %dma_start3A_93 = tpu.memref_slice %arg6[%add3A_88, %dma_start3A_92] : memref<120x128xi32, #tpu.memory_space<vmem>> -> memref<1x128xi32, #tpu.memory_space<vmem>>
      %dma_start3A_94 = tpu.memref_squeeze %dma_start3A_93 : memref<1x128xi32, #tpu.memory_space<vmem>> -> memref<128xi32, #tpu.memory_space<vmem>>
      %dma_start3A_95 = arith.constant 0 : i32
      %dma_start3A_96 = arith.constant 0 : i32
      %dma_start3A_97 = tpu.memref_slice %arg2[%dma_start3A_95, %dma_start3A_96] : memref<10000x64xf32, #tpu.memory_space<hbm>> -> memref<10000x64xf32, #tpu.memory_space<hbm>>
      tpu.enqueue_indirect_dma source(%dma_start3A_97 : memref<10000x64xf32, #tpu.memory_space<hbm>>) target(%dma_start3A_91 : memref<128x64xf32, #tpu.memory_space<vmem>>) offsets(%dma_start3A_94 : memref<128xi32, #tpu.memory_space<vmem>>) semaphore(%arg12 : memref<!tpu.dma_semaphore, #tpu.memory_space<semaphore_mem>>)
      %add3A_98 = arith.constant 4 : i32
      %add3A_99 = arith.addi %mul3A_54, %add3A_98 : i32
      %dma_start3A_100 = arith.constant 512 : i32
      %dma_start3A_101 = arith.constant 0 : i32
      %dma_start3A_102 = tpu.memref_slice %arg8[%dma_start3A_100, %dma_start3A_101] : memref<640x64xf32, #tpu.memory_space<vmem>> -> memref<128x64xf32, #tpu.memory_space<vmem>>
      %dma_start3A_103 = arith.constant 0 : i32
      %dma_start3A_104 = tpu.memref_slice %arg6[%add3A_99, %dma_start3A_103] : memref<120x128xi32, #tpu.memory_space<vmem>> -> memref<1x128xi32, #tpu.memory_space<vmem>>
      %dma_start3A_105 = tpu.memref_squeeze %dma_start3A_104 : memref<1x128xi32, #tpu.memory_space<vmem>> -> memref<128xi32, #tpu.memory_space<vmem>>
      %dma_start3A_106 = arith.constant 0 : i32
      %dma_start3A_107 = arith.constant 0 : i32
      %dma_start3A_108 = tpu.memref_slice %arg2[%dma_start3A_106, %dma_start3A_107] : memref<10000x64xf32, #tpu.memory_space<hbm>> -> memref<10000x64xf32, #tpu.memory_space<hbm>>
      tpu.enqueue_indirect_dma source(%dma_start3A_108 : memref<10000x64xf32, #tpu.memory_space<hbm>>) target(%dma_start3A_102 : memref<128x64xf32, #tpu.memory_space<vmem>>) offsets(%dma_start3A_105 : memref<128xi32, #tpu.memory_space<vmem>>) semaphore(%arg13 : memref<!tpu.dma_semaphore, #tpu.memory_space<semaphore_mem>>)
      %dma_wait3A = arith.constant 0 : i32
      %dma_wait3A_109 = arith.constant 0 : i32
      %dma_wait3A_110 = tpu.memref_slice %arg8[%dma_wait3A, %dma_wait3A_109] : memref<640x64xf32, #tpu.memory_space<vmem>> -> memref<128x64xf32, #tpu.memory_space<vmem>>
      %dma_wait3A_111 = arith.constant 0 : i32
      %dma_wait3A_112 = tpu.memref_slice %arg6[%add3A_56, %dma_wait3A_111] : memref<120x128xi32, #tpu.memory_space<vmem>> -> memref<1x128xi32, #tpu.memory_space<vmem>>
      %dma_wait3A_113 = tpu.memref_squeeze %dma_wait3A_112 : memref<1x128xi32, #tpu.memory_space<vmem>> -> memref<128xi32, #tpu.memory_space<vmem>>
      %dma_wait3A_114 = arith.constant 0 : i32
      %dma_wait3A_115 = arith.constant 0 : i32
      %dma_wait3A_116 = tpu.memref_slice %arg2[%dma_wait3A_114, %dma_wait3A_115] : memref<10000x64xf32, #tpu.memory_space<hbm>> -> memref<10000x64xf32, #tpu.memory_space<hbm>>
      tpu.wait_indirect_dma semaphore(%arg9 : memref<!tpu.dma_semaphore, #tpu.memory_space<semaphore_mem>>) src(%dma_wait3A_116 : memref<10000x64xf32, #tpu.memory_space<hbm>>) dst(%dma_wait3A_110 : memref<128x64xf32, #tpu.memory_space<vmem>>)
      %add3A_117 = arith.constant 0 : i32
      %add3A_118 = arith.addi %mul3A_54, %add3A_117 : i32
      %dma_start3A_119 = arith.constant 0 : i32
      %dma_start3A_120 = arith.constant 0 : i32
      %dma_start3A_121 = tpu.memref_slice %arg8[%dma_start3A_119, %dma_start3A_120] : memref<640x64xf32, #tpu.memory_space<vmem>> -> memref<128x64xf32, #tpu.memory_space<vmem>>
      %dma_start3A_122 = arith.constant 0 : i32
      %dma_start3A_123 = tpu.memref_slice %arg7[%add3A_118, %dma_start3A_122] : memref<120x128xi32, #tpu.memory_space<vmem>> -> memref<1x128xi32, #tpu.memory_space<vmem>>
      %dma_start3A_124 = tpu.memref_squeeze %dma_start3A_123 : memref<1x128xi32, #tpu.memory_space<vmem>> -> memref<128xi32, #tpu.memory_space<vmem>>
      %dma_start3A_125 = arith.constant 0 : i32
      %dma_start3A_126 = arith.constant 0 : i32
      %dma_start3A_127 = tpu.memref_slice %arg24[%dma_start3A_125, %dma_start3A_126] : memref<10240x64xf32, #tpu.memory_space<vmem_shared>> -> memref<10240x64xf32, #tpu.memory_space<vmem_shared>>
      tpu.enqueue_indirect_dma source(%dma_start3A_121 : memref<128x64xf32, #tpu.memory_space<vmem>>) target(%dma_start3A_127 : memref<10240x64xf32, #tpu.memory_space<vmem_shared>>) offsets(%dma_start3A_124 : memref<128xi32, #tpu.memory_space<vmem>>) semaphore(%arg14 : memref<!tpu.dma_semaphore, #tpu.memory_space<semaphore_mem>>) {add = true}
      %dma_wait3A_128 = arith.constant 128 : i32
      %dma_wait3A_129 = arith.constant 0 : i32
      %dma_wait3A_130 = tpu.memref_slice %arg8[%dma_wait3A_128, %dma_wait3A_129] : memref<640x64xf32, #tpu.memory_space<vmem>> -> memref<128x64xf32, #tpu.memory_space<vmem>>
      %dma_wait3A_131 = arith.constant 0 : i32
      %dma_wait3A_132 = tpu.memref_slice %arg6[%add3A_66, %dma_wait3A_131] : memref<120x128xi32, #tpu.memory_space<vmem>> -> memref<1x128xi32, #tpu.memory_space<vmem>>
      %dma_wait3A_133 = tpu.memref_squeeze %dma_wait3A_132 : memref<1x128xi32, #tpu.memory_space<vmem>> -> memref<128xi32, #tpu.memory_space<vmem>>
      %dma_wait3A_134 = arith.constant 0 : i32
      %dma_wait3A_135 = arith.constant 0 : i32
      %dma_wait3A_136 = tpu.memref_slice %arg2[%dma_wait3A_134, %dma_wait3A_135] : memref<10000x64xf32, #tpu.memory_space<hbm>> -> memref<10000x64xf32, #tpu.memory_space<hbm>>
      tpu.wait_indirect_dma semaphore(%arg10 : memref<!tpu.dma_semaphore, #tpu.memory_space<semaphore_mem>>) src(%dma_wait3A_136 : memref<10000x64xf32, #tpu.memory_space<hbm>>) dst(%dma_wait3A_130 : memref<128x64xf32, #tpu.memory_space<vmem>>)
      %add3A_137 = arith.constant 1 : i32
      %add3A_138 = arith.addi %mul3A_54, %add3A_137 : i32
      %dma_start3A_139 = arith.constant 128 : i32
      %dma_start3A_140 = arith.constant 0 : i32
      %dma_start3A_141 = tpu.memref_slice %arg8[%dma_start3A_139, %dma_start3A_140] : memref<640x64xf32, #tpu.memory_space<vmem>> -> memref<128x64xf32, #tpu.memory_space<vmem>>
      %dma_start3A_142 = arith.constant 0 : i32
      %dma_start3A_143 = tpu.memref_slice %arg7[%add3A_138, %dma_start3A_142] : memref<120x128xi32, #tpu.memory_space<vmem>> -> memref<1x128xi32, #tpu.memory_space<vmem>>
      %dma_start3A_144 = tpu.memref_squeeze %dma_start3A_143 : memref<1x128xi32, #tpu.memory_space<vmem>> -> memref<128xi32, #tpu.memory_space<vmem>>
      %dma_start3A_145 = arith.constant 0 : i32
      %dma_start3A_146 = arith.constant 0 : i32
      %dma_start3A_147 = tpu.memref_slice %arg24[%dma_start3A_145, %dma_start3A_146] : memref<10240x64xf32, #tpu.memory_space<vmem_shared>> -> memref<10240x64xf32, #tpu.memory_space<vmem_shared>>
      tpu.enqueue_indirect_dma source(%dma_start3A_141 : memref<128x64xf32, #tpu.memory_space<vmem>>) target(%dma_start3A_147 : memref<10240x64xf32, #tpu.memory_space<vmem_shared>>) offsets(%dma_start3A_144 : memref<128xi32, #tpu.memory_space<vmem>>) semaphore(%arg15 : memref<!tpu.dma_semaphore, #tpu.memory_space<semaphore_mem>>) {add = true}
      %dma_wait3A_148 = arith.constant 256 : i32
      %dma_wait3A_149 = arith.constant 0 : i32
      %dma_wait3A_150 = tpu.memref_slice %arg8[%dma_wait3A_148, %dma_wait3A_149] : memref<640x64xf32, #tpu.memory_space<vmem>> -> memref<128x64xf32, #tpu.memory_space<vmem>>
      %dma_wait3A_151 = arith.constant 0 : i32
      %dma_wait3A_152 = tpu.memref_slice %arg6[%add3A_77, %dma_wait3A_151] : memref<120x128xi32, #tpu.memory_space<vmem>> -> memref<1x128xi32, #tpu.memory_space<vmem>>
      %dma_wait3A_153 = tpu.memref_squeeze %dma_wait3A_152 : memref<1x128xi32, #tpu.memory_space<vmem>> -> memref<128xi32, #tpu.memory_space<vmem>>
      %dma_wait3A_154 = arith.constant 0 : i32
      %dma_wait3A_155 = arith.constant 0 : i32
      %dma_wait3A_156 = tpu.memref_slice %arg2[%dma_wait3A_154, %dma_wait3A_155] : memref<10000x64xf32, #tpu.memory_space<hbm>> -> memref<10000x64xf32, #tpu.memory_space<hbm>>
      tpu.wait_indirect_dma semaphore(%arg11 : memref<!tpu.dma_semaphore, #tpu.memory_space<semaphore_mem>>) src(%dma_wait3A_156 : memref<10000x64xf32, #tpu.memory_space<hbm>>) dst(%dma_wait3A_150 : memref<128x64xf32, #tpu.memory_space<vmem>>)
      %add3A_157 = arith.constant 2 : i32
      %add3A_158 = arith.addi %mul3A_54, %add3A_157 : i32
      %dma_start3A_159 = arith.constant 256 : i32
      %dma_start3A_160 = arith.constant 0 : i32
      %dma_start3A_161 = tpu.memref_slice %arg8[%dma_start3A_159, %dma_start3A_160] : memref<640x64xf32, #tpu.memory_space<vmem>> -> memref<128x64xf32, #tpu.memory_space<vmem>>
      %dma_start3A_162 = arith.constant 0 : i32
      %dma_start3A_163 = tpu.memref_slice %arg7[%add3A_158, %dma_start3A_162] : memref<120x128xi32, #tpu.memory_space<vmem>> -> memref<1x128xi32, #tpu.memory_space<vmem>>
      %dma_start3A_164 = tpu.memref_squeeze %dma_start3A_163 : memref<1x128xi32, #tpu.memory_space<vmem>> -> memref<128xi32, #tpu.memory_space<vmem>>
      %dma_start3A_165 = arith.constant 0 : i32
      %dma_start3A_166 = arith.constant 0 : i32
      %dma_start3A_167 = tpu.memref_slice %arg24[%dma_start3A_165, %dma_start3A_166] : memref<10240x64xf32, #tpu.memory_space<vmem_shared>> -> memref<10240x64xf32, #tpu.memory_space<vmem_shared>>
      tpu.enqueue_indirect_dma source(%dma_start3A_161 : memref<128x64xf32, #tpu.memory_space<vmem>>) target(%dma_start3A_167 : memref<10240x64xf32, #tpu.memory_space<vmem_shared>>) offsets(%dma_start3A_164 : memref<128xi32, #tpu.memory_space<vmem>>) semaphore(%arg16 : memref<!tpu.dma_semaphore, #tpu.memory_space<semaphore_mem>>) {add = true}
      %dma_wait3A_168 = arith.constant 384 : i32
      %dma_wait3A_169 = arith.constant 0 : i32
      %dma_wait3A_170 = tpu.memref_slice %arg8[%dma_wait3A_168, %dma_wait3A_169] : memref<640x64xf32, #tpu.memory_space<vmem>> -> memref<128x64xf32, #tpu.memory_space<vmem>>
      %dma_wait3A_171 = arith.constant 0 : i32
      %dma_wait3A_172 = tpu.memref_slice %arg6[%add3A_88, %dma_wait3A_171] : memref<120x128xi32, #tpu.memory_space<vmem>> -> memref<1x128xi32, #tpu.memory_space<vmem>>
      %dma_wait3A_173 = tpu.memref_squeeze %dma_wait3A_172 : memref<1x128xi32, #tpu.memory_space<vmem>> -> memref<128xi32, #tpu.memory_space<vmem>>
      %dma_wait3A_174 = arith.constant 0 : i32
      %dma_wait3A_175 = arith.constant 0 : i32
      %dma_wait3A_176 = tpu.memref_slice %arg2[%dma_wait3A_174, %dma_wait3A_175] : memref<10000x64xf32, #tpu.memory_space<hbm>> -> memref<10000x64xf32, #tpu.memory_space<hbm>>
      tpu.wait_indirect_dma semaphore(%arg12 : memref<!tpu.dma_semaphore, #tpu.memory_space<semaphore_mem>>) src(%dma_wait3A_176 : memref<10000x64xf32, #tpu.memory_space<hbm>>) dst(%dma_wait3A_170 : memref<128x64xf32, #tpu.memory_space<vmem>>)
      %add3A_177 = arith.constant 3 : i32
      %add3A_178 = arith.addi %mul3A_54, %add3A_177 : i32
      %dma_start3A_179 = arith.constant 384 : i32
      %dma_start3A_180 = arith.constant 0 : i32
      %dma_start3A_181 = tpu.memref_slice %arg8[%dma_start3A_179, %dma_start3A_180] : memref<640x64xf32, #tpu.memory_space<vmem>> -> memref<128x64xf32, #tpu.memory_space<vmem>>
      %dma_start3A_182 = arith.constant 0 : i32
      %dma_start3A_183 = tpu.memref_slice %arg7[%add3A_178, %dma_start3A_182] : memref<120x128xi32, #tpu.memory_space<vmem>> -> memref<1x128xi32, #tpu.memory_space<vmem>>
      %dma_start3A_184 = tpu.memref_squeeze %dma_start3A_183 : memref<1x128xi32, #tpu.memory_space<vmem>> -> memref<128xi32, #tpu.memory_space<vmem>>
      %dma_start3A_185 = arith.constant 0 : i32
      %dma_start3A_186 = arith.constant 0 : i32
      %dma_start3A_187 = tpu.memref_slice %arg24[%dma_start3A_185, %dma_start3A_186] : memref<10240x64xf32, #tpu.memory_space<vmem_shared>> -> memref<10240x64xf32, #tpu.memory_space<vmem_shared>>
      tpu.enqueue_indirect_dma source(%dma_start3A_181 : memref<128x64xf32, #tpu.memory_space<vmem>>) target(%dma_start3A_187 : memref<10240x64xf32, #tpu.memory_space<vmem_shared>>) offsets(%dma_start3A_184 : memref<128xi32, #tpu.memory_space<vmem>>) semaphore(%arg17 : memref<!tpu.dma_semaphore, #tpu.memory_space<semaphore_mem>>) {add = true}
      %dma_wait3A_188 = arith.constant 512 : i32
      %dma_wait3A_189 = arith.constant 0 : i32
      %dma_wait3A_190 = tpu.memref_slice %arg8[%dma_wait3A_188, %dma_wait3A_189] : memref<640x64xf32, #tpu.memory_space<vmem>> -> memref<128x64xf32, #tpu.memory_space<vmem>>
      %dma_wait3A_191 = arith.constant 0 : i32
      %dma_wait3A_192 = tpu.memref_slice %arg6[%add3A_99, %dma_wait3A_191] : memref<120x128xi32, #tpu.memory_space<vmem>> -> memref<1x128xi32, #tpu.memory_space<vmem>>
      %dma_wait3A_193 = tpu.memref_squeeze %dma_wait3A_192 : memref<1x128xi32, #tpu.memory_space<vmem>> -> memref<128xi32, #tpu.memory_space<vmem>>
      %dma_wait3A_194 = arith.constant 0 : i32
      %dma_wait3A_195 = arith.constant 0 : i32
      %dma_wait3A_196 = tpu.memref_slice %arg2[%dma_wait3A_194, %dma_wait3A_195] : memref<10000x64xf32, #tpu.memory_space<hbm>> -> memref<10000x64xf32, #tpu.memory_space<hbm>>
      tpu.wait_indirect_dma semaphore(%arg13 : memref<!tpu.dma_semaphore, #tpu.memory_space<semaphore_mem>>) src(%dma_wait3A_196 : memref<10000x64xf32, #tpu.memory_space<hbm>>) dst(%dma_wait3A_190 : memref<128x64xf32, #tpu.memory_space<vmem>>)
      %add3A_197 = arith.constant 4 : i32
      %add3A_198 = arith.addi %mul3A_54, %add3A_197 : i32
      %dma_start3A_199 = arith.constant 512 : i32
      %dma_start3A_200 = arith.constant 0 : i32
      %dma_start3A_201 = tpu.memref_slice %arg8[%dma_start3A_199, %dma_start3A_200] : memref<640x64xf32, #tpu.memory_space<vmem>> -> memref<128x64xf32, #tpu.memory_space<vmem>>
      %dma_start3A_202 = arith.constant 0 : i32
      %dma_start3A_203 = tpu.memref_slice %arg7[%add3A_198, %dma_start3A_202] : memref<120x128xi32, #tpu.memory_space<vmem>> -> memref<1x128xi32, #tpu.memory_space<vmem>>
      %dma_start3A_204 = tpu.memref_squeeze %dma_start3A_203 : memref<1x128xi32, #tpu.memory_space<vmem>> -> memref<128xi32, #tpu.memory_space<vmem>>
      %dma_start3A_205 = arith.constant 0 : i32
      %dma_start3A_206 = arith.constant 0 : i32
      %dma_start3A_207 = tpu.memref_slice %arg24[%dma_start3A_205, %dma_start3A_206] : memref<10240x64xf32, #tpu.memory_space<vmem_shared>> -> memref<10240x64xf32, #tpu.memory_space<vmem_shared>>
      tpu.enqueue_indirect_dma source(%dma_start3A_201 : memref<128x64xf32, #tpu.memory_space<vmem>>) target(%dma_start3A_207 : memref<10240x64xf32, #tpu.memory_space<vmem_shared>>) offsets(%dma_start3A_204 : memref<128xi32, #tpu.memory_space<vmem>>) semaphore(%arg18 : memref<!tpu.dma_semaphore, #tpu.memory_space<semaphore_mem>>) {add = true}
      %dma_wait3A_208 = arith.constant 0 : i32
      %dma_wait3A_209 = arith.constant 0 : i32
      %dma_wait3A_210 = tpu.memref_slice %arg8[%dma_wait3A_208, %dma_wait3A_209] : memref<640x64xf32, #tpu.memory_space<vmem>> -> memref<128x64xf32, #tpu.memory_space<vmem>>
      %dma_wait3A_211 = arith.constant 0 : i32
      %dma_wait3A_212 = tpu.memref_slice %arg7[%add3A_118, %dma_wait3A_211] : memref<120x128xi32, #tpu.memory_space<vmem>> -> memref<1x128xi32, #tpu.memory_space<vmem>>
      %dma_wait3A_213 = tpu.memref_squeeze %dma_wait3A_212 : memref<1x128xi32, #tpu.memory_space<vmem>> -> memref<128xi32, #tpu.memory_space<vmem>>
      %dma_wait3A_214 = arith.constant 0 : i32
      %dma_wait3A_215 = arith.constant 0 : i32
      %dma_wait3A_216 = tpu.memref_slice %arg24[%dma_wait3A_214, %dma_wait3A_215] : memref<10240x64xf32, #tpu.memory_space<vmem_shared>> -> memref<10240x64xf32, #tpu.memory_space<vmem_shared>>
      tpu.wait_indirect_dma semaphore(%arg14 : memref<!tpu.dma_semaphore, #tpu.memory_space<semaphore_mem>>) src(%dma_wait3A_210 : memref<128x64xf32, #tpu.memory_space<vmem>>) dst(%dma_wait3A_216 : memref<10240x64xf32, #tpu.memory_space<vmem_shared>>)
      %dma_wait3A_217 = arith.constant 128 : i32
      %dma_wait3A_218 = arith.constant 0 : i32
      %dma_wait3A_219 = tpu.memref_slice %arg8[%dma_wait3A_217, %dma_wait3A_218] : memref<640x64xf32, #tpu.memory_space<vmem>> -> memref<128x64xf32, #tpu.memory_space<vmem>>
      %dma_wait3A_220 = arith.constant 0 : i32
      %dma_wait3A_221 = tpu.memref_slice %arg7[%add3A_138, %dma_wait3A_220] : memref<120x128xi32, #tpu.memory_space<vmem>> -> memref<1x128xi32, #tpu.memory_space<vmem>>
      %dma_wait3A_222 = tpu.memref_squeeze %dma_wait3A_221 : memref<1x128xi32, #tpu.memory_space<vmem>> -> memref<128xi32, #tpu.memory_space<vmem>>
      %dma_wait3A_223 = arith.constant 0 : i32
      %dma_wait3A_224 = arith.constant 0 : i32
      %dma_wait3A_225 = tpu.memref_slice %arg24[%dma_wait3A_223, %dma_wait3A_224] : memref<10240x64xf32, #tpu.memory_space<vmem_shared>> -> memref<10240x64xf32, #tpu.memory_space<vmem_shared>>
      tpu.wait_indirect_dma semaphore(%arg15 : memref<!tpu.dma_semaphore, #tpu.memory_space<semaphore_mem>>) src(%dma_wait3A_219 : memref<128x64xf32, #tpu.memory_space<vmem>>) dst(%dma_wait3A_225 : memref<10240x64xf32, #tpu.memory_space<vmem_shared>>)
      %dma_wait3A_226 = arith.constant 256 : i32
      %dma_wait3A_227 = arith.constant 0 : i32
      %dma_wait3A_228 = tpu.memref_slice %arg8[%dma_wait3A_226, %dma_wait3A_227] : memref<640x64xf32, #tpu.memory_space<vmem>> -> memref<128x64xf32, #tpu.memory_space<vmem>>
      %dma_wait3A_229 = arith.constant 0 : i32
      %dma_wait3A_230 = tpu.memref_slice %arg7[%add3A_158, %dma_wait3A_229] : memref<120x128xi32, #tpu.memory_space<vmem>> -> memref<1x128xi32, #tpu.memory_space<vmem>>
      %dma_wait3A_231 = tpu.memref_squeeze %dma_wait3A_230 : memref<1x128xi32, #tpu.memory_space<vmem>> -> memref<128xi32, #tpu.memory_space<vmem>>
      %dma_wait3A_232 = arith.constant 0 : i32
      %dma_wait3A_233 = arith.constant 0 : i32
      %dma_wait3A_234 = tpu.memref_slice %arg24[%dma_wait3A_232, %dma_wait3A_233] : memref<10240x64xf32, #tpu.memory_space<vmem_shared>> -> memref<10240x64xf32, #tpu.memory_space<vmem_shared>>
      tpu.wait_indirect_dma semaphore(%arg16 : memref<!tpu.dma_semaphore, #tpu.memory_space<semaphore_mem>>) src(%dma_wait3A_228 : memref<128x64xf32, #tpu.memory_space<vmem>>) dst(%dma_wait3A_234 : memref<10240x64xf32, #tpu.memory_space<vmem_shared>>)
      %dma_wait3A_235 = arith.constant 384 : i32
      %dma_wait3A_236 = arith.constant 0 : i32
      %dma_wait3A_237 = tpu.memref_slice %arg8[%dma_wait3A_235, %dma_wait3A_236] : memref<640x64xf32, #tpu.memory_space<vmem>> -> memref<128x64xf32, #tpu.memory_space<vmem>>
      %dma_wait3A_238 = arith.constant 0 : i32
      %dma_wait3A_239 = tpu.memref_slice %arg7[%add3A_178, %dma_wait3A_238] : memref<120x128xi32, #tpu.memory_space<vmem>> -> memref<1x128xi32, #tpu.memory_space<vmem>>
      %dma_wait3A_240 = tpu.memref_squeeze %dma_wait3A_239 : memref<1x128xi32, #tpu.memory_space<vmem>> -> memref<128xi32, #tpu.memory_space<vmem>>
      %dma_wait3A_241 = arith.constant 0 : i32
      %dma_wait3A_242 = arith.constant 0 : i32
      %dma_wait3A_243 = tpu.memref_slice %arg24[%dma_wait3A_241, %dma_wait3A_242] : memref<10240x64xf32, #tpu.memory_space<vmem_shared>> -> memref<10240x64xf32, #tpu.memory_space<vmem_shared>>
      tpu.wait_indirect_dma semaphore(%arg17 : memref<!tpu.dma_semaphore, #tpu.memory_space<semaphore_mem>>) src(%dma_wait3A_237 : memref<128x64xf32, #tpu.memory_space<vmem>>) dst(%dma_wait3A_243 : memref<10240x64xf32, #tpu.memory_space<vmem_shared>>)
      %dma_wait3A_244 = arith.constant 512 : i32
      %dma_wait3A_245 = arith.constant 0 : i32
      %dma_wait3A_246 = tpu.memref_slice %arg8[%dma_wait3A_244, %dma_wait3A_245] : memref<640x64xf32, #tpu.memory_space<vmem>> -> memref<128x64xf32, #tpu.memory_space<vmem>>
      %dma_wait3A_247 = arith.constant 0 : i32
      %dma_wait3A_248 = tpu.memref_slice %arg7[%add3A_198, %dma_wait3A_247] : memref<120x128xi32, #tpu.memory_space<vmem>> -> memref<1x128xi32, #tpu.memory_space<vmem>>
      %dma_wait3A_249 = tpu.memref_squeeze %dma_wait3A_248 : memref<1x128xi32, #tpu.memory_space<vmem>> -> memref<128xi32, #tpu.memory_space<vmem>>
      %dma_wait3A_250 = arith.constant 0 : i32
      %dma_wait3A_251 = arith.constant 0 : i32
      %dma_wait3A_252 = tpu.memref_slice %arg24[%dma_wait3A_250, %dma_wait3A_251] : memref<10240x64xf32, #tpu.memory_space<vmem_shared>> -> memref<10240x64xf32, #tpu.memory_space<vmem_shared>>
      tpu.wait_indirect_dma semaphore(%arg18 : memref<!tpu.dma_semaphore, #tpu.memory_space<semaphore_mem>>) src(%dma_wait3A_246 : memref<128x64xf32, #tpu.memory_space<vmem>>) dst(%dma_wait3A_252 : memref<10240x64xf32, #tpu.memory_space<vmem_shared>>)
      %while3A_253 = arith.constant 0 : i32
      scf.yield %while3A_253 : i32
    }
    %barrier3A_47 = arith.constant 0 : index
    tpu.barrier barrier_id(%barrier3A_47)
    %mul3A_48 = arith.constant 10240 : i32
    %mul3A_49 = arith.muli %arg0, %mul3A_48 : i32
    %add3A_50 = arith.addi %mul3A_49, %mul3A_0 : i32
    "tpu.region"() ({
      %run_scoped3A = tpu.sem_alloc : memref<!tpu.dma_semaphore, #tpu.memory_space<semaphore_mem>>
      %dma_start3A = arith.constant 0 : i32
      %dma_start3A_51 = tpu.memref_slice %arg5[%add3A_50, %dma_start3A] : memref<20480x64xf32, #tpu.memory_space<hbm>> -> memref<640x64xf32, #tpu.memory_space<hbm>>
      %dma_start3A_52 = arith.constant 0 : i32
      %dma_start3A_53 = tpu.memref_slice %arg24[%mul3A_0, %dma_start3A_52] : memref<10240x64xf32, #tpu.memory_space<vmem_shared>> -> memref<640x64xf32, #tpu.memory_space<vmem_shared>>
      tpu.enqueue_dma source(%dma_start3A_53 : memref<640x64xf32, #tpu.memory_space<vmem_shared>>) target(%dma_start3A_51 : memref<640x64xf32, #tpu.memory_space<hbm>>) target_semaphore(%run_scoped3A : memref<!tpu.dma_semaphore, #tpu.memory_space<semaphore_mem>>)
      %dma_wait3A = arith.constant 0 : i32
      %dma_wait3A_54 = tpu.memref_slice %arg5[%add3A_50, %dma_wait3A] : memref<20480x64xf32, #tpu.memory_space<hbm>> -> memref<640x64xf32, #tpu.memory_space<hbm>>
      %dma_wait3A_55 = arith.constant 0 : i32
      %dma_wait3A_56 = tpu.memref_slice %arg24[%mul3A_0, %dma_wait3A_55] : memref<10240x64xf32, #tpu.memory_space<vmem_shared>> -> memref<640x64xf32, #tpu.memory_space<vmem_shared>>
      tpu.wait_dma2 semaphore(%run_scoped3A : memref<!tpu.dma_semaphore, #tpu.memory_space<semaphore_mem>>) src(%dma_wait3A_56 : memref<640x64xf32, #tpu.memory_space<vmem_shared>>) dst(%dma_wait3A_54 : memref<640x64xf32, #tpu.memory_space<hbm>>)
      tpu.yield
    }) : () -> ()
    return
  }
}

#map = affine_map<(d0, d1) -> (0, 0)>
module attributes {stable_mosaic.version = 14 : i64} {
  func.func @body(%arg0: i32, %arg1: i32, %arg2: memref<10000x64xf32, #tpu.memory_space<hbm>>, %arg3: memref<2680x128xi32, #tpu.memory_space<hbm>>, %arg4: memref<2680x128xi32, #tpu.memory_space<hbm>>, %arg5: memref<20480x64xf32, #tpu.memory_space<hbm>>, %arg6: memref<20480x16xf32, #tpu.memory_space<hbm>>, %arg7: memref<120x128xi32, #tpu.memory_space<vmem>>, %arg8: memref<120x128xi32, #tpu.memory_space<vmem>>, %arg9: memref<640x64xf32, #tpu.memory_space<vmem>>, %arg10: memref<!tpu.dma_semaphore, #tpu.memory_space<semaphore_mem>>, %arg11: memref<!tpu.dma_semaphore, #tpu.memory_space<semaphore_mem>>, %arg12: memref<!tpu.dma_semaphore, #tpu.memory_space<semaphore_mem>>, %arg13: memref<!tpu.dma_semaphore, #tpu.memory_space<semaphore_mem>>, %arg14: memref<!tpu.dma_semaphore, #tpu.memory_space<semaphore_mem>>, %arg15: memref<!tpu.dma_semaphore, #tpu.memory_space<semaphore_mem>>, %arg16: memref<!tpu.dma_semaphore, #tpu.memory_space<semaphore_mem>>, %arg17: memref<!tpu.dma_semaphore, #tpu.memory_space<semaphore_mem>>, %arg18: memref<!tpu.dma_semaphore, #tpu.memory_space<semaphore_mem>>, %arg19: memref<!tpu.dma_semaphore, #tpu.memory_space<semaphore_mem>>, %arg20: memref<!tpu.dma_semaphore, #tpu.memory_space<semaphore_mem>>, %arg21: memref<!tpu.dma_semaphore, #tpu.memory_space<semaphore_mem>>, %arg22: memref<!tpu.dma_semaphore, #tpu.memory_space<semaphore_mem>>, %arg23: memref<!tpu.dma_semaphore, #tpu.memory_space<semaphore_mem>>, %arg24: memref<!tpu.dma_semaphore, #tpu.memory_space<semaphore_mem>>, %arg25: memref<10240x64xf32, #tpu.memory_space<vmem_shared>>, %arg26: memref<128x16xf32, #tpu.memory_space<vmem>>, %arg27: memref<10240x16xf32, #tpu.memory_space<vmem_shared>>) attributes {dimension_semantics = [#tpu.dimension_semantics<core_parallel>, #tpu.dimension_semantics<subcore_parallel>], iteration_bounds = array<i64: 2, 16>, scalar_prefetch = 0 : i64, scratch_operands = 21 : i64, tpu.core_type = #tpu.core_type<sc_vector_subcore>, window_params = [{transform_indices = #map}, {transform_indices = #map}, {transform_indices = #map}, {transform_indices = #map}, {transform_indices = #map}]} {
    %mul3A = arith.constant 640 : i32
    %mul3A_0 = arith.muli %arg1, %mul3A : i32
    %eq3A = arith.constant 0 : i32
    %eq3A_1 = arith.cmpi eq, %arg0, %eq3A : i32
    %jit3A = arith.constant 120 : i32
    %jit3A_2 = arith.constant 40 : i32
    %select_n3A = arith.select %eq3A_1, %jit3A, %jit3A_2 : i32
    %eq3A_3 = arith.constant 0 : i32
    %eq3A_4 = arith.cmpi eq, %arg0, %eq3A_3 : i32
    %mul3A_5 = arith.constant 120 : i32
    %mul3A_6 = arith.muli %arg1, %mul3A_5 : i32
    %mul3A_7 = arith.constant 40 : i32
    %mul3A_8 = arith.muli %arg1, %mul3A_7 : i32
    %add3A = arith.constant 1920 : i32
    %add3A_9 = arith.addi %add3A, %mul3A_8 : i32
    %select_n3A_10 = arith.select %eq3A_4, %mul3A_6, %add3A_9 : i32
    "tpu.region"() ({
      %run_scoped3A = tpu.sem_alloc : memref<!tpu.dma_semaphore, #tpu.memory_space<semaphore_mem>>
      %dma_start3A = arith.constant 0 : i32
      %dma_start3A_79 = tpu.memref_slice %arg3[%select_n3A_10, %dma_start3A] : memref<2680x128xi32, #tpu.memory_space<hbm>> -> memref<120x128xi32, #tpu.memory_space<hbm>>
      %dma_start3A_80 = arith.constant 0 : i32
      %dma_start3A_81 = tpu.memref_slice %arg3[%select_n3A_10, %dma_start3A_80] : memref<2680x128xi32, #tpu.memory_space<hbm>> -> memref<120x128xi32, #tpu.memory_space<hbm>>
      tpu.enqueue_dma source(%dma_start3A_81 : memref<120x128xi32, #tpu.memory_space<hbm>>) target(%arg7 : memref<120x128xi32, #tpu.memory_space<vmem>>) target_semaphore(%run_scoped3A : memref<!tpu.dma_semaphore, #tpu.memory_space<semaphore_mem>>)
      %dma_wait3A = arith.constant 0 : i32
      %dma_wait3A_82 = tpu.memref_slice %arg3[%select_n3A_10, %dma_wait3A] : memref<2680x128xi32, #tpu.memory_space<hbm>> -> memref<120x128xi32, #tpu.memory_space<hbm>>
      %dma_wait3A_83 = arith.constant 0 : i32
      %dma_wait3A_84 = tpu.memref_slice %arg3[%select_n3A_10, %dma_wait3A_83] : memref<2680x128xi32, #tpu.memory_space<hbm>> -> memref<120x128xi32, #tpu.memory_space<hbm>>
      tpu.wait_dma2 semaphore(%run_scoped3A : memref<!tpu.dma_semaphore, #tpu.memory_space<semaphore_mem>>) src(%dma_wait3A_84 : memref<120x128xi32, #tpu.memory_space<hbm>>) dst(%arg7 : memref<120x128xi32, #tpu.memory_space<vmem>>)
      tpu.yield
    }) : () -> ()
    "tpu.region"() ({
      %run_scoped3A = tpu.sem_alloc : memref<!tpu.dma_semaphore, #tpu.memory_space<semaphore_mem>>
      %dma_start3A = arith.constant 0 : i32
      %dma_start3A_79 = tpu.memref_slice %arg4[%select_n3A_10, %dma_start3A] : memref<2680x128xi32, #tpu.memory_space<hbm>> -> memref<120x128xi32, #tpu.memory_space<hbm>>
      %dma_start3A_80 = arith.constant 0 : i32
      %dma_start3A_81 = tpu.memref_slice %arg4[%select_n3A_10, %dma_start3A_80] : memref<2680x128xi32, #tpu.memory_space<hbm>> -> memref<120x128xi32, #tpu.memory_space<hbm>>
      tpu.enqueue_dma source(%dma_start3A_81 : memref<120x128xi32, #tpu.memory_space<hbm>>) target(%arg8 : memref<120x128xi32, #tpu.memory_space<vmem>>) target_semaphore(%run_scoped3A : memref<!tpu.dma_semaphore, #tpu.memory_space<semaphore_mem>>)
      %dma_wait3A = arith.constant 0 : i32
      %dma_wait3A_82 = tpu.memref_slice %arg4[%select_n3A_10, %dma_wait3A] : memref<2680x128xi32, #tpu.memory_space<hbm>> -> memref<120x128xi32, #tpu.memory_space<hbm>>
      %dma_wait3A_83 = arith.constant 0 : i32
      %dma_wait3A_84 = tpu.memref_slice %arg4[%select_n3A_10, %dma_wait3A_83] : memref<2680x128xi32, #tpu.memory_space<hbm>> -> memref<120x128xi32, #tpu.memory_space<hbm>>
      tpu.wait_dma2 semaphore(%run_scoped3A : memref<!tpu.dma_semaphore, #tpu.memory_space<semaphore_mem>>) src(%dma_wait3A_84 : memref<120x128xi32, #tpu.memory_space<hbm>>) dst(%arg8 : memref<120x128xi32, #tpu.memory_space<vmem>>)
      tpu.yield
    }) : () -> ()
    %broadcast_in_dim3A = arith.constant 0.000000e+00 : f32
    %broadcast_in_dim3A_11 = vector.broadcast %broadcast_in_dim3A : f32 to vector<16xf32>
    %scan3A = arith.constant 0 : i32
    %scan3A_12 = arith.constant 0 : i32
    %scan3A_13 = arith.constant 640 : i32
    %scan3A_14 = arith.addi %scan3A_12, %scan3A_13 : i32
    %scan3A_15 = arith.constant 1 : i32
    %scan3A_16 = scf.for %scan3A_79 = %scan3A_12 to %scan3A_14 step %scan3A_15 iter_args(%scan3A_80 = %scan3A) -> (i32)  : i32 {
      %swap3A = arith.index_cast %scan3A_79 : i32 to index
      %swap3A_81 = arith.constant 0 : index
      %swap3A_82 = tpu.vector_load %arg9[%swap3A, %swap3A_81] {strides = array<i32>} : memref<640x64xf32, #tpu.memory_space<vmem>>, vector<1x16xf32>,
      %swap3A_83 = vector.shape_cast %swap3A_82 : vector<1x16xf32> to vector<16xf32>
      %swap3A_84 = vector.shape_cast %broadcast_in_dim3A_11 : vector<16xf32> to vector<1x16xf32>
      tpu.vector_store %arg9[%swap3A, %swap3A_81], %swap3A_84 {strides = array<i32>} : memref<640x64xf32, #tpu.memory_space<vmem>>, vector<1x16xf32>,
      %swap3A_85 = arith.index_cast %scan3A_79 : i32 to index
      %swap3A_86 = arith.constant 16 : index
      %swap3A_87 = tpu.vector_load %arg9[%swap3A_85, %swap3A_86] {strides = array<i32>} : memref<640x64xf32, #tpu.memory_space<vmem>>, vector<1x16xf32>,
      %swap3A_88 = vector.shape_cast %swap3A_87 : vector<1x16xf32> to vector<16xf32>
      %swap3A_89 = vector.shape_cast %broadcast_in_dim3A_11 : vector<16xf32> to vector<1x16xf32>
      tpu.vector_store %arg9[%swap3A_85, %swap3A_86], %swap3A_89 {strides = array<i32>} : memref<640x64xf32, #tpu.memory_space<vmem>>, vector<1x16xf32>,
      %swap3A_90 = arith.index_cast %scan3A_79 : i32 to index
      %swap3A_91 = arith.constant 32 : index
      %swap3A_92 = tpu.vector_load %arg9[%swap3A_90, %swap3A_91] {strides = array<i32>} : memref<640x64xf32, #tpu.memory_space<vmem>>, vector<1x16xf32>,
      %swap3A_93 = vector.shape_cast %swap3A_92 : vector<1x16xf32> to vector<16xf32>
      %swap3A_94 = vector.shape_cast %broadcast_in_dim3A_11 : vector<16xf32> to vector<1x16xf32>
      tpu.vector_store %arg9[%swap3A_90, %swap3A_91], %swap3A_94 {strides = array<i32>} : memref<640x64xf32, #tpu.memory_space<vmem>>, vector<1x16xf32>,
      %swap3A_95 = arith.index_cast %scan3A_79 : i32 to index
      %swap3A_96 = arith.constant 48 : index
      %swap3A_97 = tpu.vector_load %arg9[%swap3A_95, %swap3A_96] {strides = array<i32>} : memref<640x64xf32, #tpu.memory_space<vmem>>, vector<1x16xf32>,
      %swap3A_98 = vector.shape_cast %swap3A_97 : vector<1x16xf32> to vector<16xf32>
      %swap3A_99 = vector.shape_cast %broadcast_in_dim3A_11 : vector<16xf32> to vector<1x16xf32>
      tpu.vector_store %arg9[%swap3A_95, %swap3A_96], %swap3A_99 {strides = array<i32>} : memref<640x64xf32, #tpu.memory_space<vmem>>, vector<1x16xf32>,
      %scan3A_100 = arith.constant 0 : i32
      scf.yield %scan3A_100 : i32
    }
    %scan3A_17 = arith.constant 640 : i32
    "tpu.region"() ({
      %run_scoped3A = tpu.sem_alloc : memref<!tpu.dma_semaphore, #tpu.memory_space<semaphore_mem>>
      %dma_start3A = arith.constant 0 : i32
      %dma_start3A_79 = tpu.memref_slice %arg25[%mul3A_0, %dma_start3A] : memref<10240x64xf32, #tpu.memory_space<vmem_shared>> -> memref<640x64xf32, #tpu.memory_space<vmem_shared>>
      %dma_start3A_80 = arith.constant 0 : i32
      %dma_start3A_81 = tpu.memref_slice %arg25[%mul3A_0, %dma_start3A_80] : memref<10240x64xf32, #tpu.memory_space<vmem_shared>> -> memref<640x64xf32, #tpu.memory_space<vmem_shared>>
      tpu.enqueue_dma source(%arg9 : memref<640x64xf32, #tpu.memory_space<vmem>>) target(%dma_start3A_81 : memref<640x64xf32, #tpu.memory_space<vmem_shared>>) target_semaphore(%run_scoped3A : memref<!tpu.dma_semaphore, #tpu.memory_space<semaphore_mem>>)
      %dma_wait3A = arith.constant 0 : i32
      %dma_wait3A_82 = tpu.memref_slice %arg25[%mul3A_0, %dma_wait3A] : memref<10240x64xf32, #tpu.memory_space<vmem_shared>> -> memref<640x64xf32, #tpu.memory_space<vmem_shared>>
      %dma_wait3A_83 = arith.constant 0 : i32
      %dma_wait3A_84 = tpu.memref_slice %arg25[%mul3A_0, %dma_wait3A_83] : memref<10240x64xf32, #tpu.memory_space<vmem_shared>> -> memref<640x64xf32, #tpu.memory_space<vmem_shared>>
      tpu.wait_dma2 semaphore(%run_scoped3A : memref<!tpu.dma_semaphore, #tpu.memory_space<semaphore_mem>>) src(%arg9 : memref<640x64xf32, #tpu.memory_space<vmem>>) dst(%dma_wait3A_84 : memref<640x64xf32, #tpu.memory_space<vmem_shared>>)
      tpu.yield
    }) : () -> ()
    %broadcast_in_dim3A_18 = arith.constant 0.000000e+00 : f32
    %broadcast_in_dim3A_19 = vector.broadcast %broadcast_in_dim3A_18 : f32 to vector<16xf32>
    %scan3A_20 = arith.constant 0 : i32
    %scan3A_21 = arith.constant 0 : i32
    %scan3A_22 = arith.constant 128 : i32
    %scan3A_23 = arith.addi %scan3A_21, %scan3A_22 : i32
    %scan3A_24 = arith.constant 1 : i32
    %scan3A_25 = scf.for %scan3A_79 = %scan3A_21 to %scan3A_23 step %scan3A_24 iter_args(%scan3A_80 = %scan3A_20) -> (i32)  : i32 {
      %swap3A = arith.index_cast %scan3A_79 : i32 to index
      %swap3A_81 = arith.constant 0 : index
      %swap3A_82 = tpu.vector_load %arg26[%swap3A, %swap3A_81] {strides = array<i32>} : memref<128x16xf32, #tpu.memory_space<vmem>>, vector<1x16xf32>,
      %swap3A_83 = vector.shape_cast %swap3A_82 : vector<1x16xf32> to vector<16xf32>
      %swap3A_84 = vector.shape_cast %broadcast_in_dim3A_19 : vector<16xf32> to vector<1x16xf32>
      tpu.vector_store %arg26[%swap3A, %swap3A_81], %swap3A_84 {strides = array<i32>} : memref<128x16xf32, #tpu.memory_space<vmem>>, vector<1x16xf32>,
      %scan3A_85 = arith.constant 0 : i32
      scf.yield %scan3A_85 : i32
    }
    %scan3A_26 = arith.constant 128 : i32
    %add3A_27 = arith.constant 0 : i32
    %add3A_28 = arith.addi %mul3A_0, %add3A_27 : i32
    "tpu.region"() ({
      %run_scoped3A = tpu.sem_alloc : memref<!tpu.dma_semaphore, #tpu.memory_space<semaphore_mem>>
      %dma_start3A = arith.constant 0 : i32
      %dma_start3A_79 = tpu.memref_slice %arg27[%add3A_28, %dma_start3A] : memref<10240x16xf32, #tpu.memory_space<vmem_shared>> -> memref<128x16xf32, #tpu.memory_space<vmem_shared>>
      %dma_start3A_80 = arith.constant 0 : i32
      %dma_start3A_81 = tpu.memref_slice %arg27[%add3A_28, %dma_start3A_80] : memref<10240x16xf32, #tpu.memory_space<vmem_shared>> -> memref<128x16xf32, #tpu.memory_space<vmem_shared>>
      tpu.enqueue_dma source(%arg26 : memref<128x16xf32, #tpu.memory_space<vmem>>) target(%dma_start3A_81 : memref<128x16xf32, #tpu.memory_space<vmem_shared>>) target_semaphore(%run_scoped3A : memref<!tpu.dma_semaphore, #tpu.memory_space<semaphore_mem>>)
      %dma_wait3A = arith.constant 0 : i32
      %dma_wait3A_82 = tpu.memref_slice %arg27[%add3A_28, %dma_wait3A] : memref<10240x16xf32, #tpu.memory_space<vmem_shared>> -> memref<128x16xf32, #tpu.memory_space<vmem_shared>>
      %dma_wait3A_83 = arith.constant 0 : i32
      %dma_wait3A_84 = tpu.memref_slice %arg27[%add3A_28, %dma_wait3A_83] : memref<10240x16xf32, #tpu.memory_space<vmem_shared>> -> memref<128x16xf32, #tpu.memory_space<vmem_shared>>
      tpu.wait_dma2 semaphore(%run_scoped3A : memref<!tpu.dma_semaphore, #tpu.memory_space<semaphore_mem>>) src(%arg26 : memref<128x16xf32, #tpu.memory_space<vmem>>) dst(%dma_wait3A_84 : memref<128x16xf32, #tpu.memory_space<vmem_shared>>)
      tpu.yield
    }) : () -> ()
    %add3A_29 = arith.constant 128 : i32
    %add3A_30 = arith.addi %mul3A_0, %add3A_29 : i32
    "tpu.region"() ({
      %run_scoped3A = tpu.sem_alloc : memref<!tpu.dma_semaphore, #tpu.memory_space<semaphore_mem>>
      %dma_start3A = arith.constant 0 : i32
      %dma_start3A_79 = tpu.memref_slice %arg27[%add3A_30, %dma_start3A] : memref<10240x16xf32, #tpu.memory_space<vmem_shared>> -> memref<128x16xf32, #tpu.memory_space<vmem_shared>>
      %dma_start3A_80 = arith.constant 0 : i32
      %dma_start3A_81 = tpu.memref_slice %arg27[%add3A_30, %dma_start3A_80] : memref<10240x16xf32, #tpu.memory_space<vmem_shared>> -> memref<128x16xf32, #tpu.memory_space<vmem_shared>>
      tpu.enqueue_dma source(%arg26 : memref<128x16xf32, #tpu.memory_space<vmem>>) target(%dma_start3A_81 : memref<128x16xf32, #tpu.memory_space<vmem_shared>>) target_semaphore(%run_scoped3A : memref<!tpu.dma_semaphore, #tpu.memory_space<semaphore_mem>>)
      %dma_wait3A = arith.constant 0 : i32
      %dma_wait3A_82 = tpu.memref_slice %arg27[%add3A_30, %dma_wait3A] : memref<10240x16xf32, #tpu.memory_space<vmem_shared>> -> memref<128x16xf32, #tpu.memory_space<vmem_shared>>
      %dma_wait3A_83 = arith.constant 0 : i32
      %dma_wait3A_84 = tpu.memref_slice %arg27[%add3A_30, %dma_wait3A_83] : memref<10240x16xf32, #tpu.memory_space<vmem_shared>> -> memref<128x16xf32, #tpu.memory_space<vmem_shared>>
      tpu.wait_dma2 semaphore(%run_scoped3A : memref<!tpu.dma_semaphore, #tpu.memory_space<semaphore_mem>>) src(%arg26 : memref<128x16xf32, #tpu.memory_space<vmem>>) dst(%dma_wait3A_84 : memref<128x16xf32, #tpu.memory_space<vmem_shared>>)
      tpu.yield
    }) : () -> ()
    %add3A_31 = arith.constant 256 : i32
    %add3A_32 = arith.addi %mul3A_0, %add3A_31 : i32
    "tpu.region"() ({
      %run_scoped3A = tpu.sem_alloc : memref<!tpu.dma_semaphore, #tpu.memory_space<semaphore_mem>>
      %dma_start3A = arith.constant 0 : i32
      %dma_start3A_79 = tpu.memref_slice %arg27[%add3A_32, %dma_start3A] : memref<10240x16xf32, #tpu.memory_space<vmem_shared>> -> memref<128x16xf32, #tpu.memory_space<vmem_shared>>
      %dma_start3A_80 = arith.constant 0 : i32
      %dma_start3A_81 = tpu.memref_slice %arg27[%add3A_32, %dma_start3A_80] : memref<10240x16xf32, #tpu.memory_space<vmem_shared>> -> memref<128x16xf32, #tpu.memory_space<vmem_shared>>
      tpu.enqueue_dma source(%arg26 : memref<128x16xf32, #tpu.memory_space<vmem>>) target(%dma_start3A_81 : memref<128x16xf32, #tpu.memory_space<vmem_shared>>) target_semaphore(%run_scoped3A : memref<!tpu.dma_semaphore, #tpu.memory_space<semaphore_mem>>)
      %dma_wait3A = arith.constant 0 : i32
      %dma_wait3A_82 = tpu.memref_slice %arg27[%add3A_32, %dma_wait3A] : memref<10240x16xf32, #tpu.memory_space<vmem_shared>> -> memref<128x16xf32, #tpu.memory_space<vmem_shared>>
      %dma_wait3A_83 = arith.constant 0 : i32
      %dma_wait3A_84 = tpu.memref_slice %arg27[%add3A_32, %dma_wait3A_83] : memref<10240x16xf32, #tpu.memory_space<vmem_shared>> -> memref<128x16xf32, #tpu.memory_space<vmem_shared>>
      tpu.wait_dma2 semaphore(%run_scoped3A : memref<!tpu.dma_semaphore, #tpu.memory_space<semaphore_mem>>) src(%arg26 : memref<128x16xf32, #tpu.memory_space<vmem>>) dst(%dma_wait3A_84 : memref<128x16xf32, #tpu.memory_space<vmem_shared>>)
      tpu.yield
    }) : () -> ()
    %add3A_33 = arith.constant 384 : i32
    %add3A_34 = arith.addi %mul3A_0, %add3A_33 : i32
    "tpu.region"() ({
      %run_scoped3A = tpu.sem_alloc : memref<!tpu.dma_semaphore, #tpu.memory_space<semaphore_mem>>
      %dma_start3A = arith.constant 0 : i32
      %dma_start3A_79 = tpu.memref_slice %arg27[%add3A_34, %dma_start3A] : memref<10240x16xf32, #tpu.memory_space<vmem_shared>> -> memref<128x16xf32, #tpu.memory_space<vmem_shared>>
      %dma_start3A_80 = arith.constant 0 : i32
      %dma_start3A_81 = tpu.memref_slice %arg27[%add3A_34, %dma_start3A_80] : memref<10240x16xf32, #tpu.memory_space<vmem_shared>> -> memref<128x16xf32, #tpu.memory_space<vmem_shared>>
      tpu.enqueue_dma source(%arg26 : memref<128x16xf32, #tpu.memory_space<vmem>>) target(%dma_start3A_81 : memref<128x16xf32, #tpu.memory_space<vmem_shared>>) target_semaphore(%run_scoped3A : memref<!tpu.dma_semaphore, #tpu.memory_space<semaphore_mem>>)
      %dma_wait3A = arith.constant 0 : i32
      %dma_wait3A_82 = tpu.memref_slice %arg27[%add3A_34, %dma_wait3A] : memref<10240x16xf32, #tpu.memory_space<vmem_shared>> -> memref<128x16xf32, #tpu.memory_space<vmem_shared>>
      %dma_wait3A_83 = arith.constant 0 : i32
      %dma_wait3A_84 = tpu.memref_slice %arg27[%add3A_34, %dma_wait3A_83] : memref<10240x16xf32, #tpu.memory_space<vmem_shared>> -> memref<128x16xf32, #tpu.memory_space<vmem_shared>>
      tpu.wait_dma2 semaphore(%run_scoped3A : memref<!tpu.dma_semaphore, #tpu.memory_space<semaphore_mem>>) src(%arg26 : memref<128x16xf32, #tpu.memory_space<vmem>>) dst(%dma_wait3A_84 : memref<128x16xf32, #tpu.memory_space<vmem_shared>>)
      tpu.yield
    }) : () -> ()
    %add3A_35 = arith.constant 512 : i32
    %add3A_36 = arith.addi %mul3A_0, %add3A_35 : i32
    "tpu.region"() ({
      %run_scoped3A = tpu.sem_alloc : memref<!tpu.dma_semaphore, #tpu.memory_space<semaphore_mem>>
      %dma_start3A = arith.constant 0 : i32
      %dma_start3A_79 = tpu.memref_slice %arg27[%add3A_36, %dma_start3A] : memref<10240x16xf32, #tpu.memory_space<vmem_shared>> -> memref<128x16xf32, #tpu.memory_space<vmem_shared>>
      %dma_start3A_80 = arith.constant 0 : i32
      %dma_start3A_81 = tpu.memref_slice %arg27[%add3A_36, %dma_start3A_80] : memref<10240x16xf32, #tpu.memory_space<vmem_shared>> -> memref<128x16xf32, #tpu.memory_space<vmem_shared>>
      tpu.enqueue_dma source(%arg26 : memref<128x16xf32, #tpu.memory_space<vmem>>) target(%dma_start3A_81 : memref<128x16xf32, #tpu.memory_space<vmem_shared>>) target_semaphore(%run_scoped3A : memref<!tpu.dma_semaphore, #tpu.memory_space<semaphore_mem>>)
      %dma_wait3A = arith.constant 0 : i32
      %dma_wait3A_82 = tpu.memref_slice %arg27[%add3A_36, %dma_wait3A] : memref<10240x16xf32, #tpu.memory_space<vmem_shared>> -> memref<128x16xf32, #tpu.memory_space<vmem_shared>>
      %dma_wait3A_83 = arith.constant 0 : i32
      %dma_wait3A_84 = tpu.memref_slice %arg27[%add3A_36, %dma_wait3A_83] : memref<10240x16xf32, #tpu.memory_space<vmem_shared>> -> memref<128x16xf32, #tpu.memory_space<vmem_shared>>
      tpu.wait_dma2 semaphore(%run_scoped3A : memref<!tpu.dma_semaphore, #tpu.memory_space<semaphore_mem>>) src(%arg26 : memref<128x16xf32, #tpu.memory_space<vmem>>) dst(%dma_wait3A_84 : memref<128x16xf32, #tpu.memory_space<vmem_shared>>)
      tpu.yield
    }) : () -> ()
    %broadcast_in_dim3A_37 = arith.constant 1.000000e+00 : f32
    %broadcast_in_dim3A_38 = vector.broadcast %broadcast_in_dim3A_37 : f32 to vector<16xf32>
    %scan3A_39 = arith.constant 0 : i32
    %scan3A_40 = arith.constant 0 : i32
    %scan3A_41 = arith.constant 128 : i32
    %scan3A_42 = arith.addi %scan3A_40, %scan3A_41 : i32
    %scan3A_43 = arith.constant 1 : i32
    %scan3A_44 = scf.for %scan3A_79 = %scan3A_40 to %scan3A_42 step %scan3A_43 iter_args(%scan3A_80 = %scan3A_39) -> (i32)  : i32 {
      %swap3A = arith.index_cast %scan3A_79 : i32 to index
      %swap3A_81 = arith.constant 0 : index
      %swap3A_82 = tpu.vector_load %arg26[%swap3A, %swap3A_81] {strides = array<i32>} : memref<128x16xf32, #tpu.memory_space<vmem>>, vector<1x16xf32>,
      %swap3A_83 = vector.shape_cast %swap3A_82 : vector<1x16xf32> to vector<16xf32>
      %swap3A_84 = vector.shape_cast %broadcast_in_dim3A_38 : vector<16xf32> to vector<1x16xf32>
      tpu.vector_store %arg26[%swap3A, %swap3A_81], %swap3A_84 {strides = array<i32>} : memref<128x16xf32, #tpu.memory_space<vmem>>, vector<1x16xf32>,
      %scan3A_85 = arith.constant 0 : i32
      scf.yield %scan3A_85 : i32
    }
    %scan3A_45 = arith.constant 128 : i32
    %barrier3A = arith.constant 0 : index
    tpu.barrier barrier_id(%barrier3A)
    %jit3A_46 = arith.constant 5 : i32
    %div3A = arith.divsi %select_n3A, %jit3A_46 : i32
    %sign3A = arith.constant 0 : i32
    %sign3A_47 = arith.cmpi sgt, %select_n3A, %sign3A : i32
    %sign3A_48 = arith.extui %sign3A_47 : i1 to i32
    %sign3A_49 = arith.constant 0 : i32
    %sign3A_50 = arith.cmpi slt, %select_n3A, %sign3A_49 : i32
    %sign3A_51 = arith.extui %sign3A_50 : i1 to i32
    %sign3A_52 = arith.subi %sign3A_48, %sign3A_51 : i32
    %sign3A_53 = arith.constant 0 : i32
    %sign3A_54 = arith.cmpi sgt, %jit3A_46, %sign3A_53 : i32
    %sign3A_55 = arith.extui %sign3A_54 : i1 to i32
    %sign3A_56 = arith.constant 0 : i32
    %sign3A_57 = arith.cmpi slt, %jit3A_46, %sign3A_56 : i32
    %sign3A_58 = arith.extui %sign3A_57 : i1 to i32
    %sign3A_59 = arith.subi %sign3A_55, %sign3A_58 : i32
    %ne3A = arith.cmpi ne, %sign3A_52, %sign3A_59 : i32
    %rem3A = arith.remsi %select_n3A, %jit3A_46 : i32
    %ne3A_60 = arith.constant 0 : i32
    %ne3A_61 = arith.cmpi ne, %rem3A, %ne3A_60 : i32
    %and3A = arith.andi %ne3A, %ne3A_61 : i1
    %sub3A = arith.constant 1 : i32
    %sub3A_62 = arith.subi %div3A, %sub3A : i32
    %select_n3A_63 = arith.select %and3A, %sub3A_62, %div3A : i32
    %while3A = arith.constant 0 : i32
    %while3A_64 = arith.constant 0 : i32
    %while3A_65 = arith.subi %select_n3A_63, %while3A : i32
    %while3A_66 = arith.addi %while3A, %while3A_65 : i32
    %while3A_67 = arith.constant 1 : i32
    %while3A_68 = arith.divsi %while3A_65, %while3A_67 : i32
    %while3A_69 = arith.muli %while3A_68, %while3A_67 : i32
    %while3A_70 = arith.addi %while3A, %while3A_69 : i32
    %while3A_71 = arith.constant 1 : i32
    %while3A_72 = scf.for %while3A_79 = %while3A to %while3A_70 step %while3A_71 iter_args(%while3A_80 = %while3A_64) -> (i32)  : i32 {
      %mul3A_81 = arith.constant 5 : i32
      %mul3A_82 = arith.muli %while3A_79, %mul3A_81 : i32
      %add3A_83 = arith.constant 0 : i32
      %add3A_84 = arith.addi %mul3A_82, %add3A_83 : i32
      %dma_start3A = arith.constant 0 : i32
      %dma_start3A_85 = arith.constant 0 : i32
      %dma_start3A_86 = tpu.memref_slice %arg9[%dma_start3A, %dma_start3A_85] : memref<640x64xf32, #tpu.memory_space<vmem>> -> memref<128x64xf32, #tpu.memory_space<vmem>>
      %dma_start3A_87 = arith.constant 0 : i32
      %dma_start3A_88 = tpu.memref_slice %arg7[%add3A_84, %dma_start3A_87] : memref<120x128xi32, #tpu.memory_space<vmem>> -> memref<1x128xi32, #tpu.memory_space<vmem>>
      %dma_start3A_89 = tpu.memref_squeeze %dma_start3A_88 : memref<1x128xi32, #tpu.memory_space<vmem>> -> memref<128xi32, #tpu.memory_space<vmem>>
      %dma_start3A_90 = arith.constant 0 : i32
      %dma_start3A_91 = arith.constant 0 : i32
      %dma_start3A_92 = tpu.memref_slice %arg2[%dma_start3A_90, %dma_start3A_91] : memref<10000x64xf32, #tpu.memory_space<hbm>> -> memref<10000x64xf32, #tpu.memory_space<hbm>>
      tpu.enqueue_indirect_dma source(%dma_start3A_92 : memref<10000x64xf32, #tpu.memory_space<hbm>>) target(%dma_start3A_86 : memref<128x64xf32, #tpu.memory_space<vmem>>) offsets(%dma_start3A_89 : memref<128xi32, #tpu.memory_space<vmem>>) semaphore(%arg10 : memref<!tpu.dma_semaphore, #tpu.memory_space<semaphore_mem>>)
      %add3A_93 = arith.constant 1 : i32
      %add3A_94 = arith.addi %mul3A_82, %add3A_93 : i32
      %dma_start3A_95 = arith.constant 128 : i32
      %dma_start3A_96 = arith.constant 0 : i32
      %dma_start3A_97 = tpu.memref_slice %arg9[%dma_start3A_95, %dma_start3A_96] : memref<640x64xf32, #tpu.memory_space<vmem>> -> memref<128x64xf32, #tpu.memory_space<vmem>>
      %dma_start3A_98 = arith.constant 0 : i32
      %dma_start3A_99 = tpu.memref_slice %arg7[%add3A_94, %dma_start3A_98] : memref<120x128xi32, #tpu.memory_space<vmem>> -> memref<1x128xi32, #tpu.memory_space<vmem>>
      %dma_start3A_100 = tpu.memref_squeeze %dma_start3A_99 : memref<1x128xi32, #tpu.memory_space<vmem>> -> memref<128xi32, #tpu.memory_space<vmem>>
      %dma_start3A_101 = arith.constant 0 : i32
      %dma_start3A_102 = arith.constant 0 : i32
      %dma_start3A_103 = tpu.memref_slice %arg2[%dma_start3A_101, %dma_start3A_102] : memref<10000x64xf32, #tpu.memory_space<hbm>> -> memref<10000x64xf32, #tpu.memory_space<hbm>>
      tpu.enqueue_indirect_dma source(%dma_start3A_103 : memref<10000x64xf32, #tpu.memory_space<hbm>>) target(%dma_start3A_97 : memref<128x64xf32, #tpu.memory_space<vmem>>) offsets(%dma_start3A_100 : memref<128xi32, #tpu.memory_space<vmem>>) semaphore(%arg11 : memref<!tpu.dma_semaphore, #tpu.memory_space<semaphore_mem>>)
      %add3A_104 = arith.constant 2 : i32
      %add3A_105 = arith.addi %mul3A_82, %add3A_104 : i32
      %dma_start3A_106 = arith.constant 256 : i32
      %dma_start3A_107 = arith.constant 0 : i32
      %dma_start3A_108 = tpu.memref_slice %arg9[%dma_start3A_106, %dma_start3A_107] : memref<640x64xf32, #tpu.memory_space<vmem>> -> memref<128x64xf32, #tpu.memory_space<vmem>>
      %dma_start3A_109 = arith.constant 0 : i32
      %dma_start3A_110 = tpu.memref_slice %arg7[%add3A_105, %dma_start3A_109] : memref<120x128xi32, #tpu.memory_space<vmem>> -> memref<1x128xi32, #tpu.memory_space<vmem>>
      %dma_start3A_111 = tpu.memref_squeeze %dma_start3A_110 : memref<1x128xi32, #tpu.memory_space<vmem>> -> memref<128xi32, #tpu.memory_space<vmem>>
      %dma_start3A_112 = arith.constant 0 : i32
      %dma_start3A_113 = arith.constant 0 : i32
      %dma_start3A_114 = tpu.memref_slice %arg2[%dma_start3A_112, %dma_start3A_113] : memref<10000x64xf32, #tpu.memory_space<hbm>> -> memref<10000x64xf32, #tpu.memory_space<hbm>>
      tpu.enqueue_indirect_dma source(%dma_start3A_114 : memref<10000x64xf32, #tpu.memory_space<hbm>>) target(%dma_start3A_108 : memref<128x64xf32, #tpu.memory_space<vmem>>) offsets(%dma_start3A_111 : memref<128xi32, #tpu.memory_space<vmem>>) semaphore(%arg12 : memref<!tpu.dma_semaphore, #tpu.memory_space<semaphore_mem>>)
      %add3A_115 = arith.constant 3 : i32
      %add3A_116 = arith.addi %mul3A_82, %add3A_115 : i32
      %dma_start3A_117 = arith.constant 384 : i32
      %dma_start3A_118 = arith.constant 0 : i32
      %dma_start3A_119 = tpu.memref_slice %arg9[%dma_start3A_117, %dma_start3A_118] : memref<640x64xf32, #tpu.memory_space<vmem>> -> memref<128x64xf32, #tpu.memory_space<vmem>>
      %dma_start3A_120 = arith.constant 0 : i32
      %dma_start3A_121 = tpu.memref_slice %arg7[%add3A_116, %dma_start3A_120] : memref<120x128xi32, #tpu.memory_space<vmem>> -> memref<1x128xi32, #tpu.memory_space<vmem>>
      %dma_start3A_122 = tpu.memref_squeeze %dma_start3A_121 : memref<1x128xi32, #tpu.memory_space<vmem>> -> memref<128xi32, #tpu.memory_space<vmem>>
      %dma_start3A_123 = arith.constant 0 : i32
      %dma_start3A_124 = arith.constant 0 : i32
      %dma_start3A_125 = tpu.memref_slice %arg2[%dma_start3A_123, %dma_start3A_124] : memref<10000x64xf32, #tpu.memory_space<hbm>> -> memref<10000x64xf32, #tpu.memory_space<hbm>>
      tpu.enqueue_indirect_dma source(%dma_start3A_125 : memref<10000x64xf32, #tpu.memory_space<hbm>>) target(%dma_start3A_119 : memref<128x64xf32, #tpu.memory_space<vmem>>) offsets(%dma_start3A_122 : memref<128xi32, #tpu.memory_space<vmem>>) semaphore(%arg13 : memref<!tpu.dma_semaphore, #tpu.memory_space<semaphore_mem>>)
      %add3A_126 = arith.constant 4 : i32
      %add3A_127 = arith.addi %mul3A_82, %add3A_126 : i32
      %dma_start3A_128 = arith.constant 512 : i32
      %dma_start3A_129 = arith.constant 0 : i32
      %dma_start3A_130 = tpu.memref_slice %arg9[%dma_start3A_128, %dma_start3A_129] : memref<640x64xf32, #tpu.memory_space<vmem>> -> memref<128x64xf32, #tpu.memory_space<vmem>>
      %dma_start3A_131 = arith.constant 0 : i32
      %dma_start3A_132 = tpu.memref_slice %arg7[%add3A_127, %dma_start3A_131] : memref<120x128xi32, #tpu.memory_space<vmem>> -> memref<1x128xi32, #tpu.memory_space<vmem>>
      %dma_start3A_133 = tpu.memref_squeeze %dma_start3A_132 : memref<1x128xi32, #tpu.memory_space<vmem>> -> memref<128xi32, #tpu.memory_space<vmem>>
      %dma_start3A_134 = arith.constant 0 : i32
      %dma_start3A_135 = arith.constant 0 : i32
      %dma_start3A_136 = tpu.memref_slice %arg2[%dma_start3A_134, %dma_start3A_135] : memref<10000x64xf32, #tpu.memory_space<hbm>> -> memref<10000x64xf32, #tpu.memory_space<hbm>>
      tpu.enqueue_indirect_dma source(%dma_start3A_136 : memref<10000x64xf32, #tpu.memory_space<hbm>>) target(%dma_start3A_130 : memref<128x64xf32, #tpu.memory_space<vmem>>) offsets(%dma_start3A_133 : memref<128xi32, #tpu.memory_space<vmem>>) semaphore(%arg14 : memref<!tpu.dma_semaphore, #tpu.memory_space<semaphore_mem>>)
      %dma_wait3A = arith.constant 0 : i32
      %dma_wait3A_137 = arith.constant 0 : i32
      %dma_wait3A_138 = tpu.memref_slice %arg9[%dma_wait3A, %dma_wait3A_137] : memref<640x64xf32, #tpu.memory_space<vmem>> -> memref<128x64xf32, #tpu.memory_space<vmem>>
      %dma_wait3A_139 = arith.constant 0 : i32
      %dma_wait3A_140 = tpu.memref_slice %arg7[%add3A_84, %dma_wait3A_139] : memref<120x128xi32, #tpu.memory_space<vmem>> -> memref<1x128xi32, #tpu.memory_space<vmem>>
      %dma_wait3A_141 = tpu.memref_squeeze %dma_wait3A_140 : memref<1x128xi32, #tpu.memory_space<vmem>> -> memref<128xi32, #tpu.memory_space<vmem>>
      %dma_wait3A_142 = arith.constant 0 : i32
      %dma_wait3A_143 = arith.constant 0 : i32
      %dma_wait3A_144 = tpu.memref_slice %arg2[%dma_wait3A_142, %dma_wait3A_143] : memref<10000x64xf32, #tpu.memory_space<hbm>> -> memref<10000x64xf32, #tpu.memory_space<hbm>>
      tpu.wait_indirect_dma semaphore(%arg10 : memref<!tpu.dma_semaphore, #tpu.memory_space<semaphore_mem>>) src(%dma_wait3A_144 : memref<10000x64xf32, #tpu.memory_space<hbm>>) dst(%dma_wait3A_138 : memref<128x64xf32, #tpu.memory_space<vmem>>)
      %add3A_145 = arith.constant 0 : i32
      %add3A_146 = arith.addi %mul3A_82, %add3A_145 : i32
      %dma_start3A_147 = arith.constant 0 : i32
      %dma_start3A_148 = arith.constant 0 : i32
      %dma_start3A_149 = tpu.memref_slice %arg9[%dma_start3A_147, %dma_start3A_148] : memref<640x64xf32, #tpu.memory_space<vmem>> -> memref<128x64xf32, #tpu.memory_space<vmem>>
      %dma_start3A_150 = arith.constant 0 : i32
      %dma_start3A_151 = tpu.memref_slice %arg8[%add3A_146, %dma_start3A_150] : memref<120x128xi32, #tpu.memory_space<vmem>> -> memref<1x128xi32, #tpu.memory_space<vmem>>
      %dma_start3A_152 = tpu.memref_squeeze %dma_start3A_151 : memref<1x128xi32, #tpu.memory_space<vmem>> -> memref<128xi32, #tpu.memory_space<vmem>>
      %dma_start3A_153 = arith.constant 0 : i32
      %dma_start3A_154 = arith.constant 0 : i32
      %dma_start3A_155 = tpu.memref_slice %arg25[%dma_start3A_153, %dma_start3A_154] : memref<10240x64xf32, #tpu.memory_space<vmem_shared>> -> memref<10240x64xf32, #tpu.memory_space<vmem_shared>>
      tpu.enqueue_indirect_dma source(%dma_start3A_149 : memref<128x64xf32, #tpu.memory_space<vmem>>) target(%dma_start3A_155 : memref<10240x64xf32, #tpu.memory_space<vmem_shared>>) offsets(%dma_start3A_152 : memref<128xi32, #tpu.memory_space<vmem>>) semaphore(%arg15 : memref<!tpu.dma_semaphore, #tpu.memory_space<semaphore_mem>>) {add = true}
      %add3A_156 = arith.constant 0 : i32
      %add3A_157 = arith.addi %mul3A_82, %add3A_156 : i32
      %dma_start3A_158 = arith.constant 0 : i32
      %dma_start3A_159 = tpu.memref_slice %arg8[%add3A_157, %dma_start3A_158] : memref<120x128xi32, #tpu.memory_space<vmem>> -> memref<1x128xi32, #tpu.memory_space<vmem>>
      %dma_start3A_160 = tpu.memref_squeeze %dma_start3A_159 : memref<1x128xi32, #tpu.memory_space<vmem>> -> memref<128xi32, #tpu.memory_space<vmem>>
      %dma_start3A_161 = arith.constant 0 : i32
      %dma_start3A_162 = arith.constant 0 : i32
      %dma_start3A_163 = tpu.memref_slice %arg27[%dma_start3A_161, %dma_start3A_162] : memref<10240x16xf32, #tpu.memory_space<vmem_shared>> -> memref<10240x16xf32, #tpu.memory_space<vmem_shared>>
      tpu.enqueue_indirect_dma source(%arg26 : memref<128x16xf32, #tpu.memory_space<vmem>>) target(%dma_start3A_163 : memref<10240x16xf32, #tpu.memory_space<vmem_shared>>) offsets(%dma_start3A_160 : memref<128xi32, #tpu.memory_space<vmem>>) semaphore(%arg20 : memref<!tpu.dma_semaphore, #tpu.memory_space<semaphore_mem>>) {add = true}
      %dma_wait3A_164 = arith.constant 128 : i32
      %dma_wait3A_165 = arith.constant 0 : i32
      %dma_wait3A_166 = tpu.memref_slice %arg9[%dma_wait3A_164, %dma_wait3A_165] : memref<640x64xf32, #tpu.memory_space<vmem>> -> memref<128x64xf32, #tpu.memory_space<vmem>>
      %dma_wait3A_167 = arith.constant 0 : i32
      %dma_wait3A_168 = tpu.memref_slice %arg7[%add3A_94, %dma_wait3A_167] : memref<120x128xi32, #tpu.memory_space<vmem>> -> memref<1x128xi32, #tpu.memory_space<vmem>>
      %dma_wait3A_169 = tpu.memref_squeeze %dma_wait3A_168 : memref<1x128xi32, #tpu.memory_space<vmem>> -> memref<128xi32, #tpu.memory_space<vmem>>
      %dma_wait3A_170 = arith.constant 0 : i32
      %dma_wait3A_171 = arith.constant 0 : i32
      %dma_wait3A_172 = tpu.memref_slice %arg2[%dma_wait3A_170, %dma_wait3A_171] : memref<10000x64xf32, #tpu.memory_space<hbm>> -> memref<10000x64xf32, #tpu.memory_space<hbm>>
      tpu.wait_indirect_dma semaphore(%arg11 : memref<!tpu.dma_semaphore, #tpu.memory_space<semaphore_mem>>) src(%dma_wait3A_172 : memref<10000x64xf32, #tpu.memory_space<hbm>>) dst(%dma_wait3A_166 : memref<128x64xf32, #tpu.memory_space<vmem>>)
      %add3A_173 = arith.constant 1 : i32
      %add3A_174 = arith.addi %mul3A_82, %add3A_173 : i32
      %dma_start3A_175 = arith.constant 128 : i32
      %dma_start3A_176 = arith.constant 0 : i32
      %dma_start3A_177 = tpu.memref_slice %arg9[%dma_start3A_175, %dma_start3A_176] : memref<640x64xf32, #tpu.memory_space<vmem>> -> memref<128x64xf32, #tpu.memory_space<vmem>>
      %dma_start3A_178 = arith.constant 0 : i32
      %dma_start3A_179 = tpu.memref_slice %arg8[%add3A_174, %dma_start3A_178] : memref<120x128xi32, #tpu.memory_space<vmem>> -> memref<1x128xi32, #tpu.memory_space<vmem>>
      %dma_start3A_180 = tpu.memref_squeeze %dma_start3A_179 : memref<1x128xi32, #tpu.memory_space<vmem>> -> memref<128xi32, #tpu.memory_space<vmem>>
      %dma_start3A_181 = arith.constant 0 : i32
      %dma_start3A_182 = arith.constant 0 : i32
      %dma_start3A_183 = tpu.memref_slice %arg25[%dma_start3A_181, %dma_start3A_182] : memref<10240x64xf32, #tpu.memory_space<vmem_shared>> -> memref<10240x64xf32, #tpu.memory_space<vmem_shared>>
      tpu.enqueue_indirect_dma source(%dma_start3A_177 : memref<128x64xf32, #tpu.memory_space<vmem>>) target(%dma_start3A_183 : memref<10240x64xf32, #tpu.memory_space<vmem_shared>>) offsets(%dma_start3A_180 : memref<128xi32, #tpu.memory_space<vmem>>) semaphore(%arg16 : memref<!tpu.dma_semaphore, #tpu.memory_space<semaphore_mem>>) {add = true}
      %add3A_184 = arith.constant 1 : i32
      %add3A_185 = arith.addi %mul3A_82, %add3A_184 : i32
      %dma_start3A_186 = arith.constant 0 : i32
      %dma_start3A_187 = tpu.memref_slice %arg8[%add3A_185, %dma_start3A_186] : memref<120x128xi32, #tpu.memory_space<vmem>> -> memref<1x128xi32, #tpu.memory_space<vmem>>
      %dma_start3A_188 = tpu.memref_squeeze %dma_start3A_187 : memref<1x128xi32, #tpu.memory_space<vmem>> -> memref<128xi32, #tpu.memory_space<vmem>>
      %dma_start3A_189 = arith.constant 0 : i32
      %dma_start3A_190 = arith.constant 0 : i32
      %dma_start3A_191 = tpu.memref_slice %arg27[%dma_start3A_189, %dma_start3A_190] : memref<10240x16xf32, #tpu.memory_space<vmem_shared>> -> memref<10240x16xf32, #tpu.memory_space<vmem_shared>>
      tpu.enqueue_indirect_dma source(%arg26 : memref<128x16xf32, #tpu.memory_space<vmem>>) target(%dma_start3A_191 : memref<10240x16xf32, #tpu.memory_space<vmem_shared>>) offsets(%dma_start3A_188 : memref<128xi32, #tpu.memory_space<vmem>>) semaphore(%arg21 : memref<!tpu.dma_semaphore, #tpu.memory_space<semaphore_mem>>) {add = true}
      %dma_wait3A_192 = arith.constant 256 : i32
      %dma_wait3A_193 = arith.constant 0 : i32
      %dma_wait3A_194 = tpu.memref_slice %arg9[%dma_wait3A_192, %dma_wait3A_193] : memref<640x64xf32, #tpu.memory_space<vmem>> -> memref<128x64xf32, #tpu.memory_space<vmem>>
      %dma_wait3A_195 = arith.constant 0 : i32
      %dma_wait3A_196 = tpu.memref_slice %arg7[%add3A_105, %dma_wait3A_195] : memref<120x128xi32, #tpu.memory_space<vmem>> -> memref<1x128xi32, #tpu.memory_space<vmem>>
      %dma_wait3A_197 = tpu.memref_squeeze %dma_wait3A_196 : memref<1x128xi32, #tpu.memory_space<vmem>> -> memref<128xi32, #tpu.memory_space<vmem>>
      %dma_wait3A_198 = arith.constant 0 : i32
      %dma_wait3A_199 = arith.constant 0 : i32
      %dma_wait3A_200 = tpu.memref_slice %arg2[%dma_wait3A_198, %dma_wait3A_199] : memref<10000x64xf32, #tpu.memory_space<hbm>> -> memref<10000x64xf32, #tpu.memory_space<hbm>>
      tpu.wait_indirect_dma semaphore(%arg12 : memref<!tpu.dma_semaphore, #tpu.memory_space<semaphore_mem>>) src(%dma_wait3A_200 : memref<10000x64xf32, #tpu.memory_space<hbm>>) dst(%dma_wait3A_194 : memref<128x64xf32, #tpu.memory_space<vmem>>)
      %add3A_201 = arith.constant 2 : i32
      %add3A_202 = arith.addi %mul3A_82, %add3A_201 : i32
      %dma_start3A_203 = arith.constant 256 : i32
      %dma_start3A_204 = arith.constant 0 : i32
      %dma_start3A_205 = tpu.memref_slice %arg9[%dma_start3A_203, %dma_start3A_204] : memref<640x64xf32, #tpu.memory_space<vmem>> -> memref<128x64xf32, #tpu.memory_space<vmem>>
      %dma_start3A_206 = arith.constant 0 : i32
      %dma_start3A_207 = tpu.memref_slice %arg8[%add3A_202, %dma_start3A_206] : memref<120x128xi32, #tpu.memory_space<vmem>> -> memref<1x128xi32, #tpu.memory_space<vmem>>
      %dma_start3A_208 = tpu.memref_squeeze %dma_start3A_207 : memref<1x128xi32, #tpu.memory_space<vmem>> -> memref<128xi32, #tpu.memory_space<vmem>>
      %dma_start3A_209 = arith.constant 0 : i32
      %dma_start3A_210 = arith.constant 0 : i32
      %dma_start3A_211 = tpu.memref_slice %arg25[%dma_start3A_209, %dma_start3A_210] : memref<10240x64xf32, #tpu.memory_space<vmem_shared>> -> memref<10240x64xf32, #tpu.memory_space<vmem_shared>>
      tpu.enqueue_indirect_dma source(%dma_start3A_205 : memref<128x64xf32, #tpu.memory_space<vmem>>) target(%dma_start3A_211 : memref<10240x64xf32, #tpu.memory_space<vmem_shared>>) offsets(%dma_start3A_208 : memref<128xi32, #tpu.memory_space<vmem>>) semaphore(%arg17 : memref<!tpu.dma_semaphore, #tpu.memory_space<semaphore_mem>>) {add = true}
      %add3A_212 = arith.constant 2 : i32
      %add3A_213 = arith.addi %mul3A_82, %add3A_212 : i32
      %dma_start3A_214 = arith.constant 0 : i32
      %dma_start3A_215 = tpu.memref_slice %arg8[%add3A_213, %dma_start3A_214] : memref<120x128xi32, #tpu.memory_space<vmem>> -> memref<1x128xi32, #tpu.memory_space<vmem>>
      %dma_start3A_216 = tpu.memref_squeeze %dma_start3A_215 : memref<1x128xi32, #tpu.memory_space<vmem>> -> memref<128xi32, #tpu.memory_space<vmem>>
      %dma_start3A_217 = arith.constant 0 : i32
      %dma_start3A_218 = arith.constant 0 : i32
      %dma_start3A_219 = tpu.memref_slice %arg27[%dma_start3A_217, %dma_start3A_218] : memref<10240x16xf32, #tpu.memory_space<vmem_shared>> -> memref<10240x16xf32, #tpu.memory_space<vmem_shared>>
      tpu.enqueue_indirect_dma source(%arg26 : memref<128x16xf32, #tpu.memory_space<vmem>>) target(%dma_start3A_219 : memref<10240x16xf32, #tpu.memory_space<vmem_shared>>) offsets(%dma_start3A_216 : memref<128xi32, #tpu.memory_space<vmem>>) semaphore(%arg22 : memref<!tpu.dma_semaphore, #tpu.memory_space<semaphore_mem>>) {add = true}
      %dma_wait3A_220 = arith.constant 384 : i32
      %dma_wait3A_221 = arith.constant 0 : i32
      %dma_wait3A_222 = tpu.memref_slice %arg9[%dma_wait3A_220, %dma_wait3A_221] : memref<640x64xf32, #tpu.memory_space<vmem>> -> memref<128x64xf32, #tpu.memory_space<vmem>>
      %dma_wait3A_223 = arith.constant 0 : i32
      %dma_wait3A_224 = tpu.memref_slice %arg7[%add3A_116, %dma_wait3A_223] : memref<120x128xi32, #tpu.memory_space<vmem>> -> memref<1x128xi32, #tpu.memory_space<vmem>>
      %dma_wait3A_225 = tpu.memref_squeeze %dma_wait3A_224 : memref<1x128xi32, #tpu.memory_space<vmem>> -> memref<128xi32, #tpu.memory_space<vmem>>
      %dma_wait3A_226 = arith.constant 0 : i32
      %dma_wait3A_227 = arith.constant 0 : i32
      %dma_wait3A_228 = tpu.memref_slice %arg2[%dma_wait3A_226, %dma_wait3A_227] : memref<10000x64xf32, #tpu.memory_space<hbm>> -> memref<10000x64xf32, #tpu.memory_space<hbm>>
      tpu.wait_indirect_dma semaphore(%arg13 : memref<!tpu.dma_semaphore, #tpu.memory_space<semaphore_mem>>) src(%dma_wait3A_228 : memref<10000x64xf32, #tpu.memory_space<hbm>>) dst(%dma_wait3A_222 : memref<128x64xf32, #tpu.memory_space<vmem>>)
      %add3A_229 = arith.constant 3 : i32
      %add3A_230 = arith.addi %mul3A_82, %add3A_229 : i32
      %dma_start3A_231 = arith.constant 384 : i32
      %dma_start3A_232 = arith.constant 0 : i32
      %dma_start3A_233 = tpu.memref_slice %arg9[%dma_start3A_231, %dma_start3A_232] : memref<640x64xf32, #tpu.memory_space<vmem>> -> memref<128x64xf32, #tpu.memory_space<vmem>>
      %dma_start3A_234 = arith.constant 0 : i32
      %dma_start3A_235 = tpu.memref_slice %arg8[%add3A_230, %dma_start3A_234] : memref<120x128xi32, #tpu.memory_space<vmem>> -> memref<1x128xi32, #tpu.memory_space<vmem>>
      %dma_start3A_236 = tpu.memref_squeeze %dma_start3A_235 : memref<1x128xi32, #tpu.memory_space<vmem>> -> memref<128xi32, #tpu.memory_space<vmem>>
      %dma_start3A_237 = arith.constant 0 : i32
      %dma_start3A_238 = arith.constant 0 : i32
      %dma_start3A_239 = tpu.memref_slice %arg25[%dma_start3A_237, %dma_start3A_238] : memref<10240x64xf32, #tpu.memory_space<vmem_shared>> -> memref<10240x64xf32, #tpu.memory_space<vmem_shared>>
      tpu.enqueue_indirect_dma source(%dma_start3A_233 : memref<128x64xf32, #tpu.memory_space<vmem>>) target(%dma_start3A_239 : memref<10240x64xf32, #tpu.memory_space<vmem_shared>>) offsets(%dma_start3A_236 : memref<128xi32, #tpu.memory_space<vmem>>) semaphore(%arg18 : memref<!tpu.dma_semaphore, #tpu.memory_space<semaphore_mem>>) {add = true}
      %add3A_240 = arith.constant 3 : i32
      %add3A_241 = arith.addi %mul3A_82, %add3A_240 : i32
      %dma_start3A_242 = arith.constant 0 : i32
      %dma_start3A_243 = tpu.memref_slice %arg8[%add3A_241, %dma_start3A_242] : memref<120x128xi32, #tpu.memory_space<vmem>> -> memref<1x128xi32, #tpu.memory_space<vmem>>
      %dma_start3A_244 = tpu.memref_squeeze %dma_start3A_243 : memref<1x128xi32, #tpu.memory_space<vmem>> -> memref<128xi32, #tpu.memory_space<vmem>>
      %dma_start3A_245 = arith.constant 0 : i32
      %dma_start3A_246 = arith.constant 0 : i32
      %dma_start3A_247 = tpu.memref_slice %arg27[%dma_start3A_245, %dma_start3A_246] : memref<10240x16xf32, #tpu.memory_space<vmem_shared>> -> memref<10240x16xf32, #tpu.memory_space<vmem_shared>>
      tpu.enqueue_indirect_dma source(%arg26 : memref<128x16xf32, #tpu.memory_space<vmem>>) target(%dma_start3A_247 : memref<10240x16xf32, #tpu.memory_space<vmem_shared>>) offsets(%dma_start3A_244 : memref<128xi32, #tpu.memory_space<vmem>>) semaphore(%arg23 : memref<!tpu.dma_semaphore, #tpu.memory_space<semaphore_mem>>) {add = true}
      %dma_wait3A_248 = arith.constant 512 : i32
      %dma_wait3A_249 = arith.constant 0 : i32
      %dma_wait3A_250 = tpu.memref_slice %arg9[%dma_wait3A_248, %dma_wait3A_249] : memref<640x64xf32, #tpu.memory_space<vmem>> -> memref<128x64xf32, #tpu.memory_space<vmem>>
      %dma_wait3A_251 = arith.constant 0 : i32
      %dma_wait3A_252 = tpu.memref_slice %arg7[%add3A_127, %dma_wait3A_251] : memref<120x128xi32, #tpu.memory_space<vmem>> -> memref<1x128xi32, #tpu.memory_space<vmem>>
      %dma_wait3A_253 = tpu.memref_squeeze %dma_wait3A_252 : memref<1x128xi32, #tpu.memory_space<vmem>> -> memref<128xi32, #tpu.memory_space<vmem>>
      %dma_wait3A_254 = arith.constant 0 : i32
      %dma_wait3A_255 = arith.constant 0 : i32
      %dma_wait3A_256 = tpu.memref_slice %arg2[%dma_wait3A_254, %dma_wait3A_255] : memref<10000x64xf32, #tpu.memory_space<hbm>> -> memref<10000x64xf32, #tpu.memory_space<hbm>>
      tpu.wait_indirect_dma semaphore(%arg14 : memref<!tpu.dma_semaphore, #tpu.memory_space<semaphore_mem>>) src(%dma_wait3A_256 : memref<10000x64xf32, #tpu.memory_space<hbm>>) dst(%dma_wait3A_250 : memref<128x64xf32, #tpu.memory_space<vmem>>)
      %add3A_257 = arith.constant 4 : i32
      %add3A_258 = arith.addi %mul3A_82, %add3A_257 : i32
      %dma_start3A_259 = arith.constant 512 : i32
      %dma_start3A_260 = arith.constant 0 : i32
      %dma_start3A_261 = tpu.memref_slice %arg9[%dma_start3A_259, %dma_start3A_260] : memref<640x64xf32, #tpu.memory_space<vmem>> -> memref<128x64xf32, #tpu.memory_space<vmem>>
      %dma_start3A_262 = arith.constant 0 : i32
      %dma_start3A_263 = tpu.memref_slice %arg8[%add3A_258, %dma_start3A_262] : memref<120x128xi32, #tpu.memory_space<vmem>> -> memref<1x128xi32, #tpu.memory_space<vmem>>
      %dma_start3A_264 = tpu.memref_squeeze %dma_start3A_263 : memref<1x128xi32, #tpu.memory_space<vmem>> -> memref<128xi32, #tpu.memory_space<vmem>>
      %dma_start3A_265 = arith.constant 0 : i32
      %dma_start3A_266 = arith.constant 0 : i32
      %dma_start3A_267 = tpu.memref_slice %arg25[%dma_start3A_265, %dma_start3A_266] : memref<10240x64xf32, #tpu.memory_space<vmem_shared>> -> memref<10240x64xf32, #tpu.memory_space<vmem_shared>>
      tpu.enqueue_indirect_dma source(%dma_start3A_261 : memref<128x64xf32, #tpu.memory_space<vmem>>) target(%dma_start3A_267 : memref<10240x64xf32, #tpu.memory_space<vmem_shared>>) offsets(%dma_start3A_264 : memref<128xi32, #tpu.memory_space<vmem>>) semaphore(%arg19 : memref<!tpu.dma_semaphore, #tpu.memory_space<semaphore_mem>>) {add = true}
      %add3A_268 = arith.constant 4 : i32
      %add3A_269 = arith.addi %mul3A_82, %add3A_268 : i32
      %dma_start3A_270 = arith.constant 0 : i32
      %dma_start3A_271 = tpu.memref_slice %arg8[%add3A_269, %dma_start3A_270] : memref<120x128xi32, #tpu.memory_space<vmem>> -> memref<1x128xi32, #tpu.memory_space<vmem>>
      %dma_start3A_272 = tpu.memref_squeeze %dma_start3A_271 : memref<1x128xi32, #tpu.memory_space<vmem>> -> memref<128xi32, #tpu.memory_space<vmem>>
      %dma_start3A_273 = arith.constant 0 : i32
      %dma_start3A_274 = arith.constant 0 : i32
      %dma_start3A_275 = tpu.memref_slice %arg27[%dma_start3A_273, %dma_start3A_274] : memref<10240x16xf32, #tpu.memory_space<vmem_shared>> -> memref<10240x16xf32, #tpu.memory_space<vmem_shared>>
      tpu.enqueue_indirect_dma source(%arg26 : memref<128x16xf32, #tpu.memory_space<vmem>>) target(%dma_start3A_275 : memref<10240x16xf32, #tpu.memory_space<vmem_shared>>) offsets(%dma_start3A_272 : memref<128xi32, #tpu.memory_space<vmem>>) semaphore(%arg24 : memref<!tpu.dma_semaphore, #tpu.memory_space<semaphore_mem>>) {add = true}
      %dma_wait3A_276 = arith.constant 0 : i32
      %dma_wait3A_277 = arith.constant 0 : i32
      %dma_wait3A_278 = tpu.memref_slice %arg9[%dma_wait3A_276, %dma_wait3A_277] : memref<640x64xf32, #tpu.memory_space<vmem>> -> memref<128x64xf32, #tpu.memory_space<vmem>>
      %dma_wait3A_279 = arith.constant 0 : i32
      %dma_wait3A_280 = tpu.memref_slice %arg8[%add3A_146, %dma_wait3A_279] : memref<120x128xi32, #tpu.memory_space<vmem>> -> memref<1x128xi32, #tpu.memory_space<vmem>>
      %dma_wait3A_281 = tpu.memref_squeeze %dma_wait3A_280 : memref<1x128xi32, #tpu.memory_space<vmem>> -> memref<128xi32, #tpu.memory_space<vmem>>
      %dma_wait3A_282 = arith.constant 0 : i32
      %dma_wait3A_283 = arith.constant 0 : i32
      %dma_wait3A_284 = tpu.memref_slice %arg25[%dma_wait3A_282, %dma_wait3A_283] : memref<10240x64xf32, #tpu.memory_space<vmem_shared>> -> memref<10240x64xf32, #tpu.memory_space<vmem_shared>>
      tpu.wait_indirect_dma semaphore(%arg15 : memref<!tpu.dma_semaphore, #tpu.memory_space<semaphore_mem>>) src(%dma_wait3A_278 : memref<128x64xf32, #tpu.memory_space<vmem>>) dst(%dma_wait3A_284 : memref<10240x64xf32, #tpu.memory_space<vmem_shared>>)
      %dma_wait3A_285 = arith.constant 0 : i32
      %dma_wait3A_286 = tpu.memref_slice %arg8[%add3A_157, %dma_wait3A_285] : memref<120x128xi32, #tpu.memory_space<vmem>> -> memref<1x128xi32, #tpu.memory_space<vmem>>
      %dma_wait3A_287 = tpu.memref_squeeze %dma_wait3A_286 : memref<1x128xi32, #tpu.memory_space<vmem>> -> memref<128xi32, #tpu.memory_space<vmem>>
      %dma_wait3A_288 = arith.constant 0 : i32
      %dma_wait3A_289 = arith.constant 0 : i32
      %dma_wait3A_290 = tpu.memref_slice %arg27[%dma_wait3A_288, %dma_wait3A_289] : memref<10240x16xf32, #tpu.memory_space<vmem_shared>> -> memref<10240x16xf32, #tpu.memory_space<vmem_shared>>
      tpu.wait_indirect_dma semaphore(%arg20 : memref<!tpu.dma_semaphore, #tpu.memory_space<semaphore_mem>>) src(%arg26 : memref<128x16xf32, #tpu.memory_space<vmem>>) dst(%dma_wait3A_290 : memref<10240x16xf32, #tpu.memory_space<vmem_shared>>)
      %dma_wait3A_291 = arith.constant 128 : i32
      %dma_wait3A_292 = arith.constant 0 : i32
      %dma_wait3A_293 = tpu.memref_slice %arg9[%dma_wait3A_291, %dma_wait3A_292] : memref<640x64xf32, #tpu.memory_space<vmem>> -> memref<128x64xf32, #tpu.memory_space<vmem>>
      %dma_wait3A_294 = arith.constant 0 : i32
      %dma_wait3A_295 = tpu.memref_slice %arg8[%add3A_174, %dma_wait3A_294] : memref<120x128xi32, #tpu.memory_space<vmem>> -> memref<1x128xi32, #tpu.memory_space<vmem>>
      %dma_wait3A_296 = tpu.memref_squeeze %dma_wait3A_295 : memref<1x128xi32, #tpu.memory_space<vmem>> -> memref<128xi32, #tpu.memory_space<vmem>>
      %dma_wait3A_297 = arith.constant 0 : i32
      %dma_wait3A_298 = arith.constant 0 : i32
      %dma_wait3A_299 = tpu.memref_slice %arg25[%dma_wait3A_297, %dma_wait3A_298] : memref<10240x64xf32, #tpu.memory_space<vmem_shared>> -> memref<10240x64xf32, #tpu.memory_space<vmem_shared>>
      tpu.wait_indirect_dma semaphore(%arg16 : memref<!tpu.dma_semaphore, #tpu.memory_space<semaphore_mem>>) src(%dma_wait3A_293 : memref<128x64xf32, #tpu.memory_space<vmem>>) dst(%dma_wait3A_299 : memref<10240x64xf32, #tpu.memory_space<vmem_shared>>)
      %dma_wait3A_300 = arith.constant 0 : i32
      %dma_wait3A_301 = tpu.memref_slice %arg8[%add3A_185, %dma_wait3A_300] : memref<120x128xi32, #tpu.memory_space<vmem>> -> memref<1x128xi32, #tpu.memory_space<vmem>>
      %dma_wait3A_302 = tpu.memref_squeeze %dma_wait3A_301 : memref<1x128xi32, #tpu.memory_space<vmem>> -> memref<128xi32, #tpu.memory_space<vmem>>
      %dma_wait3A_303 = arith.constant 0 : i32
      %dma_wait3A_304 = arith.constant 0 : i32
      %dma_wait3A_305 = tpu.memref_slice %arg27[%dma_wait3A_303, %dma_wait3A_304] : memref<10240x16xf32, #tpu.memory_space<vmem_shared>> -> memref<10240x16xf32, #tpu.memory_space<vmem_shared>>
      tpu.wait_indirect_dma semaphore(%arg21 : memref<!tpu.dma_semaphore, #tpu.memory_space<semaphore_mem>>) src(%arg26 : memref<128x16xf32, #tpu.memory_space<vmem>>) dst(%dma_wait3A_305 : memref<10240x16xf32, #tpu.memory_space<vmem_shared>>)
      %dma_wait3A_306 = arith.constant 256 : i32
      %dma_wait3A_307 = arith.constant 0 : i32
      %dma_wait3A_308 = tpu.memref_slice %arg9[%dma_wait3A_306, %dma_wait3A_307] : memref<640x64xf32, #tpu.memory_space<vmem>> -> memref<128x64xf32, #tpu.memory_space<vmem>>
      %dma_wait3A_309 = arith.constant 0 : i32
      %dma_wait3A_310 = tpu.memref_slice %arg8[%add3A_202, %dma_wait3A_309] : memref<120x128xi32, #tpu.memory_space<vmem>> -> memref<1x128xi32, #tpu.memory_space<vmem>>
      %dma_wait3A_311 = tpu.memref_squeeze %dma_wait3A_310 : memref<1x128xi32, #tpu.memory_space<vmem>> -> memref<128xi32, #tpu.memory_space<vmem>>
      %dma_wait3A_312 = arith.constant 0 : i32
      %dma_wait3A_313 = arith.constant 0 : i32
      %dma_wait3A_314 = tpu.memref_slice %arg25[%dma_wait3A_312, %dma_wait3A_313] : memref<10240x64xf32, #tpu.memory_space<vmem_shared>> -> memref<10240x64xf32, #tpu.memory_space<vmem_shared>>
      tpu.wait_indirect_dma semaphore(%arg17 : memref<!tpu.dma_semaphore, #tpu.memory_space<semaphore_mem>>) src(%dma_wait3A_308 : memref<128x64xf32, #tpu.memory_space<vmem>>) dst(%dma_wait3A_314 : memref<10240x64xf32, #tpu.memory_space<vmem_shared>>)
      %dma_wait3A_315 = arith.constant 0 : i32
      %dma_wait3A_316 = tpu.memref_slice %arg8[%add3A_213, %dma_wait3A_315] : memref<120x128xi32, #tpu.memory_space<vmem>> -> memref<1x128xi32, #tpu.memory_space<vmem>>
      %dma_wait3A_317 = tpu.memref_squeeze %dma_wait3A_316 : memref<1x128xi32, #tpu.memory_space<vmem>> -> memref<128xi32, #tpu.memory_space<vmem>>
      %dma_wait3A_318 = arith.constant 0 : i32
      %dma_wait3A_319 = arith.constant 0 : i32
      %dma_wait3A_320 = tpu.memref_slice %arg27[%dma_wait3A_318, %dma_wait3A_319] : memref<10240x16xf32, #tpu.memory_space<vmem_shared>> -> memref<10240x16xf32, #tpu.memory_space<vmem_shared>>
      tpu.wait_indirect_dma semaphore(%arg22 : memref<!tpu.dma_semaphore, #tpu.memory_space<semaphore_mem>>) src(%arg26 : memref<128x16xf32, #tpu.memory_space<vmem>>) dst(%dma_wait3A_320 : memref<10240x16xf32, #tpu.memory_space<vmem_shared>>)
      %dma_wait3A_321 = arith.constant 384 : i32
      %dma_wait3A_322 = arith.constant 0 : i32
      %dma_wait3A_323 = tpu.memref_slice %arg9[%dma_wait3A_321, %dma_wait3A_322] : memref<640x64xf32, #tpu.memory_space<vmem>> -> memref<128x64xf32, #tpu.memory_space<vmem>>
      %dma_wait3A_324 = arith.constant 0 : i32
      %dma_wait3A_325 = tpu.memref_slice %arg8[%add3A_230, %dma_wait3A_324] : memref<120x128xi32, #tpu.memory_space<vmem>> -> memref<1x128xi32, #tpu.memory_space<vmem>>
      %dma_wait3A_326 = tpu.memref_squeeze %dma_wait3A_325 : memref<1x128xi32, #tpu.memory_space<vmem>> -> memref<128xi32, #tpu.memory_space<vmem>>
      %dma_wait3A_327 = arith.constant 0 : i32
      %dma_wait3A_328 = arith.constant 0 : i32
      %dma_wait3A_329 = tpu.memref_slice %arg25[%dma_wait3A_327, %dma_wait3A_328] : memref<10240x64xf32, #tpu.memory_space<vmem_shared>> -> memref<10240x64xf32, #tpu.memory_space<vmem_shared>>
      tpu.wait_indirect_dma semaphore(%arg18 : memref<!tpu.dma_semaphore, #tpu.memory_space<semaphore_mem>>) src(%dma_wait3A_323 : memref<128x64xf32, #tpu.memory_space<vmem>>) dst(%dma_wait3A_329 : memref<10240x64xf32, #tpu.memory_space<vmem_shared>>)
      %dma_wait3A_330 = arith.constant 0 : i32
      %dma_wait3A_331 = tpu.memref_slice %arg8[%add3A_241, %dma_wait3A_330] : memref<120x128xi32, #tpu.memory_space<vmem>> -> memref<1x128xi32, #tpu.memory_space<vmem>>
      %dma_wait3A_332 = tpu.memref_squeeze %dma_wait3A_331 : memref<1x128xi32, #tpu.memory_space<vmem>> -> memref<128xi32, #tpu.memory_space<vmem>>
      %dma_wait3A_333 = arith.constant 0 : i32
      %dma_wait3A_334 = arith.constant 0 : i32
      %dma_wait3A_335 = tpu.memref_slice %arg27[%dma_wait3A_333, %dma_wait3A_334] : memref<10240x16xf32, #tpu.memory_space<vmem_shared>> -> memref<10240x16xf32, #tpu.memory_space<vmem_shared>>
      tpu.wait_indirect_dma semaphore(%arg23 : memref<!tpu.dma_semaphore, #tpu.memory_space<semaphore_mem>>) src(%arg26 : memref<128x16xf32, #tpu.memory_space<vmem>>) dst(%dma_wait3A_335 : memref<10240x16xf32, #tpu.memory_space<vmem_shared>>)
      %dma_wait3A_336 = arith.constant 512 : i32
      %dma_wait3A_337 = arith.constant 0 : i32
      %dma_wait3A_338 = tpu.memref_slice %arg9[%dma_wait3A_336, %dma_wait3A_337] : memref<640x64xf32, #tpu.memory_space<vmem>> -> memref<128x64xf32, #tpu.memory_space<vmem>>
      %dma_wait3A_339 = arith.constant 0 : i32
      %dma_wait3A_340 = tpu.memref_slice %arg8[%add3A_258, %dma_wait3A_339] : memref<120x128xi32, #tpu.memory_space<vmem>> -> memref<1x128xi32, #tpu.memory_space<vmem>>
      %dma_wait3A_341 = tpu.memref_squeeze %dma_wait3A_340 : memref<1x128xi32, #tpu.memory_space<vmem>> -> memref<128xi32, #tpu.memory_space<vmem>>
      %dma_wait3A_342 = arith.constant 0 : i32
      %dma_wait3A_343 = arith.constant 0 : i32
      %dma_wait3A_344 = tpu.memref_slice %arg25[%dma_wait3A_342, %dma_wait3A_343] : memref<10240x64xf32, #tpu.memory_space<vmem_shared>> -> memref<10240x64xf32, #tpu.memory_space<vmem_shared>>
      tpu.wait_indirect_dma semaphore(%arg19 : memref<!tpu.dma_semaphore, #tpu.memory_space<semaphore_mem>>) src(%dma_wait3A_338 : memref<128x64xf32, #tpu.memory_space<vmem>>) dst(%dma_wait3A_344 : memref<10240x64xf32, #tpu.memory_space<vmem_shared>>)
      %dma_wait3A_345 = arith.constant 0 : i32
      %dma_wait3A_346 = tpu.memref_slice %arg8[%add3A_269, %dma_wait3A_345] : memref<120x128xi32, #tpu.memory_space<vmem>> -> memref<1x128xi32, #tpu.memory_space<vmem>>
      %dma_wait3A_347 = tpu.memref_squeeze %dma_wait3A_346 : memref<1x128xi32, #tpu.memory_space<vmem>> -> memref<128xi32, #tpu.memory_space<vmem>>
      %dma_wait3A_348 = arith.constant 0 : i32
      %dma_wait3A_349 = arith.constant 0 : i32
      %dma_wait3A_350 = tpu.memref_slice %arg27[%dma_wait3A_348, %dma_wait3A_349] : memref<10240x16xf32, #tpu.memory_space<vmem_shared>> -> memref<10240x16xf32, #tpu.memory_space<vmem_shared>>
      tpu.wait_indirect_dma semaphore(%arg24 : memref<!tpu.dma_semaphore, #tpu.memory_space<semaphore_mem>>) src(%arg26 : memref<128x16xf32, #tpu.memory_space<vmem>>) dst(%dma_wait3A_350 : memref<10240x16xf32, #tpu.memory_space<vmem_shared>>)
      %while3A_351 = arith.constant 0 : i32
      scf.yield %while3A_351 : i32
    }
    %while3A_73 = arith.constant 1 : i32
    %while3A_74 = scf.for %while3A_79 = %while3A_70 to %while3A_66 step %while3A_73 iter_args(%while3A_80 = %while3A_72) -> (i32)  : i32 {
      %mul3A_81 = arith.constant 5 : i32
      %mul3A_82 = arith.muli %while3A_79, %mul3A_81 : i32
      %add3A_83 = arith.constant 0 : i32
      %add3A_84 = arith.addi %mul3A_82, %add3A_83 : i32
      %dma_start3A = arith.constant 0 : i32
      %dma_start3A_85 = arith.constant 0 : i32
      %dma_start3A_86 = tpu.memref_slice %arg9[%dma_start3A, %dma_start3A_85] : memref<640x64xf32, #tpu.memory_space<vmem>> -> memref<128x64xf32, #tpu.memory_space<vmem>>
      %dma_start3A_87 = arith.constant 0 : i32
      %dma_start3A_88 = tpu.memref_slice %arg7[%add3A_84, %dma_start3A_87] : memref<120x128xi32, #tpu.memory_space<vmem>> -> memref<1x128xi32, #tpu.memory_space<vmem>>
      %dma_start3A_89 = tpu.memref_squeeze %dma_start3A_88 : memref<1x128xi32, #tpu.memory_space<vmem>> -> memref<128xi32, #tpu.memory_space<vmem>>
      %dma_start3A_90 = arith.constant 0 : i32
      %dma_start3A_91 = arith.constant 0 : i32
      %dma_start3A_92 = tpu.memref_slice %arg2[%dma_start3A_90, %dma_start3A_91] : memref<10000x64xf32, #tpu.memory_space<hbm>> -> memref<10000x64xf32, #tpu.memory_space<hbm>>
      tpu.enqueue_indirect_dma source(%dma_start3A_92 : memref<10000x64xf32, #tpu.memory_space<hbm>>) target(%dma_start3A_86 : memref<128x64xf32, #tpu.memory_space<vmem>>) offsets(%dma_start3A_89 : memref<128xi32, #tpu.memory_space<vmem>>) semaphore(%arg10 : memref<!tpu.dma_semaphore, #tpu.memory_space<semaphore_mem>>)
      %add3A_93 = arith.constant 1 : i32
      %add3A_94 = arith.addi %mul3A_82, %add3A_93 : i32
      %dma_start3A_95 = arith.constant 128 : i32
      %dma_start3A_96 = arith.constant 0 : i32
      %dma_start3A_97 = tpu.memref_slice %arg9[%dma_start3A_95, %dma_start3A_96] : memref<640x64xf32, #tpu.memory_space<vmem>> -> memref<128x64xf32, #tpu.memory_space<vmem>>
      %dma_start3A_98 = arith.constant 0 : i32
      %dma_start3A_99 = tpu.memref_slice %arg7[%add3A_94, %dma_start3A_98] : memref<120x128xi32, #tpu.memory_space<vmem>> -> memref<1x128xi32, #tpu.memory_space<vmem>>
      %dma_start3A_100 = tpu.memref_squeeze %dma_start3A_99 : memref<1x128xi32, #tpu.memory_space<vmem>> -> memref<128xi32, #tpu.memory_space<vmem>>
      %dma_start3A_101 = arith.constant 0 : i32
      %dma_start3A_102 = arith.constant 0 : i32
      %dma_start3A_103 = tpu.memref_slice %arg2[%dma_start3A_101, %dma_start3A_102] : memref<10000x64xf32, #tpu.memory_space<hbm>> -> memref<10000x64xf32, #tpu.memory_space<hbm>>
      tpu.enqueue_indirect_dma source(%dma_start3A_103 : memref<10000x64xf32, #tpu.memory_space<hbm>>) target(%dma_start3A_97 : memref<128x64xf32, #tpu.memory_space<vmem>>) offsets(%dma_start3A_100 : memref<128xi32, #tpu.memory_space<vmem>>) semaphore(%arg11 : memref<!tpu.dma_semaphore, #tpu.memory_space<semaphore_mem>>)
      %add3A_104 = arith.constant 2 : i32
      %add3A_105 = arith.addi %mul3A_82, %add3A_104 : i32
      %dma_start3A_106 = arith.constant 256 : i32
      %dma_start3A_107 = arith.constant 0 : i32
      %dma_start3A_108 = tpu.memref_slice %arg9[%dma_start3A_106, %dma_start3A_107] : memref<640x64xf32, #tpu.memory_space<vmem>> -> memref<128x64xf32, #tpu.memory_space<vmem>>
      %dma_start3A_109 = arith.constant 0 : i32
      %dma_start3A_110 = tpu.memref_slice %arg7[%add3A_105, %dma_start3A_109] : memref<120x128xi32, #tpu.memory_space<vmem>> -> memref<1x128xi32, #tpu.memory_space<vmem>>
      %dma_start3A_111 = tpu.memref_squeeze %dma_start3A_110 : memref<1x128xi32, #tpu.memory_space<vmem>> -> memref<128xi32, #tpu.memory_space<vmem>>
      %dma_start3A_112 = arith.constant 0 : i32
      %dma_start3A_113 = arith.constant 0 : i32
      %dma_start3A_114 = tpu.memref_slice %arg2[%dma_start3A_112, %dma_start3A_113] : memref<10000x64xf32, #tpu.memory_space<hbm>> -> memref<10000x64xf32, #tpu.memory_space<hbm>>
      tpu.enqueue_indirect_dma source(%dma_start3A_114 : memref<10000x64xf32, #tpu.memory_space<hbm>>) target(%dma_start3A_108 : memref<128x64xf32, #tpu.memory_space<vmem>>) offsets(%dma_start3A_111 : memref<128xi32, #tpu.memory_space<vmem>>) semaphore(%arg12 : memref<!tpu.dma_semaphore, #tpu.memory_space<semaphore_mem>>)
      %add3A_115 = arith.constant 3 : i32
      %add3A_116 = arith.addi %mul3A_82, %add3A_115 : i32
      %dma_start3A_117 = arith.constant 384 : i32
      %dma_start3A_118 = arith.constant 0 : i32
      %dma_start3A_119 = tpu.memref_slice %arg9[%dma_start3A_117, %dma_start3A_118] : memref<640x64xf32, #tpu.memory_space<vmem>> -> memref<128x64xf32, #tpu.memory_space<vmem>>
      %dma_start3A_120 = arith.constant 0 : i32
      %dma_start3A_121 = tpu.memref_slice %arg7[%add3A_116, %dma_start3A_120] : memref<120x128xi32, #tpu.memory_space<vmem>> -> memref<1x128xi32, #tpu.memory_space<vmem>>
      %dma_start3A_122 = tpu.memref_squeeze %dma_start3A_121 : memref<1x128xi32, #tpu.memory_space<vmem>> -> memref<128xi32, #tpu.memory_space<vmem>>
      %dma_start3A_123 = arith.constant 0 : i32
      %dma_start3A_124 = arith.constant 0 : i32
      %dma_start3A_125 = tpu.memref_slice %arg2[%dma_start3A_123, %dma_start3A_124] : memref<10000x64xf32, #tpu.memory_space<hbm>> -> memref<10000x64xf32, #tpu.memory_space<hbm>>
      tpu.enqueue_indirect_dma source(%dma_start3A_125 : memref<10000x64xf32, #tpu.memory_space<hbm>>) target(%dma_start3A_119 : memref<128x64xf32, #tpu.memory_space<vmem>>) offsets(%dma_start3A_122 : memref<128xi32, #tpu.memory_space<vmem>>) semaphore(%arg13 : memref<!tpu.dma_semaphore, #tpu.memory_space<semaphore_mem>>)
      %add3A_126 = arith.constant 4 : i32
      %add3A_127 = arith.addi %mul3A_82, %add3A_126 : i32
      %dma_start3A_128 = arith.constant 512 : i32
      %dma_start3A_129 = arith.constant 0 : i32
      %dma_start3A_130 = tpu.memref_slice %arg9[%dma_start3A_128, %dma_start3A_129] : memref<640x64xf32, #tpu.memory_space<vmem>> -> memref<128x64xf32, #tpu.memory_space<vmem>>
      %dma_start3A_131 = arith.constant 0 : i32
      %dma_start3A_132 = tpu.memref_slice %arg7[%add3A_127, %dma_start3A_131] : memref<120x128xi32, #tpu.memory_space<vmem>> -> memref<1x128xi32, #tpu.memory_space<vmem>>
      %dma_start3A_133 = tpu.memref_squeeze %dma_start3A_132 : memref<1x128xi32, #tpu.memory_space<vmem>> -> memref<128xi32, #tpu.memory_space<vmem>>
      %dma_start3A_134 = arith.constant 0 : i32
      %dma_start3A_135 = arith.constant 0 : i32
      %dma_start3A_136 = tpu.memref_slice %arg2[%dma_start3A_134, %dma_start3A_135] : memref<10000x64xf32, #tpu.memory_space<hbm>> -> memref<10000x64xf32, #tpu.memory_space<hbm>>
      tpu.enqueue_indirect_dma source(%dma_start3A_136 : memref<10000x64xf32, #tpu.memory_space<hbm>>) target(%dma_start3A_130 : memref<128x64xf32, #tpu.memory_space<vmem>>) offsets(%dma_start3A_133 : memref<128xi32, #tpu.memory_space<vmem>>) semaphore(%arg14 : memref<!tpu.dma_semaphore, #tpu.memory_space<semaphore_mem>>)
      %dma_wait3A = arith.constant 0 : i32
      %dma_wait3A_137 = arith.constant 0 : i32
      %dma_wait3A_138 = tpu.memref_slice %arg9[%dma_wait3A, %dma_wait3A_137] : memref<640x64xf32, #tpu.memory_space<vmem>> -> memref<128x64xf32, #tpu.memory_space<vmem>>
      %dma_wait3A_139 = arith.constant 0 : i32
      %dma_wait3A_140 = tpu.memref_slice %arg7[%add3A_84, %dma_wait3A_139] : memref<120x128xi32, #tpu.memory_space<vmem>> -> memref<1x128xi32, #tpu.memory_space<vmem>>
      %dma_wait3A_141 = tpu.memref_squeeze %dma_wait3A_140 : memref<1x128xi32, #tpu.memory_space<vmem>> -> memref<128xi32, #tpu.memory_space<vmem>>
      %dma_wait3A_142 = arith.constant 0 : i32
      %dma_wait3A_143 = arith.constant 0 : i32
      %dma_wait3A_144 = tpu.memref_slice %arg2[%dma_wait3A_142, %dma_wait3A_143] : memref<10000x64xf32, #tpu.memory_space<hbm>> -> memref<10000x64xf32, #tpu.memory_space<hbm>>
      tpu.wait_indirect_dma semaphore(%arg10 : memref<!tpu.dma_semaphore, #tpu.memory_space<semaphore_mem>>) src(%dma_wait3A_144 : memref<10000x64xf32, #tpu.memory_space<hbm>>) dst(%dma_wait3A_138 : memref<128x64xf32, #tpu.memory_space<vmem>>)
      %add3A_145 = arith.constant 0 : i32
      %add3A_146 = arith.addi %mul3A_82, %add3A_145 : i32
      %dma_start3A_147 = arith.constant 0 : i32
      %dma_start3A_148 = arith.constant 0 : i32
      %dma_start3A_149 = tpu.memref_slice %arg9[%dma_start3A_147, %dma_start3A_148] : memref<640x64xf32, #tpu.memory_space<vmem>> -> memref<128x64xf32, #tpu.memory_space<vmem>>
      %dma_start3A_150 = arith.constant 0 : i32
      %dma_start3A_151 = tpu.memref_slice %arg8[%add3A_146, %dma_start3A_150] : memref<120x128xi32, #tpu.memory_space<vmem>> -> memref<1x128xi32, #tpu.memory_space<vmem>>
      %dma_start3A_152 = tpu.memref_squeeze %dma_start3A_151 : memref<1x128xi32, #tpu.memory_space<vmem>> -> memref<128xi32, #tpu.memory_space<vmem>>
      %dma_start3A_153 = arith.constant 0 : i32
      %dma_start3A_154 = arith.constant 0 : i32
      %dma_start3A_155 = tpu.memref_slice %arg25[%dma_start3A_153, %dma_start3A_154] : memref<10240x64xf32, #tpu.memory_space<vmem_shared>> -> memref<10240x64xf32, #tpu.memory_space<vmem_shared>>
      tpu.enqueue_indirect_dma source(%dma_start3A_149 : memref<128x64xf32, #tpu.memory_space<vmem>>) target(%dma_start3A_155 : memref<10240x64xf32, #tpu.memory_space<vmem_shared>>) offsets(%dma_start3A_152 : memref<128xi32, #tpu.memory_space<vmem>>) semaphore(%arg15 : memref<!tpu.dma_semaphore, #tpu.memory_space<semaphore_mem>>) {add = true}
      %add3A_156 = arith.constant 0 : i32
      %add3A_157 = arith.addi %mul3A_82, %add3A_156 : i32
      %dma_start3A_158 = arith.constant 0 : i32
      %dma_start3A_159 = tpu.memref_slice %arg8[%add3A_157, %dma_start3A_158] : memref<120x128xi32, #tpu.memory_space<vmem>> -> memref<1x128xi32, #tpu.memory_space<vmem>>
      %dma_start3A_160 = tpu.memref_squeeze %dma_start3A_159 : memref<1x128xi32, #tpu.memory_space<vmem>> -> memref<128xi32, #tpu.memory_space<vmem>>
      %dma_start3A_161 = arith.constant 0 : i32
      %dma_start3A_162 = arith.constant 0 : i32
      %dma_start3A_163 = tpu.memref_slice %arg27[%dma_start3A_161, %dma_start3A_162] : memref<10240x16xf32, #tpu.memory_space<vmem_shared>> -> memref<10240x16xf32, #tpu.memory_space<vmem_shared>>
      tpu.enqueue_indirect_dma source(%arg26 : memref<128x16xf32, #tpu.memory_space<vmem>>) target(%dma_start3A_163 : memref<10240x16xf32, #tpu.memory_space<vmem_shared>>) offsets(%dma_start3A_160 : memref<128xi32, #tpu.memory_space<vmem>>) semaphore(%arg20 : memref<!tpu.dma_semaphore, #tpu.memory_space<semaphore_mem>>) {add = true}
      %dma_wait3A_164 = arith.constant 128 : i32
      %dma_wait3A_165 = arith.constant 0 : i32
      %dma_wait3A_166 = tpu.memref_slice %arg9[%dma_wait3A_164, %dma_wait3A_165] : memref<640x64xf32, #tpu.memory_space<vmem>> -> memref<128x64xf32, #tpu.memory_space<vmem>>
      %dma_wait3A_167 = arith.constant 0 : i32
      %dma_wait3A_168 = tpu.memref_slice %arg7[%add3A_94, %dma_wait3A_167] : memref<120x128xi32, #tpu.memory_space<vmem>> -> memref<1x128xi32, #tpu.memory_space<vmem>>
      %dma_wait3A_169 = tpu.memref_squeeze %dma_wait3A_168 : memref<1x128xi32, #tpu.memory_space<vmem>> -> memref<128xi32, #tpu.memory_space<vmem>>
      %dma_wait3A_170 = arith.constant 0 : i32
      %dma_wait3A_171 = arith.constant 0 : i32
      %dma_wait3A_172 = tpu.memref_slice %arg2[%dma_wait3A_170, %dma_wait3A_171] : memref<10000x64xf32, #tpu.memory_space<hbm>> -> memref<10000x64xf32, #tpu.memory_space<hbm>>
      tpu.wait_indirect_dma semaphore(%arg11 : memref<!tpu.dma_semaphore, #tpu.memory_space<semaphore_mem>>) src(%dma_wait3A_172 : memref<10000x64xf32, #tpu.memory_space<hbm>>) dst(%dma_wait3A_166 : memref<128x64xf32, #tpu.memory_space<vmem>>)
      %add3A_173 = arith.constant 1 : i32
      %add3A_174 = arith.addi %mul3A_82, %add3A_173 : i32
      %dma_start3A_175 = arith.constant 128 : i32
      %dma_start3A_176 = arith.constant 0 : i32
      %dma_start3A_177 = tpu.memref_slice %arg9[%dma_start3A_175, %dma_start3A_176] : memref<640x64xf32, #tpu.memory_space<vmem>> -> memref<128x64xf32, #tpu.memory_space<vmem>>
      %dma_start3A_178 = arith.constant 0 : i32
      %dma_start3A_179 = tpu.memref_slice %arg8[%add3A_174, %dma_start3A_178] : memref<120x128xi32, #tpu.memory_space<vmem>> -> memref<1x128xi32, #tpu.memory_space<vmem>>
      %dma_start3A_180 = tpu.memref_squeeze %dma_start3A_179 : memref<1x128xi32, #tpu.memory_space<vmem>> -> memref<128xi32, #tpu.memory_space<vmem>>
      %dma_start3A_181 = arith.constant 0 : i32
      %dma_start3A_182 = arith.constant 0 : i32
      %dma_start3A_183 = tpu.memref_slice %arg25[%dma_start3A_181, %dma_start3A_182] : memref<10240x64xf32, #tpu.memory_space<vmem_shared>> -> memref<10240x64xf32, #tpu.memory_space<vmem_shared>>
      tpu.enqueue_indirect_dma source(%dma_start3A_177 : memref<128x64xf32, #tpu.memory_space<vmem>>) target(%dma_start3A_183 : memref<10240x64xf32, #tpu.memory_space<vmem_shared>>) offsets(%dma_start3A_180 : memref<128xi32, #tpu.memory_space<vmem>>) semaphore(%arg16 : memref<!tpu.dma_semaphore, #tpu.memory_space<semaphore_mem>>) {add = true}
      %add3A_184 = arith.constant 1 : i32
      %add3A_185 = arith.addi %mul3A_82, %add3A_184 : i32
      %dma_start3A_186 = arith.constant 0 : i32
      %dma_start3A_187 = tpu.memref_slice %arg8[%add3A_185, %dma_start3A_186] : memref<120x128xi32, #tpu.memory_space<vmem>> -> memref<1x128xi32, #tpu.memory_space<vmem>>
      %dma_start3A_188 = tpu.memref_squeeze %dma_start3A_187 : memref<1x128xi32, #tpu.memory_space<vmem>> -> memref<128xi32, #tpu.memory_space<vmem>>
      %dma_start3A_189 = arith.constant 0 : i32
      %dma_start3A_190 = arith.constant 0 : i32
      %dma_start3A_191 = tpu.memref_slice %arg27[%dma_start3A_189, %dma_start3A_190] : memref<10240x16xf32, #tpu.memory_space<vmem_shared>> -> memref<10240x16xf32, #tpu.memory_space<vmem_shared>>
      tpu.enqueue_indirect_dma source(%arg26 : memref<128x16xf32, #tpu.memory_space<vmem>>) target(%dma_start3A_191 : memref<10240x16xf32, #tpu.memory_space<vmem_shared>>) offsets(%dma_start3A_188 : memref<128xi32, #tpu.memory_space<vmem>>) semaphore(%arg21 : memref<!tpu.dma_semaphore, #tpu.memory_space<semaphore_mem>>) {add = true}
      %dma_wait3A_192 = arith.constant 256 : i32
      %dma_wait3A_193 = arith.constant 0 : i32
      %dma_wait3A_194 = tpu.memref_slice %arg9[%dma_wait3A_192, %dma_wait3A_193] : memref<640x64xf32, #tpu.memory_space<vmem>> -> memref<128x64xf32, #tpu.memory_space<vmem>>
      %dma_wait3A_195 = arith.constant 0 : i32
      %dma_wait3A_196 = tpu.memref_slice %arg7[%add3A_105, %dma_wait3A_195] : memref<120x128xi32, #tpu.memory_space<vmem>> -> memref<1x128xi32, #tpu.memory_space<vmem>>
      %dma_wait3A_197 = tpu.memref_squeeze %dma_wait3A_196 : memref<1x128xi32, #tpu.memory_space<vmem>> -> memref<128xi32, #tpu.memory_space<vmem>>
      %dma_wait3A_198 = arith.constant 0 : i32
      %dma_wait3A_199 = arith.constant 0 : i32
      %dma_wait3A_200 = tpu.memref_slice %arg2[%dma_wait3A_198, %dma_wait3A_199] : memref<10000x64xf32, #tpu.memory_space<hbm>> -> memref<10000x64xf32, #tpu.memory_space<hbm>>
      tpu.wait_indirect_dma semaphore(%arg12 : memref<!tpu.dma_semaphore, #tpu.memory_space<semaphore_mem>>) src(%dma_wait3A_200 : memref<10000x64xf32, #tpu.memory_space<hbm>>) dst(%dma_wait3A_194 : memref<128x64xf32, #tpu.memory_space<vmem>>)
      %add3A_201 = arith.constant 2 : i32
      %add3A_202 = arith.addi %mul3A_82, %add3A_201 : i32
      %dma_start3A_203 = arith.constant 256 : i32
      %dma_start3A_204 = arith.constant 0 : i32
      %dma_start3A_205 = tpu.memref_slice %arg9[%dma_start3A_203, %dma_start3A_204] : memref<640x64xf32, #tpu.memory_space<vmem>> -> memref<128x64xf32, #tpu.memory_space<vmem>>
      %dma_start3A_206 = arith.constant 0 : i32
      %dma_start3A_207 = tpu.memref_slice %arg8[%add3A_202, %dma_start3A_206] : memref<120x128xi32, #tpu.memory_space<vmem>> -> memref<1x128xi32, #tpu.memory_space<vmem>>
      %dma_start3A_208 = tpu.memref_squeeze %dma_start3A_207 : memref<1x128xi32, #tpu.memory_space<vmem>> -> memref<128xi32, #tpu.memory_space<vmem>>
      %dma_start3A_209 = arith.constant 0 : i32
      %dma_start3A_210 = arith.constant 0 : i32
      %dma_start3A_211 = tpu.memref_slice %arg25[%dma_start3A_209, %dma_start3A_210] : memref<10240x64xf32, #tpu.memory_space<vmem_shared>> -> memref<10240x64xf32, #tpu.memory_space<vmem_shared>>
      tpu.enqueue_indirect_dma source(%dma_start3A_205 : memref<128x64xf32, #tpu.memory_space<vmem>>) target(%dma_start3A_211 : memref<10240x64xf32, #tpu.memory_space<vmem_shared>>) offsets(%dma_start3A_208 : memref<128xi32, #tpu.memory_space<vmem>>) semaphore(%arg17 : memref<!tpu.dma_semaphore, #tpu.memory_space<semaphore_mem>>) {add = true}
      %add3A_212 = arith.constant 2 : i32
      %add3A_213 = arith.addi %mul3A_82, %add3A_212 : i32
      %dma_start3A_214 = arith.constant 0 : i32
      %dma_start3A_215 = tpu.memref_slice %arg8[%add3A_213, %dma_start3A_214] : memref<120x128xi32, #tpu.memory_space<vmem>> -> memref<1x128xi32, #tpu.memory_space<vmem>>
      %dma_start3A_216 = tpu.memref_squeeze %dma_start3A_215 : memref<1x128xi32, #tpu.memory_space<vmem>> -> memref<128xi32, #tpu.memory_space<vmem>>
      %dma_start3A_217 = arith.constant 0 : i32
      %dma_start3A_218 = arith.constant 0 : i32
      %dma_start3A_219 = tpu.memref_slice %arg27[%dma_start3A_217, %dma_start3A_218] : memref<10240x16xf32, #tpu.memory_space<vmem_shared>> -> memref<10240x16xf32, #tpu.memory_space<vmem_shared>>
      tpu.enqueue_indirect_dma source(%arg26 : memref<128x16xf32, #tpu.memory_space<vmem>>) target(%dma_start3A_219 : memref<10240x16xf32, #tpu.memory_space<vmem_shared>>) offsets(%dma_start3A_216 : memref<128xi32, #tpu.memory_space<vmem>>) semaphore(%arg22 : memref<!tpu.dma_semaphore, #tpu.memory_space<semaphore_mem>>) {add = true}
      %dma_wait3A_220 = arith.constant 384 : i32
      %dma_wait3A_221 = arith.constant 0 : i32
      %dma_wait3A_222 = tpu.memref_slice %arg9[%dma_wait3A_220, %dma_wait3A_221] : memref<640x64xf32, #tpu.memory_space<vmem>> -> memref<128x64xf32, #tpu.memory_space<vmem>>
      %dma_wait3A_223 = arith.constant 0 : i32
      %dma_wait3A_224 = tpu.memref_slice %arg7[%add3A_116, %dma_wait3A_223] : memref<120x128xi32, #tpu.memory_space<vmem>> -> memref<1x128xi32, #tpu.memory_space<vmem>>
      %dma_wait3A_225 = tpu.memref_squeeze %dma_wait3A_224 : memref<1x128xi32, #tpu.memory_space<vmem>> -> memref<128xi32, #tpu.memory_space<vmem>>
      %dma_wait3A_226 = arith.constant 0 : i32
      %dma_wait3A_227 = arith.constant 0 : i32
      %dma_wait3A_228 = tpu.memref_slice %arg2[%dma_wait3A_226, %dma_wait3A_227] : memref<10000x64xf32, #tpu.memory_space<hbm>> -> memref<10000x64xf32, #tpu.memory_space<hbm>>
      tpu.wait_indirect_dma semaphore(%arg13 : memref<!tpu.dma_semaphore, #tpu.memory_space<semaphore_mem>>) src(%dma_wait3A_228 : memref<10000x64xf32, #tpu.memory_space<hbm>>) dst(%dma_wait3A_222 : memref<128x64xf32, #tpu.memory_space<vmem>>)
      %add3A_229 = arith.constant 3 : i32
      %add3A_230 = arith.addi %mul3A_82, %add3A_229 : i32
      %dma_start3A_231 = arith.constant 384 : i32
      %dma_start3A_232 = arith.constant 0 : i32
      %dma_start3A_233 = tpu.memref_slice %arg9[%dma_start3A_231, %dma_start3A_232] : memref<640x64xf32, #tpu.memory_space<vmem>> -> memref<128x64xf32, #tpu.memory_space<vmem>>
      %dma_start3A_234 = arith.constant 0 : i32
      %dma_start3A_235 = tpu.memref_slice %arg8[%add3A_230, %dma_start3A_234] : memref<120x128xi32, #tpu.memory_space<vmem>> -> memref<1x128xi32, #tpu.memory_space<vmem>>
      %dma_start3A_236 = tpu.memref_squeeze %dma_start3A_235 : memref<1x128xi32, #tpu.memory_space<vmem>> -> memref<128xi32, #tpu.memory_space<vmem>>
      %dma_start3A_237 = arith.constant 0 : i32
      %dma_start3A_238 = arith.constant 0 : i32
      %dma_start3A_239 = tpu.memref_slice %arg25[%dma_start3A_237, %dma_start3A_238] : memref<10240x64xf32, #tpu.memory_space<vmem_shared>> -> memref<10240x64xf32, #tpu.memory_space<vmem_shared>>
      tpu.enqueue_indirect_dma source(%dma_start3A_233 : memref<128x64xf32, #tpu.memory_space<vmem>>) target(%dma_start3A_239 : memref<10240x64xf32, #tpu.memory_space<vmem_shared>>) offsets(%dma_start3A_236 : memref<128xi32, #tpu.memory_space<vmem>>) semaphore(%arg18 : memref<!tpu.dma_semaphore, #tpu.memory_space<semaphore_mem>>) {add = true}
      %add3A_240 = arith.constant 3 : i32
      %add3A_241 = arith.addi %mul3A_82, %add3A_240 : i32
      %dma_start3A_242 = arith.constant 0 : i32
      %dma_start3A_243 = tpu.memref_slice %arg8[%add3A_241, %dma_start3A_242] : memref<120x128xi32, #tpu.memory_space<vmem>> -> memref<1x128xi32, #tpu.memory_space<vmem>>
      %dma_start3A_244 = tpu.memref_squeeze %dma_start3A_243 : memref<1x128xi32, #tpu.memory_space<vmem>> -> memref<128xi32, #tpu.memory_space<vmem>>
      %dma_start3A_245 = arith.constant 0 : i32
      %dma_start3A_246 = arith.constant 0 : i32
      %dma_start3A_247 = tpu.memref_slice %arg27[%dma_start3A_245, %dma_start3A_246] : memref<10240x16xf32, #tpu.memory_space<vmem_shared>> -> memref<10240x16xf32, #tpu.memory_space<vmem_shared>>
      tpu.enqueue_indirect_dma source(%arg26 : memref<128x16xf32, #tpu.memory_space<vmem>>) target(%dma_start3A_247 : memref<10240x16xf32, #tpu.memory_space<vmem_shared>>) offsets(%dma_start3A_244 : memref<128xi32, #tpu.memory_space<vmem>>) semaphore(%arg23 : memref<!tpu.dma_semaphore, #tpu.memory_space<semaphore_mem>>) {add = true}
      %dma_wait3A_248 = arith.constant 512 : i32
      %dma_wait3A_249 = arith.constant 0 : i32
      %dma_wait3A_250 = tpu.memref_slice %arg9[%dma_wait3A_248, %dma_wait3A_249] : memref<640x64xf32, #tpu.memory_space<vmem>> -> memref<128x64xf32, #tpu.memory_space<vmem>>
      %dma_wait3A_251 = arith.constant 0 : i32
      %dma_wait3A_252 = tpu.memref_slice %arg7[%add3A_127, %dma_wait3A_251] : memref<120x128xi32, #tpu.memory_space<vmem>> -> memref<1x128xi32, #tpu.memory_space<vmem>>
      %dma_wait3A_253 = tpu.memref_squeeze %dma_wait3A_252 : memref<1x128xi32, #tpu.memory_space<vmem>> -> memref<128xi32, #tpu.memory_space<vmem>>
      %dma_wait3A_254 = arith.constant 0 : i32
      %dma_wait3A_255 = arith.constant 0 : i32
      %dma_wait3A_256 = tpu.memref_slice %arg2[%dma_wait3A_254, %dma_wait3A_255] : memref<10000x64xf32, #tpu.memory_space<hbm>> -> memref<10000x64xf32, #tpu.memory_space<hbm>>
      tpu.wait_indirect_dma semaphore(%arg14 : memref<!tpu.dma_semaphore, #tpu.memory_space<semaphore_mem>>) src(%dma_wait3A_256 : memref<10000x64xf32, #tpu.memory_space<hbm>>) dst(%dma_wait3A_250 : memref<128x64xf32, #tpu.memory_space<vmem>>)
      %add3A_257 = arith.constant 4 : i32
      %add3A_258 = arith.addi %mul3A_82, %add3A_257 : i32
      %dma_start3A_259 = arith.constant 512 : i32
      %dma_start3A_260 = arith.constant 0 : i32
      %dma_start3A_261 = tpu.memref_slice %arg9[%dma_start3A_259, %dma_start3A_260] : memref<640x64xf32, #tpu.memory_space<vmem>> -> memref<128x64xf32, #tpu.memory_space<vmem>>
      %dma_start3A_262 = arith.constant 0 : i32
      %dma_start3A_263 = tpu.memref_slice %arg8[%add3A_258, %dma_start3A_262] : memref<120x128xi32, #tpu.memory_space<vmem>> -> memref<1x128xi32, #tpu.memory_space<vmem>>
      %dma_start3A_264 = tpu.memref_squeeze %dma_start3A_263 : memref<1x128xi32, #tpu.memory_space<vmem>> -> memref<128xi32, #tpu.memory_space<vmem>>
      %dma_start3A_265 = arith.constant 0 : i32
      %dma_start3A_266 = arith.constant 0 : i32
      %dma_start3A_267 = tpu.memref_slice %arg25[%dma_start3A_265, %dma_start3A_266] : memref<10240x64xf32, #tpu.memory_space<vmem_shared>> -> memref<10240x64xf32, #tpu.memory_space<vmem_shared>>
      tpu.enqueue_indirect_dma source(%dma_start3A_261 : memref<128x64xf32, #tpu.memory_space<vmem>>) target(%dma_start3A_267 : memref<10240x64xf32, #tpu.memory_space<vmem_shared>>) offsets(%dma_start3A_264 : memref<128xi32, #tpu.memory_space<vmem>>) semaphore(%arg19 : memref<!tpu.dma_semaphore, #tpu.memory_space<semaphore_mem>>) {add = true}
      %add3A_268 = arith.constant 4 : i32
      %add3A_269 = arith.addi %mul3A_82, %add3A_268 : i32
      %dma_start3A_270 = arith.constant 0 : i32
      %dma_start3A_271 = tpu.memref_slice %arg8[%add3A_269, %dma_start3A_270] : memref<120x128xi32, #tpu.memory_space<vmem>> -> memref<1x128xi32, #tpu.memory_space<vmem>>
      %dma_start3A_272 = tpu.memref_squeeze %dma_start3A_271 : memref<1x128xi32, #tpu.memory_space<vmem>> -> memref<128xi32, #tpu.memory_space<vmem>>
      %dma_start3A_273 = arith.constant 0 : i32
      %dma_start3A_274 = arith.constant 0 : i32
      %dma_start3A_275 = tpu.memref_slice %arg27[%dma_start3A_273, %dma_start3A_274] : memref<10240x16xf32, #tpu.memory_space<vmem_shared>> -> memref<10240x16xf32, #tpu.memory_space<vmem_shared>>
      tpu.enqueue_indirect_dma source(%arg26 : memref<128x16xf32, #tpu.memory_space<vmem>>) target(%dma_start3A_275 : memref<10240x16xf32, #tpu.memory_space<vmem_shared>>) offsets(%dma_start3A_272 : memref<128xi32, #tpu.memory_space<vmem>>) semaphore(%arg24 : memref<!tpu.dma_semaphore, #tpu.memory_space<semaphore_mem>>) {add = true}
      %dma_wait3A_276 = arith.constant 0 : i32
      %dma_wait3A_277 = arith.constant 0 : i32
      %dma_wait3A_278 = tpu.memref_slice %arg9[%dma_wait3A_276, %dma_wait3A_277] : memref<640x64xf32, #tpu.memory_space<vmem>> -> memref<128x64xf32, #tpu.memory_space<vmem>>
      %dma_wait3A_279 = arith.constant 0 : i32
      %dma_wait3A_280 = tpu.memref_slice %arg8[%add3A_146, %dma_wait3A_279] : memref<120x128xi32, #tpu.memory_space<vmem>> -> memref<1x128xi32, #tpu.memory_space<vmem>>
      %dma_wait3A_281 = tpu.memref_squeeze %dma_wait3A_280 : memref<1x128xi32, #tpu.memory_space<vmem>> -> memref<128xi32, #tpu.memory_space<vmem>>
      %dma_wait3A_282 = arith.constant 0 : i32
      %dma_wait3A_283 = arith.constant 0 : i32
      %dma_wait3A_284 = tpu.memref_slice %arg25[%dma_wait3A_282, %dma_wait3A_283] : memref<10240x64xf32, #tpu.memory_space<vmem_shared>> -> memref<10240x64xf32, #tpu.memory_space<vmem_shared>>
      tpu.wait_indirect_dma semaphore(%arg15 : memref<!tpu.dma_semaphore, #tpu.memory_space<semaphore_mem>>) src(%dma_wait3A_278 : memref<128x64xf32, #tpu.memory_space<vmem>>) dst(%dma_wait3A_284 : memref<10240x64xf32, #tpu.memory_space<vmem_shared>>)
      %dma_wait3A_285 = arith.constant 0 : i32
      %dma_wait3A_286 = tpu.memref_slice %arg8[%add3A_157, %dma_wait3A_285] : memref<120x128xi32, #tpu.memory_space<vmem>> -> memref<1x128xi32, #tpu.memory_space<vmem>>
      %dma_wait3A_287 = tpu.memref_squeeze %dma_wait3A_286 : memref<1x128xi32, #tpu.memory_space<vmem>> -> memref<128xi32, #tpu.memory_space<vmem>>
      %dma_wait3A_288 = arith.constant 0 : i32
      %dma_wait3A_289 = arith.constant 0 : i32
      %dma_wait3A_290 = tpu.memref_slice %arg27[%dma_wait3A_288, %dma_wait3A_289] : memref<10240x16xf32, #tpu.memory_space<vmem_shared>> -> memref<10240x16xf32, #tpu.memory_space<vmem_shared>>
      tpu.wait_indirect_dma semaphore(%arg20 : memref<!tpu.dma_semaphore, #tpu.memory_space<semaphore_mem>>) src(%arg26 : memref<128x16xf32, #tpu.memory_space<vmem>>) dst(%dma_wait3A_290 : memref<10240x16xf32, #tpu.memory_space<vmem_shared>>)
      %dma_wait3A_291 = arith.constant 128 : i32
      %dma_wait3A_292 = arith.constant 0 : i32
      %dma_wait3A_293 = tpu.memref_slice %arg9[%dma_wait3A_291, %dma_wait3A_292] : memref<640x64xf32, #tpu.memory_space<vmem>> -> memref<128x64xf32, #tpu.memory_space<vmem>>
      %dma_wait3A_294 = arith.constant 0 : i32
      %dma_wait3A_295 = tpu.memref_slice %arg8[%add3A_174, %dma_wait3A_294] : memref<120x128xi32, #tpu.memory_space<vmem>> -> memref<1x128xi32, #tpu.memory_space<vmem>>
      %dma_wait3A_296 = tpu.memref_squeeze %dma_wait3A_295 : memref<1x128xi32, #tpu.memory_space<vmem>> -> memref<128xi32, #tpu.memory_space<vmem>>
      %dma_wait3A_297 = arith.constant 0 : i32
      %dma_wait3A_298 = arith.constant 0 : i32
      %dma_wait3A_299 = tpu.memref_slice %arg25[%dma_wait3A_297, %dma_wait3A_298] : memref<10240x64xf32, #tpu.memory_space<vmem_shared>> -> memref<10240x64xf32, #tpu.memory_space<vmem_shared>>
      tpu.wait_indirect_dma semaphore(%arg16 : memref<!tpu.dma_semaphore, #tpu.memory_space<semaphore_mem>>) src(%dma_wait3A_293 : memref<128x64xf32, #tpu.memory_space<vmem>>) dst(%dma_wait3A_299 : memref<10240x64xf32, #tpu.memory_space<vmem_shared>>)
      %dma_wait3A_300 = arith.constant 0 : i32
      %dma_wait3A_301 = tpu.memref_slice %arg8[%add3A_185, %dma_wait3A_300] : memref<120x128xi32, #tpu.memory_space<vmem>> -> memref<1x128xi32, #tpu.memory_space<vmem>>
      %dma_wait3A_302 = tpu.memref_squeeze %dma_wait3A_301 : memref<1x128xi32, #tpu.memory_space<vmem>> -> memref<128xi32, #tpu.memory_space<vmem>>
      %dma_wait3A_303 = arith.constant 0 : i32
      %dma_wait3A_304 = arith.constant 0 : i32
      %dma_wait3A_305 = tpu.memref_slice %arg27[%dma_wait3A_303, %dma_wait3A_304] : memref<10240x16xf32, #tpu.memory_space<vmem_shared>> -> memref<10240x16xf32, #tpu.memory_space<vmem_shared>>
      tpu.wait_indirect_dma semaphore(%arg21 : memref<!tpu.dma_semaphore, #tpu.memory_space<semaphore_mem>>) src(%arg26 : memref<128x16xf32, #tpu.memory_space<vmem>>) dst(%dma_wait3A_305 : memref<10240x16xf32, #tpu.memory_space<vmem_shared>>)
      %dma_wait3A_306 = arith.constant 256 : i32
      %dma_wait3A_307 = arith.constant 0 : i32
      %dma_wait3A_308 = tpu.memref_slice %arg9[%dma_wait3A_306, %dma_wait3A_307] : memref<640x64xf32, #tpu.memory_space<vmem>> -> memref<128x64xf32, #tpu.memory_space<vmem>>
      %dma_wait3A_309 = arith.constant 0 : i32
      %dma_wait3A_310 = tpu.memref_slice %arg8[%add3A_202, %dma_wait3A_309] : memref<120x128xi32, #tpu.memory_space<vmem>> -> memref<1x128xi32, #tpu.memory_space<vmem>>
      %dma_wait3A_311 = tpu.memref_squeeze %dma_wait3A_310 : memref<1x128xi32, #tpu.memory_space<vmem>> -> memref<128xi32, #tpu.memory_space<vmem>>
      %dma_wait3A_312 = arith.constant 0 : i32
      %dma_wait3A_313 = arith.constant 0 : i32
      %dma_wait3A_314 = tpu.memref_slice %arg25[%dma_wait3A_312, %dma_wait3A_313] : memref<10240x64xf32, #tpu.memory_space<vmem_shared>> -> memref<10240x64xf32, #tpu.memory_space<vmem_shared>>
      tpu.wait_indirect_dma semaphore(%arg17 : memref<!tpu.dma_semaphore, #tpu.memory_space<semaphore_mem>>) src(%dma_wait3A_308 : memref<128x64xf32, #tpu.memory_space<vmem>>) dst(%dma_wait3A_314 : memref<10240x64xf32, #tpu.memory_space<vmem_shared>>)
      %dma_wait3A_315 = arith.constant 0 : i32
      %dma_wait3A_316 = tpu.memref_slice %arg8[%add3A_213, %dma_wait3A_315] : memref<120x128xi32, #tpu.memory_space<vmem>> -> memref<1x128xi32, #tpu.memory_space<vmem>>
      %dma_wait3A_317 = tpu.memref_squeeze %dma_wait3A_316 : memref<1x128xi32, #tpu.memory_space<vmem>> -> memref<128xi32, #tpu.memory_space<vmem>>
      %dma_wait3A_318 = arith.constant 0 : i32
      %dma_wait3A_319 = arith.constant 0 : i32
      %dma_wait3A_320 = tpu.memref_slice %arg27[%dma_wait3A_318, %dma_wait3A_319] : memref<10240x16xf32, #tpu.memory_space<vmem_shared>> -> memref<10240x16xf32, #tpu.memory_space<vmem_shared>>
      tpu.wait_indirect_dma semaphore(%arg22 : memref<!tpu.dma_semaphore, #tpu.memory_space<semaphore_mem>>) src(%arg26 : memref<128x16xf32, #tpu.memory_space<vmem>>) dst(%dma_wait3A_320 : memref<10240x16xf32, #tpu.memory_space<vmem_shared>>)
      %dma_wait3A_321 = arith.constant 384 : i32
      %dma_wait3A_322 = arith.constant 0 : i32
      %dma_wait3A_323 = tpu.memref_slice %arg9[%dma_wait3A_321, %dma_wait3A_322] : memref<640x64xf32, #tpu.memory_space<vmem>> -> memref<128x64xf32, #tpu.memory_space<vmem>>
      %dma_wait3A_324 = arith.constant 0 : i32
      %dma_wait3A_325 = tpu.memref_slice %arg8[%add3A_230, %dma_wait3A_324] : memref<120x128xi32, #tpu.memory_space<vmem>> -> memref<1x128xi32, #tpu.memory_space<vmem>>
      %dma_wait3A_326 = tpu.memref_squeeze %dma_wait3A_325 : memref<1x128xi32, #tpu.memory_space<vmem>> -> memref<128xi32, #tpu.memory_space<vmem>>
      %dma_wait3A_327 = arith.constant 0 : i32
      %dma_wait3A_328 = arith.constant 0 : i32
      %dma_wait3A_329 = tpu.memref_slice %arg25[%dma_wait3A_327, %dma_wait3A_328] : memref<10240x64xf32, #tpu.memory_space<vmem_shared>> -> memref<10240x64xf32, #tpu.memory_space<vmem_shared>>
      tpu.wait_indirect_dma semaphore(%arg18 : memref<!tpu.dma_semaphore, #tpu.memory_space<semaphore_mem>>) src(%dma_wait3A_323 : memref<128x64xf32, #tpu.memory_space<vmem>>) dst(%dma_wait3A_329 : memref<10240x64xf32, #tpu.memory_space<vmem_shared>>)
      %dma_wait3A_330 = arith.constant 0 : i32
      %dma_wait3A_331 = tpu.memref_slice %arg8[%add3A_241, %dma_wait3A_330] : memref<120x128xi32, #tpu.memory_space<vmem>> -> memref<1x128xi32, #tpu.memory_space<vmem>>
      %dma_wait3A_332 = tpu.memref_squeeze %dma_wait3A_331 : memref<1x128xi32, #tpu.memory_space<vmem>> -> memref<128xi32, #tpu.memory_space<vmem>>
      %dma_wait3A_333 = arith.constant 0 : i32
      %dma_wait3A_334 = arith.constant 0 : i32
      %dma_wait3A_335 = tpu.memref_slice %arg27[%dma_wait3A_333, %dma_wait3A_334] : memref<10240x16xf32, #tpu.memory_space<vmem_shared>> -> memref<10240x16xf32, #tpu.memory_space<vmem_shared>>
      tpu.wait_indirect_dma semaphore(%arg23 : memref<!tpu.dma_semaphore, #tpu.memory_space<semaphore_mem>>) src(%arg26 : memref<128x16xf32, #tpu.memory_space<vmem>>) dst(%dma_wait3A_335 : memref<10240x16xf32, #tpu.memory_space<vmem_shared>>)
      %dma_wait3A_336 = arith.constant 512 : i32
      %dma_wait3A_337 = arith.constant 0 : i32
      %dma_wait3A_338 = tpu.memref_slice %arg9[%dma_wait3A_336, %dma_wait3A_337] : memref<640x64xf32, #tpu.memory_space<vmem>> -> memref<128x64xf32, #tpu.memory_space<vmem>>
      %dma_wait3A_339 = arith.constant 0 : i32
      %dma_wait3A_340 = tpu.memref_slice %arg8[%add3A_258, %dma_wait3A_339] : memref<120x128xi32, #tpu.memory_space<vmem>> -> memref<1x128xi32, #tpu.memory_space<vmem>>
      %dma_wait3A_341 = tpu.memref_squeeze %dma_wait3A_340 : memref<1x128xi32, #tpu.memory_space<vmem>> -> memref<128xi32, #tpu.memory_space<vmem>>
      %dma_wait3A_342 = arith.constant 0 : i32
      %dma_wait3A_343 = arith.constant 0 : i32
      %dma_wait3A_344 = tpu.memref_slice %arg25[%dma_wait3A_342, %dma_wait3A_343] : memref<10240x64xf32, #tpu.memory_space<vmem_shared>> -> memref<10240x64xf32, #tpu.memory_space<vmem_shared>>
      tpu.wait_indirect_dma semaphore(%arg19 : memref<!tpu.dma_semaphore, #tpu.memory_space<semaphore_mem>>) src(%dma_wait3A_338 : memref<128x64xf32, #tpu.memory_space<vmem>>) dst(%dma_wait3A_344 : memref<10240x64xf32, #tpu.memory_space<vmem_shared>>)
      %dma_wait3A_345 = arith.constant 0 : i32
      %dma_wait3A_346 = tpu.memref_slice %arg8[%add3A_269, %dma_wait3A_345] : memref<120x128xi32, #tpu.memory_space<vmem>> -> memref<1x128xi32, #tpu.memory_space<vmem>>
      %dma_wait3A_347 = tpu.memref_squeeze %dma_wait3A_346 : memref<1x128xi32, #tpu.memory_space<vmem>> -> memref<128xi32, #tpu.memory_space<vmem>>
      %dma_wait3A_348 = arith.constant 0 : i32
      %dma_wait3A_349 = arith.constant 0 : i32
      %dma_wait3A_350 = tpu.memref_slice %arg27[%dma_wait3A_348, %dma_wait3A_349] : memref<10240x16xf32, #tpu.memory_space<vmem_shared>> -> memref<10240x16xf32, #tpu.memory_space<vmem_shared>>
      tpu.wait_indirect_dma semaphore(%arg24 : memref<!tpu.dma_semaphore, #tpu.memory_space<semaphore_mem>>) src(%arg26 : memref<128x16xf32, #tpu.memory_space<vmem>>) dst(%dma_wait3A_350 : memref<10240x16xf32, #tpu.memory_space<vmem_shared>>)
      %while3A_351 = arith.constant 0 : i32
      scf.yield %while3A_351 : i32
    }
    %barrier3A_75 = arith.constant 0 : index
    tpu.barrier barrier_id(%barrier3A_75)
    %mul3A_76 = arith.constant 10240 : i32
    %mul3A_77 = arith.muli %arg0, %mul3A_76 : i32
    %add3A_78 = arith.addi %mul3A_77, %mul3A_0 : i32
    "tpu.region"() ({
      %run_scoped3A = tpu.sem_alloc : memref<!tpu.dma_semaphore, #tpu.memory_space<semaphore_mem>>
      %dma_start3A = arith.constant 0 : i32
      %dma_start3A_79 = tpu.memref_slice %arg5[%add3A_78, %dma_start3A] : memref<20480x64xf32, #tpu.memory_space<hbm>> -> memref<640x64xf32, #tpu.memory_space<hbm>>
      %dma_start3A_80 = arith.constant 0 : i32
      %dma_start3A_81 = tpu.memref_slice %arg25[%mul3A_0, %dma_start3A_80] : memref<10240x64xf32, #tpu.memory_space<vmem_shared>> -> memref<640x64xf32, #tpu.memory_space<vmem_shared>>
      tpu.enqueue_dma source(%dma_start3A_81 : memref<640x64xf32, #tpu.memory_space<vmem_shared>>) target(%dma_start3A_79 : memref<640x64xf32, #tpu.memory_space<hbm>>) target_semaphore(%run_scoped3A : memref<!tpu.dma_semaphore, #tpu.memory_space<semaphore_mem>>)
      %dma_wait3A = arith.constant 0 : i32
      %dma_wait3A_82 = tpu.memref_slice %arg5[%add3A_78, %dma_wait3A] : memref<20480x64xf32, #tpu.memory_space<hbm>> -> memref<640x64xf32, #tpu.memory_space<hbm>>
      %dma_wait3A_83 = arith.constant 0 : i32
      %dma_wait3A_84 = tpu.memref_slice %arg25[%mul3A_0, %dma_wait3A_83] : memref<10240x64xf32, #tpu.memory_space<vmem_shared>> -> memref<640x64xf32, #tpu.memory_space<vmem_shared>>
      tpu.wait_dma2 semaphore(%run_scoped3A : memref<!tpu.dma_semaphore, #tpu.memory_space<semaphore_mem>>) src(%dma_wait3A_84 : memref<640x64xf32, #tpu.memory_space<vmem_shared>>) dst(%dma_wait3A_82 : memref<640x64xf32, #tpu.memory_space<hbm>>)
      tpu.yield
    }) : () -> ()
    "tpu.region"() ({
      %run_scoped3A = tpu.sem_alloc : memref<!tpu.dma_semaphore, #tpu.memory_space<semaphore_mem>>
      %dma_start3A = arith.constant 0 : i32
      %dma_start3A_79 = tpu.memref_slice %arg6[%add3A_78, %dma_start3A] : memref<20480x16xf32, #tpu.memory_space<hbm>> -> memref<640x16xf32, #tpu.memory_space<hbm>>
      %dma_start3A_80 = arith.constant 0 : i32
      %dma_start3A_81 = tpu.memref_slice %arg27[%mul3A_0, %dma_start3A_80] : memref<10240x16xf32, #tpu.memory_space<vmem_shared>> -> memref<640x16xf32, #tpu.memory_space<vmem_shared>>
      tpu.enqueue_dma source(%dma_start3A_81 : memref<640x16xf32, #tpu.memory_space<vmem_shared>>) target(%dma_start3A_79 : memref<640x16xf32, #tpu.memory_space<hbm>>) target_semaphore(%run_scoped3A : memref<!tpu.dma_semaphore, #tpu.memory_space<semaphore_mem>>)
      %dma_wait3A = arith.constant 0 : i32
      %dma_wait3A_82 = tpu.memref_slice %arg6[%add3A_78, %dma_wait3A] : memref<20480x16xf32, #tpu.memory_space<hbm>> -> memref<640x16xf32, #tpu.memory_space<hbm>>
      %dma_wait3A_83 = arith.constant 0 : i32
      %dma_wait3A_84 = tpu.memref_slice %arg27[%mul3A_0, %dma_wait3A_83] : memref<10240x16xf32, #tpu.memory_space<vmem_shared>> -> memref<640x16xf32, #tpu.memory_space<vmem_shared>>
      tpu.wait_dma2 semaphore(%run_scoped3A : memref<!tpu.dma_semaphore, #tpu.memory_space<semaphore_mem>>) src(%dma_wait3A_84 : memref<640x16xf32, #tpu.memory_space<vmem_shared>>) dst(%dma_wait3A_82 : memref<640x16xf32, #tpu.memory_space<hbm>>)
      tpu.yield
    }) : () -> ()
    return
  }
}

module attributes {stable_mosaic.version = 14 : i64} {
  func.func @body(%arg0: memref<10000x128xf32, #tpu.memory_space<vmem>>, %arg1: memref<128x64xf32, #tpu.memory_space<vmem>>, %arg2: memref<128x64xf32, #tpu.memory_space<vmem>>, %arg3: memref<10000x64xf32, #tpu.memory_space<vmem>>, %arg4: memref<10000x64xf32, #tpu.memory_space<vmem>>) attributes {dimension_semantics = [], scalar_prefetch = 0 : i64, scratch_operands = 0 : i64, tpu.core_type = #tpu.core_type<tc>} {
    %get3A = arith.constant 0 : index
    %get3A_0 = arith.constant 0 : index
    %get3A_1 = vector.load %arg0[%get3A, %get3A_0] : memref<10000x128xf32, #tpu.memory_space<vmem>>, vector<10000x128xf32>
    %get3A_2 = arith.constant 0 : index
    %get3A_3 = arith.constant 0 : index
    %get3A_4 = vector.load %arg1[%get3A_2, %get3A_3] : memref<128x64xf32, #tpu.memory_space<vmem>>, vector<128x64xf32>
    %dot_general3A = arith.constant dense<0.000000e+00> : vector<10000x64xf32>
    %dot_general3A_5 = tpu.matmul %get3A_1, %get3A_4, %dot_general3A {dimension_numbers = #tpu.dot_dimension_numbers<[1], [0], [0], [1], [0, 0, 1, 1], [], []>, transpose_lhs_hint = false} : vector<10000x128xf32>, vector<128x64xf32>, vector<10000x64xf32> -> vector<10000x64xf32>
    %swap3A = arith.constant 0 : index
    %swap3A_6 = arith.constant 0 : index
    %swap3A_7 = vector.load %arg3[%swap3A, %swap3A_6] : memref<10000x64xf32, #tpu.memory_space<vmem>>, vector<10000x64xf32>
    tpu.vector_store %arg3[%swap3A, %swap3A_6], %dot_general3A_5 {strides = array<i32>} : memref<10000x64xf32, #tpu.memory_space<vmem>>, vector<10000x64xf32>,
    %get3A_8 = arith.constant 0 : index
    %get3A_9 = arith.constant 0 : index
    %get3A_10 = vector.load %arg2[%get3A_8, %get3A_9] : memref<128x64xf32, #tpu.memory_space<vmem>>, vector<128x64xf32>
    %dot_general3A_11 = arith.constant dense<0.000000e+00> : vector<10000x64xf32>
    %dot_general3A_12 = tpu.matmul %get3A_1, %get3A_10, %dot_general3A_11 {dimension_numbers = #tpu.dot_dimension_numbers<[1], [0], [0], [1], [0, 0, 1, 1], [], []>, transpose_lhs_hint = false} : vector<10000x128xf32>, vector<128x64xf32>, vector<10000x64xf32> -> vector<10000x64xf32>
    %swap3A_13 = arith.constant 0 : index
    %swap3A_14 = arith.constant 0 : index
    %swap3A_15 = vector.load %arg4[%swap3A_13, %swap3A_14] : memref<10000x64xf32, #tpu.memory_space<vmem>>, vector<10000x64xf32>
    tpu.vector_store %arg4[%swap3A_13, %swap3A_14], %dot_general3A_12 {strides = array<i32>} : memref<10000x64xf32, #tpu.memory_space<vmem>>, vector<10000x64xf32>,
    return
  }
}

module attributes {stable_mosaic.version = 14 : i64} {
  func.func @body(%arg0: memref<20480x64xf32, #tpu.memory_space<vmem>>, %arg1: memref<20480x16xf32, #tpu.memory_space<vmem>>, %arg2: memref<10000x64xf32, #tpu.memory_space<vmem>>, %arg3: memref<1x64xf32, #tpu.memory_space<vmem>>, %arg4: memref<1x64xf32, #tpu.memory_space<vmem>>, %arg5: memref<1x64xf32, #tpu.memory_space<vmem>>, %arg6: memref<10000x64xf32, #tpu.memory_space<vmem>>) attributes {dimension_semantics = [], scalar_prefetch = 0 : i64, scratch_operands = 0 : i64, tpu.core_type = #tpu.core_type<tc>} {
    %get3A = arith.constant 0 : index
    %get3A_0 = arith.constant 0 : index
    %get3A_1 = vector.load %arg0[%get3A, %get3A_0] : memref<20480x64xf32, #tpu.memory_space<vmem>>, vector<10000x64xf32>
    %get3A_2 = arith.constant 10240 : index
    %get3A_3 = arith.constant 0 : index
    %get3A_4 = vector.load %arg0[%get3A_2, %get3A_3] : memref<20480x64xf32, #tpu.memory_space<vmem>>, vector<10000x64xf32>
    %add3A = arith.addf %get3A_1, %get3A_4 : vector<10000x64xf32>
    %get3A_5 = arith.constant 0 : index
    %get3A_6 = arith.constant 0 : index
    %get3A_7 = vector.load %arg1[%get3A_5, %get3A_6] : memref<20480x16xf32, #tpu.memory_space<vmem>>, vector<10000x16xf32>
    %get3A_8 = arith.constant 10240 : index
    %get3A_9 = arith.constant 0 : index
    %get3A_10 = vector.load %arg1[%get3A_8, %get3A_9] : memref<20480x16xf32, #tpu.memory_space<vmem>>, vector<10000x16xf32>
    %add3A_11 = arith.addf %get3A_7, %get3A_10 : vector<10000x16xf32>
    %reduce_max3A = arith.constant dense<0xFF800000> : vector<10000xf32>
    %reduce_max3A_12 = vector.multi_reduction <maximumf>, %add3A_11, %reduce_max3A [1] : vector<10000x16xf32> to vector<10000xf32>
    %broadcast_in_dim3A = vector.shape_cast %reduce_max3A_12 : vector<10000xf32> to vector<10000x1xf32>
    %max3A = arith.constant 1.000000e+00 : f32
    %max3A_13 = vector.broadcast %max3A : f32 to vector<10000x1xf32>
    %max3A_14 = arith.maximumf %broadcast_in_dim3A, %max3A_13 : vector<10000x1xf32>
    %div3A = vector.broadcast %max3A_14 : vector<10000x1xf32> to vector<10000x64xf32>
    %div3A_15 = arith.divf %add3A, %div3A : vector<10000x64xf32>
    %get3A_16 = arith.constant 0 : index
    %get3A_17 = arith.constant 0 : index
    %get3A_18 = vector.load %arg2[%get3A_16, %get3A_17] : memref<10000x64xf32, #tpu.memory_space<vmem>>, vector<10000x64xf32>
    %add3A_19 = arith.addf %div3A_15, %get3A_18 : vector<10000x64xf32>
    %get3A_20 = arith.constant 0 : index
    %get3A_21 = arith.constant 0 : index
    %get3A_22 = vector.load %arg3[%get3A_20, %get3A_21] : memref<1x64xf32, #tpu.memory_space<vmem>>, vector<1x64xf32>
    %add3A_23 = vector.broadcast %get3A_22 : vector<1x64xf32> to vector<10000x64xf32>
    %add3A_24 = arith.addf %add3A_19, %add3A_23 : vector<10000x64xf32>
    %get3A_25 = arith.constant 0 : index
    %get3A_26 = arith.constant 0 : index
    %get3A_27 = vector.load %arg4[%get3A_25, %get3A_26] : memref<1x64xf32, #tpu.memory_space<vmem>>, vector<1x64xf32>
    %get3A_28 = arith.constant 0 : index
    %get3A_29 = arith.constant 0 : index
    %get3A_30 = vector.load %arg5[%get3A_28, %get3A_29] : memref<1x64xf32, #tpu.memory_space<vmem>>, vector<1x64xf32>
    %reduce_sum3A = arith.constant dense<0.000000e+00> : vector<64xf32>
    %reduce_sum3A_31 = vector.multi_reduction <add>, %add3A_24, %reduce_sum3A [0] : vector<10000x64xf32> to vector<64xf32>
    %broadcast_in_dim3A_32 = vector.shape_cast %reduce_sum3A_31 : vector<64xf32> to vector<1x64xf32>
    %div3A_33 = arith.constant 1.000000e+04 : f32
    %div3A_34 = vector.broadcast %div3A_33 : f32 to vector<1x64xf32>
    %div3A_35 = arith.divf %broadcast_in_dim3A_32, %div3A_34 : vector<1x64xf32>
    %sub3A = vector.broadcast %div3A_35 : vector<1x64xf32> to vector<10000x64xf32>
    %sub3A_36 = arith.subf %add3A_24, %sub3A : vector<10000x64xf32>
    %integer_pow3A = arith.mulf %sub3A_36, %sub3A_36 : vector<10000x64xf32>
    %reduce_sum3A_37 = arith.constant dense<0.000000e+00> : vector<64xf32>
    %reduce_sum3A_38 = vector.multi_reduction <add>, %integer_pow3A, %reduce_sum3A_37 [0] : vector<10000x64xf32> to vector<64xf32>
    %broadcast_in_dim3A_39 = vector.shape_cast %reduce_sum3A_38 : vector<64xf32> to vector<1x64xf32>
    %div3A_40 = arith.constant 1.000000e+04 : f32
    %div3A_41 = vector.broadcast %div3A_40 : f32 to vector<1x64xf32>
    %div3A_42 = arith.divf %broadcast_in_dim3A_39, %div3A_41 : vector<1x64xf32>
    %sub3A_43 = vector.broadcast %div3A_35 : vector<1x64xf32> to vector<10000x64xf32>
    %sub3A_44 = arith.subf %add3A_24, %sub3A_43 : vector<10000x64xf32>
    %mul3A = vector.broadcast %get3A_27 : vector<1x64xf32> to vector<10000x64xf32>
    %mul3A_45 = arith.mulf %mul3A, %sub3A_44 : vector<10000x64xf32>
    %add3A_46 = arith.constant 9.99999974E-6 : f32
    %add3A_47 = vector.broadcast %add3A_46 : f32 to vector<1x64xf32>
    %add3A_48 = arith.addf %div3A_42, %add3A_47 : vector<1x64xf32>
    %rsqrt3A = math.rsqrt %add3A_48 : vector<1x64xf32>
    %mul3A_49 = vector.broadcast %rsqrt3A : vector<1x64xf32> to vector<10000x64xf32>
    %mul3A_50 = arith.mulf %mul3A_45, %mul3A_49 : vector<10000x64xf32>
    %add3A_51 = vector.broadcast %get3A_30 : vector<1x64xf32> to vector<10000x64xf32>
    %add3A_52 = arith.addf %mul3A_50, %add3A_51 : vector<10000x64xf32>
    %max3A_53 = arith.constant 0.000000e+00 : f32
    %max3A_54 = vector.broadcast %max3A_53 : f32 to vector<10000x64xf32>
    %max3A_55 = arith.maximumf %add3A_52, %max3A_54 : vector<10000x64xf32>
    %swap3A = arith.constant 0 : index
    %swap3A_56 = arith.constant 0 : index
    %swap3A_57 = vector.load %arg6[%swap3A, %swap3A_56] : memref<10000x64xf32, #tpu.memory_space<vmem>>, vector<10000x64xf32>
    tpu.vector_store %arg6[%swap3A, %swap3A_56], %max3A_55 {strides = array<i32>} : memref<10000x64xf32, #tpu.memory_space<vmem>>, vector<10000x64xf32>,
    return
  }
}

module attributes {stable_mosaic.version = 14 : i64} {
  func.func @body(%arg0: memref<20480x64xf32, #tpu.memory_space<vmem>>, %arg1: memref<20480x16xf32, #tpu.memory_space<vmem>>, %arg2: memref<10000x64xf32, #tpu.memory_space<vmem>>, %arg3: memref<64x128xf32, #tpu.memory_space<vmem>>, %arg4: memref<64x128xf32, #tpu.memory_space<vmem>>, %arg5: memref<1x128xf32, #tpu.memory_space<vmem>>, %arg6: memref<1x128xf32, #tpu.memory_space<vmem>>, %arg7: memref<1x128xf32, #tpu.memory_space<vmem>>, %arg8: memref<10000x128xf32, #tpu.memory_space<vmem>>) attributes {dimension_semantics = [], scalar_prefetch = 0 : i64, scratch_operands = 0 : i64, tpu.core_type = #tpu.core_type<tc>} {
    %get3A = arith.constant 0 : index
    %get3A_0 = arith.constant 0 : index
    %get3A_1 = vector.load %arg0[%get3A, %get3A_0] : memref<20480x64xf32, #tpu.memory_space<vmem>>, vector<10000x64xf32>
    %get3A_2 = arith.constant 10240 : index
    %get3A_3 = arith.constant 0 : index
    %get3A_4 = vector.load %arg0[%get3A_2, %get3A_3] : memref<20480x64xf32, #tpu.memory_space<vmem>>, vector<10000x64xf32>
    %add3A = arith.addf %get3A_1, %get3A_4 : vector<10000x64xf32>
    %get3A_5 = arith.constant 0 : index
    %get3A_6 = arith.constant 0 : index
    %get3A_7 = vector.load %arg1[%get3A_5, %get3A_6] : memref<20480x16xf32, #tpu.memory_space<vmem>>, vector<10000x16xf32>
    %get3A_8 = arith.constant 10240 : index
    %get3A_9 = arith.constant 0 : index
    %get3A_10 = vector.load %arg1[%get3A_8, %get3A_9] : memref<20480x16xf32, #tpu.memory_space<vmem>>, vector<10000x16xf32>
    %add3A_11 = arith.addf %get3A_7, %get3A_10 : vector<10000x16xf32>
    %reduce_max3A = arith.constant dense<0xFF800000> : vector<10000xf32>
    %reduce_max3A_12 = vector.multi_reduction <maximumf>, %add3A_11, %reduce_max3A [1] : vector<10000x16xf32> to vector<10000xf32>
    %broadcast_in_dim3A = vector.shape_cast %reduce_max3A_12 : vector<10000xf32> to vector<10000x1xf32>
    %max3A = arith.constant 1.000000e+00 : f32
    %max3A_13 = vector.broadcast %max3A : f32 to vector<10000x1xf32>
    %max3A_14 = arith.maximumf %broadcast_in_dim3A, %max3A_13 : vector<10000x1xf32>
    %div3A = vector.broadcast %max3A_14 : vector<10000x1xf32> to vector<10000x64xf32>
    %div3A_15 = arith.divf %add3A, %div3A : vector<10000x64xf32>
    %get3A_16 = arith.constant 0 : index
    %get3A_17 = arith.constant 0 : index
    %get3A_18 = vector.load %arg3[%get3A_16, %get3A_17] : memref<64x128xf32, #tpu.memory_space<vmem>>, vector<64x128xf32>
    %dot_general3A = arith.constant dense<0.000000e+00> : vector<10000x128xf32>
    %dot_general3A_19 = tpu.matmul %div3A_15, %get3A_18, %dot_general3A {dimension_numbers = #tpu.dot_dimension_numbers<[1], [0], [0], [1], [0, 0, 1, 1], [], []>, transpose_lhs_hint = false} : vector<10000x64xf32>, vector<64x128xf32>, vector<10000x128xf32> -> vector<10000x128xf32>
    %get3A_20 = arith.constant 0 : index
    %get3A_21 = arith.constant 0 : index
    %get3A_22 = vector.load %arg2[%get3A_20, %get3A_21] : memref<10000x64xf32, #tpu.memory_space<vmem>>, vector<10000x64xf32>
    %get3A_23 = arith.constant 0 : index
    %get3A_24 = arith.constant 0 : index
    %get3A_25 = vector.load %arg4[%get3A_23, %get3A_24] : memref<64x128xf32, #tpu.memory_space<vmem>>, vector<64x128xf32>
    %dot_general3A_26 = arith.constant dense<0.000000e+00> : vector<10000x128xf32>
    %dot_general3A_27 = tpu.matmul %get3A_22, %get3A_25, %dot_general3A_26 {dimension_numbers = #tpu.dot_dimension_numbers<[1], [0], [0], [1], [0, 0, 1, 1], [], []>, transpose_lhs_hint = false} : vector<10000x64xf32>, vector<64x128xf32>, vector<10000x128xf32> -> vector<10000x128xf32>
    %add3A_28 = arith.addf %dot_general3A_19, %dot_general3A_27 : vector<10000x128xf32>
    %get3A_29 = arith.constant 0 : index
    %get3A_30 = arith.constant 0 : index
    %get3A_31 = vector.load %arg5[%get3A_29, %get3A_30] : memref<1x128xf32, #tpu.memory_space<vmem>>, vector<1x128xf32>
    %add3A_32 = vector.broadcast %get3A_31 : vector<1x128xf32> to vector<10000x128xf32>
    %add3A_33 = arith.addf %add3A_28, %add3A_32 : vector<10000x128xf32>
    %get3A_34 = arith.constant 0 : index
    %get3A_35 = arith.constant 0 : index
    %get3A_36 = vector.load %arg6[%get3A_34, %get3A_35] : memref<1x128xf32, #tpu.memory_space<vmem>>, vector<1x128xf32>
    %get3A_37 = arith.constant 0 : index
    %get3A_38 = arith.constant 0 : index
    %get3A_39 = vector.load %arg7[%get3A_37, %get3A_38] : memref<1x128xf32, #tpu.memory_space<vmem>>, vector<1x128xf32>
    %reduce_sum3A = arith.constant dense<0.000000e+00> : vector<128xf32>
    %reduce_sum3A_40 = vector.multi_reduction <add>, %add3A_33, %reduce_sum3A [0] : vector<10000x128xf32> to vector<128xf32>
    %broadcast_in_dim3A_41 = vector.shape_cast %reduce_sum3A_40 : vector<128xf32> to vector<1x128xf32>
    %div3A_42 = arith.constant 1.000000e+04 : f32
    %div3A_43 = vector.broadcast %div3A_42 : f32 to vector<1x128xf32>
    %div3A_44 = arith.divf %broadcast_in_dim3A_41, %div3A_43 : vector<1x128xf32>
    %sub3A = vector.broadcast %div3A_44 : vector<1x128xf32> to vector<10000x128xf32>
    %sub3A_45 = arith.subf %add3A_33, %sub3A : vector<10000x128xf32>
    %integer_pow3A = arith.mulf %sub3A_45, %sub3A_45 : vector<10000x128xf32>
    %reduce_sum3A_46 = arith.constant dense<0.000000e+00> : vector<128xf32>
    %reduce_sum3A_47 = vector.multi_reduction <add>, %integer_pow3A, %reduce_sum3A_46 [0] : vector<10000x128xf32> to vector<128xf32>
    %broadcast_in_dim3A_48 = vector.shape_cast %reduce_sum3A_47 : vector<128xf32> to vector<1x128xf32>
    %div3A_49 = arith.constant 1.000000e+04 : f32
    %div3A_50 = vector.broadcast %div3A_49 : f32 to vector<1x128xf32>
    %div3A_51 = arith.divf %broadcast_in_dim3A_48, %div3A_50 : vector<1x128xf32>
    %sub3A_52 = vector.broadcast %div3A_44 : vector<1x128xf32> to vector<10000x128xf32>
    %sub3A_53 = arith.subf %add3A_33, %sub3A_52 : vector<10000x128xf32>
    %mul3A = vector.broadcast %get3A_36 : vector<1x128xf32> to vector<10000x128xf32>
    %mul3A_54 = arith.mulf %mul3A, %sub3A_53 : vector<10000x128xf32>
    %add3A_55 = arith.constant 9.99999974E-6 : f32
    %add3A_56 = vector.broadcast %add3A_55 : f32 to vector<1x128xf32>
    %add3A_57 = arith.addf %div3A_51, %add3A_56 : vector<1x128xf32>
    %rsqrt3A = math.rsqrt %add3A_57 : vector<1x128xf32>
    %mul3A_58 = vector.broadcast %rsqrt3A : vector<1x128xf32> to vector<10000x128xf32>
    %mul3A_59 = arith.mulf %mul3A_54, %mul3A_58 : vector<10000x128xf32>
    %add3A_60 = vector.broadcast %get3A_39 : vector<1x128xf32> to vector<10000x128xf32>
    %add3A_61 = arith.addf %mul3A_59, %add3A_60 : vector<10000x128xf32>
    %max3A_62 = arith.constant 0.000000e+00 : f32
    %max3A_63 = vector.broadcast %max3A_62 : f32 to vector<10000x128xf32>
    %max3A_64 = arith.maximumf %add3A_61, %max3A_63 : vector<10000x128xf32>
    %swap3A = arith.constant 0 : index
    %swap3A_65 = arith.constant 0 : index
    %swap3A_66 = vector.load %arg8[%swap3A, %swap3A_65] : memref<10000x128xf32, #tpu.memory_space<vmem>>, vector<10000x128xf32>
    tpu.vector_store %arg8[%swap3A, %swap3A_65], %max3A_64 {strides = array<i32>} : memref<10000x128xf32, #tpu.memory_space<vmem>>, vector<10000x128xf32>,
    return
  }
}

</mosaic_0001>

<sc_bundles>
// kernel: kernel.10.cloned.1.call-start
scs
__scs_entry_jumppad:
0x0: {  	(pc) =	sbr.rel $0x88, $3  }
0x1: {  	(tag) =	ssettag $0x0;
	lr =	simm.s32 $0x1  }
0x2: {  	[smem:$0x3F95] =	sst lr;
	_ =	strace $0xD0000000  }
0x3: {  	_ = 	snop  }
0x4: {  	_ = 	snop  }
0x5: {  	_ = 	snop  }
0x6: {  	_ = 	snop  }
0x7: {  	_ = 	snop  }
__scs_overlays_trampoline_lowered:
0x8: {  	[smem:$0x3FA4] =	sst s0  }
0x9: {  	[smem:$0x3FA5] =	sst s1  }
0xa: {  	[smem:$0x3FA6] =	sst s2  }
0xb: {  	[smem:$0x3FA7] =	sst s3  }
0xc: {  	[smem:$0x3FA8] =	sst s4  }
0xd: {  	[smem:$0x3FA9] =	sst s5  }
0xe: {  	[smem:$0x3FAA] =	sst s6  }
0xf: {  	[smem:$0x3FAB] =	sst s7  }
0x10: {  	[smem:$0x3FAC] =	sst s8  }
0x11: {  	[smem:$0x3FAD] =	sst s9;
	s0 =	simm.s32 @!p0 $0x0  }
0x12: {  	s1 =	sld [smem:$0x3F93];
	s0 =	simm.s32 @p0 $0x1  }
0x13: {  	[smem:$0x3FAE] =	sst s0;
	s0 =	simm.s32 @!p1 $0x0  }
0x14: {  	s2 =	sld [smem:$0x3F92];
	s0 =	simm.s32 @p1 $0x1  }
0x15: {  	[smem:$0x3FAF] =	sst s0;
	s0 =	simm.s32 @!p2 $0x0  }
0x16: {  	s3 =	sld [smem:$0x3FDB];
	s0 =	simm.s32 @p2 $0x1  }
0x17: {  	s4 =	simm.s32 $0x1BF5;
	[smem:$0x3FB1] =	sst s0  }
0x18: {  	s0 =	sld [smem:$0x3F94];
	_ =	swait.ge [sflag:s4], $0x0  }
0x19: {  	s7 =	sld [smem:$0x3F95]  }
0x1a: {  	s8 =	sadd.s32 $0xFFFFE003, lr  }
0x1b: {  	s9 =	sadd.s32 $0xFFFFFEF7, lr;
	s5 =	simm.s32 $0xFFFFFFFF;
	p2 =	slt.u32 s8, $0xFFFFF086  }
0x1c: {  	p1 =	slt.u32 s9, $0xF7A;
	s5 =	simm.s32 @!p2 $0x0  }
0x1d: {  	s5 =	simm.s32 @p1 $0x1;
	p0 =	seq.s32 s7, s2  }
0x1e: {  	s7 =	smul.u32 @!p0 $0xF7A, s2;
	p2 =	seq.s32 @!p0 s5, $0x0  }
0x1f: {  	s9 =	smul.u32 $0xF7A, s1;
	s8 =	simm.s32 @!p0 $0x1BF5;
	p2 =	por !p2, p0  }
0x20: {  	[sflag:s8] =	ssyncset.s32 @!p0 $0xFFFFF086;
	s6 =	sadd.s32 @!p0 s3, s7;
	s7 =	simm.s32 @!p0 $0x108  }
0x21: {  	s3 =	sadd.s32 s3, s9;
	s6 =	sadd.s32 @!p0 $0x88, s6;
	s7 =	simm.s32 @p2 $0x1082  }
0x22: {  	[simem:s7], [sflag:s8] =	dma.local @!p0 [hbm:s6], $0xF7A  }
0x23: {  	s9 =	sor.u32 $0xD0000000, s2;
	s6 =	simm.s32 $0x108;
	_ =	swait.ge @!p0 [sflag:s8], $0x0  }
0x24: {  	s3 =	sadd.s32 $0x88, s3;
	s6 =	simm.s32 @!p1 $0x1082;
	[sflag:s4] =	ssyncset.s32 $0xFFFFF086  }
0x25: {  	[simem:s6], [sflag:s4] =	dma.local [hbm:s3], $0xF7A  }
0x26: {  	[smem:$0x3F95] =	sst s1;
	(tag) =	ssettag s2;
	_ =	strace s9  }
0x27: {  	s1 =	sld [smem:$0x3FA5]  }
0x28: {  	s2 =	sld [smem:$0x3FA6]  }
0x29: {  	s4 =	sld [smem:$0x3FA8]  }
0x2a: {  	p0 =	seq.s32 s5, $0x0;
	s5 =	sld [smem:$0x3FA9]  }
0x2b: {  	s6 =	sld [smem:$0x3FAA]  }
0x2c: {  	s7 =	sld [smem:$0x3FAB]  }
0x2d: {  	s3 =	simm.s32 $0x108;
	s8 =	sld [smem:$0x3FAC]  }
0x2e: {  	s3 =	simm.s32 @!p0 $0x1082;
	s9 =	sld [smem:$0x3FAD]  }
0x2f: {  	lr =	sadd.s32 s0, s3;
	s0 =	sld [smem:$0x3FA4]  }
0x30: {  	s3 =	sld [smem:$0x3FA7]  }
0x31: {  	[smem:$0x3FB0] =	sst s10  }
0x32: {  	s10 =	sld [smem:$0x3FAE];
	_ =	sdelay $0x3  }
0x33: {  	p0 =	seq.s32 s10, $0x1;
	s10 =	sld [smem:$0x3FB0];
	_ =	sdelay $0x3  }
0x34: {  	[smem:$0x3FB0] =	sst s10  }
0x35: {  	s10 =	sld [smem:$0x3FAF];
	_ =	sdelay $0x3  }
0x36: {  	p1 =	seq.s32 s10, $0x1;
	s10 =	sld [smem:$0x3FB0];
	_ =	sdelay $0x3  }
0x37: {  	[smem:$0x3FB0] =	sst s10  }
0x38: {  	s10 =	sld [smem:$0x3FB1]  }
0x39: {  	_ = 	snop;
	(pc) =	sbr.ind lr, $3  }
0x3a: {  	_ = 	snop  }
0x3b: {  	_ = 	snop  }
0x3c: {  	p2 =	seq.s32 s10, $0x1;
	s10 =	sld [smem:$0x3FB0]  }
0x3d: {  	_ =	shalt  }
0x3e: {  	_ =	shalt  }
0x3f: {  	_ =	shalt  }
0x40: {  	_ =	shalt  }
0x41: {  	_ =	shalt  }
0x42: {  	_ =	shalt  }
0x43: {  	_ =	shalt  }
0x44: {  	_ =	shalt  }
0x45: {  	_ =	shalt  }
0x46: {  	_ =	shalt  }
0x47: {  	_ =	shalt  }
0x48: {  	_ =	shalt  }
0x49: {  	_ =	shalt  }
0x4a: {  	_ =	shalt  }
0x4b: {  	_ =	shalt  }
0x4c: {  	_ =	shalt  }
0x4d: {  	_ =	shalt  }
0x4e: {  	_ =	shalt  }
0x4f: {  	_ =	shalt  }
0x50: {  	_ =	shalt  }
0x51: {  	_ =	shalt  }
0x52: {  	_ =	shalt  }
0x53: {  	_ =	shalt  }
0x54: {  	_ =	shalt  }
0x55: {  	_ =	shalt  }
0x56: {  	_ =	shalt  }
0x57: {  	_ =	shalt  }
0x58: {  	_ =	shalt  }
0x59: {  	_ =	shalt  }
0x5a: {  	_ =	shalt  }
0x5b: {  	_ =	shalt  }
0x5c: {  	_ =	shalt  }
0x5d: {  	_ =	shalt  }
0x5e: {  	_ =	shalt  }
0x5f: {  	_ =	shalt  }
0x60: {  	_ =	shalt  }
0x61: {  	_ =	shalt  }
0x62: {  	_ =	shalt  }
0x63: {  	_ =	shalt  }
0x64: {  	_ =	shalt  }
0x65: {  	_ =	shalt  }
0x66: {  	_ =	shalt  }
0x67: {  	_ =	shalt  }
0x68: {  	_ =	shalt  }
0x69: {  	_ =	shalt  }
0x6a: {  	_ =	shalt  }
0x6b: {  	_ =	shalt  }
0x6c: {  	_ =	shalt  }
0x6d: {  	_ =	shalt  }
0x6e: {  	_ =	shalt  }
0x6f: {  	_ =	shalt  }
0x70: {  	_ =	shalt  }
0x71: {  	_ =	shalt  }
0x72: {  	_ =	shalt  }
0x73: {  	_ =	shalt  }
0x74: {  	_ =	shalt  }
0x75: {  	_ =	shalt  }
0x76: {  	_ =	shalt  }
0x77: {  	_ =	shalt  }
0x78: {  	_ =	shalt  }
0x79: {  	_ =	shalt  }
0x7a: {  	_ =	shalt  }
0x7b: {  	_ =	shalt  }
0x7c: {  	_ =	shalt  }
0x7d: {  	_ =	shalt  }
0x7e: {  	_ =	shalt  }
0x7f: {  	_ =	shalt  }
0x80: {  	_ =	shalt  }
0x81: {  	_ =	shalt  }
0x82: {  	_ =	shalt  }
0x83: {  	_ =	shalt  }
0x84: {  	_ =	shalt  }
0x85: {  	_ =	shalt  }
0x86: {  	_ =	shalt  }
0x87: {  	_ =	shalt  }
.Lfunc_end0:
.L_simem_size_0:
called_computation.1_lowered:
.L_overlay_start_0:
0x88: {  	s2 =	sld [smem:$0x3FD9]  }
0x89: {  	s3 =	sld [smem:$0x3FFE];
	_ =	sdelay $0x1  }
0x8a: {  	s1 =	srdreg.scid  }
0x8b: {  	s0 =	sand.u32 $0x1, s1  }
0x8c: {  	s17 =	sshll.u32 s0, $0xA;
	s2 =	sadd.s32 s3, s2  }
0x8d: {  	s2 =	sadd.s32 s2, s17  }
0x8e: {  	[smem:$0x3FBC] =	sst s2  }
0x8f: {  	_ = 	snop  }
0x90: {  	s2 =	sld [smem:$0x3FD0];
	(tm) =	ssettm $0x1  }
0x91: {  	s18 =	sld [smem:$0x3FFB];
	_ =	sdelay $0x3  }
0x92: {  	_ =	strace s18  }
0x93: {  	s3 =	sld [smem:$0x3FFC];
	_ =	sdelay $0x3  }
0x94: {  	_ =	strace s3  }
0x95: {  	s3 =	sld [smem:$0x3FFD];
	_ =	sdelay $0x3  }
0x96: {  	_ =	strace s3  }
0x97: {  	_ =	strace $0x8FFFFFFF  }
0x98: {  	s19 =	sld [smem:$0x3FDB];
	_ =	sdelay $0x1  }
0x99: {  	s4 =	simm.s32 $_scs_section_size  }
0x9a: {  	s5 =	simm.s32 $_size__tile_overlayer_lowered;
	s6 =	simm.s32 $_tile_overlayer_lowered  }
0x9b: {  	s22 =	simm.s32 $0x1BFF;
	s21 =	sshll.u32 s6, $0x1;
	s3 =	sadd.s32 s4, s19  }
0x9c: {  	s7 =	simm.s32 $0x0;
	s20 =	sshll.u32 s5, $0x1;
	s5 =	sadd.s32 s21, s3  }
0x9d: {  	[timem:s7], [sflag:s22] =	dma.local [hbm:s5], s20  }
0x9e: {  	_ =	swait.ge [sflag:s22], s20  }
0x9f: {  	s4 =	ssub.s32 $0x0, s20;
	[sflag:s22] =	ssyncset.done $0x0  }
0xa0: {  	[sflag:s22] =	ssyncadd.s32 s4;
	_ =	sdelay $0x1  }
0xa1: {  	s23 =	simm.s32 $0x1B8B  }
0xa2: {  	_ =	swait.ge [sflag:s23], $0x1  }
0xa3: {  	[sflag:s23] =	ssyncset.done $0x0  }
0xa4: {  	s25 =	simm.s32 $0x1B8E;
	s24 =	sld [smem:$0x3FFE];
	[sflag:s23] =	ssyncadd.s32 $0xFFFFFFFF  }
0xa5: {  	s26 =	simm.s32 $execute0_lowered;
	[smem:$0x3FD2] =	sst s25  }
0xa6: {  	s5 =	sshll.u32 s26, $0x1;
	_ =	strace $0x80000049;
	[dreg:$0x1] =	wrdreg $0xFFFFFFFF  }
0xa7: {  	s28 =	simm.s32 $_size_execute0_lowered;
	s3 =	sadd.s32 s3, s5;
	[dreg:$0x0] =	wrdreg $0x0  }
0xa8: {  	s5 =	sshll.u32 s28, $0x1;
	[dreg:$0x2] =	wrdreg s3  }
0xa9: {  	[dreg:$0x3] =	wrdreg s5  }
0xaa: {  	[dreg:$0x4] =	wrdreg $0xC0  }
0xab: {  	_ =	task [dreg:s7], $0x5FFFF  }
0xac: {  	[dreg:$0x1] =	wrdreg $0xFFFFFFFF  }
0xad: {  	[dreg:$0x0] =	wrdreg $0x60  }
0xae: {  	[dreg:$0x2] =	wrdreg s2  }
0xaf: {  	[dreg:$0x3] =	wrdreg s24  }
0xb0: {  	[dreg:$0x4] =	wrdreg $0x118000  }
0xb1: {  	[dreg:$0x5] =	wrdreg $0x9  }
0xb2: {  	_ =	task.clear_ibuf [dreg:s7], $0x6FFFF;
	_ =	strace $0x90000049  }
0xb3: {  	s29 =	simm.s32 $0x9;
	_ =	strace $0x8000004B  }
0xb4: {  	_ =	swait.ge [sflag:s29], $0x1  }
0xb5: {  	[sflag:s29] =	ssyncadd.s32 $0xFFFFFFFF  }
0xb6: {  	_ =	strace $0x9000004B  }
0xb7: {  	_ =	sfence  }
0xb8: {  	s30 =	sld [smem:$0x0];
	_ =	sdelay $0x2  }
0xb9: {  	s31 =	sshll.u32 s1, $0xD;
	s1 =	sshrl.u32 s1, $0x2  }
0xba: {  	s3 =	sand.u32 $0x4000, s31;
	s1 =	sadd.s32 s1, s30  }
0xbb: {  	s0 =	sor.u32 s3, s0;
	s1 =	sshll.u32 s1, $0x11  }
0xbc: {  	s0 =	sor.u32 s1, s0  }
0xbd: {  	s0 =	sadd.s32 $0x8F2B, s0  }
0xbe: {  	[sflag:s0] =	ssyncadd.remote.s32 $0x1  }
0xbf: {  	_ =	sfence.sel $0xFFFF  }
0xc0: {  	[dreg:$0x0] =	wrdreg $0xFFFFFFFF;
	(pc) =	sbr.abs _section_cstart, $3  }
0xc1: {  	[dreg:$0x1] =	wrdreg $0xFFFFFFFF  }
0xc2: {  	_ =	task.clear_ibuf [dreg:s7], $0x2FFFF;
	_ =	strace $0x9FFFFFFF  }
0xc3: {  	(tm) =	ssettm $0x7FFFFFFF  }
tec
execute0_lowered:
.L_overlay_start_1:
0x0: {  	(tag) =	ssettag $0x1  }
0x1: {  	s2 =	rddreg [dreg:$0x0]  }
0x2: {  	s0 =	rddreg [dreg:$0x1]  }
0x3: {  	s3 =	rddreg [dreg:$0x2];
	s1 =	stileid.u32;
	s4 =	simm.s32 $0x0  }
0x4: {  	s5 =	srdreg.scid;
	s13 =	simm.s32 $0x7800;
	s14 =	simm.s32 $0x80  }
0x5: {  	s15 =	simm.s32 $0x9800;
	s16 =	simm.s32 $0xB800;
	s17 =	simm.s32 $0xD800  }
0x6: {  	s18 =	simm.s32 $0xF800;
	s19 =	simm.s32 $0x1;
	s20 =	simm.s32 $0x2  }
0x7: {  	s21 =	simm.s32 $0x3;
	s22 =	simm.s32 $0x4;
	s6 =	smul.u32 $0x28, s1  }
0x8: {  	s23 =	simm.s32 $0x5;
	s24 =	simm.s32 $0x6;
	s7 =	smul.u32 $0x78, s1  }
0x9: {  	s28 =	simm.s32 $0x9;
	s29 =	simm.s32 $0xA;
	s8 =	smul.u32 $0x1400, s1  }
0xa: {  	s30 =	simm.s32 $0x0;
	s5 =	sand.u32 $0x1, s5;
	s9 =	smul.u32 $0x28000, s1  }
0xb: {  	[smem:$0x7FF] =	sst s4;
	p0 =	seq.s32 s5, $0x0;
	s25 =	smul.u32 $0x14000, s5  }
0xc: {  	_ =	strace $0x8000004A;
	s5 =	ssub.s32 $0x2, s5;
	s6 =	sadd.s32 $0x780, s6  }
0xd: {  	s26 =	sshrl.u32 s5, $0x1;
	s31 =	sshrl.u32 s9, $0x2;
	s6 =	smov.u32 @p0 s7  }
0xe: {  	s7 =	sadd.s32 s8, s25;
	s11 =	ssub.s32 s5, s26;
	s8 =	sadd.s32 s31, s3  }
0xf: {  	s25 =	simm.s32 $0x7;
	s26 =	simm.s32 $0x8;
	s6 =	sshll.u32 s6, $0x4  }
0x10: {  	s10 =	sadd.s32 s6, s0;
	s0 =	sadd.s32 s7, s0;
	s6 =	simm.s32 $0xF000  }
0x11: {  	s5 =	sadd.s32 $0xC200, s10;
	s7 =	sadd.s32 $0x1A00, s10;
	s6 =	simm.s32 @!p0 $0x5000  }
0x12: {  	v0 =	vimm.f32 $0.0e+00;
	s9 =	sadd.s32 $0x66A00, s0;
	s10 =	smax.u32 s11, $0x1;
	s11 =	simm.s32 $0xB  }
.LBB2_1:
0x13: {  	[tilespmem:s4], [sflag:$0xB] =	stream.linear.gather [hbm4b:s5+s4], $0x3C00, $0x38;
	[tilespmem:$0x1B800] =	vst v63  }
0x14: {  	_ =	swait.ge [sflag:s11], $0x3C00  }
0x15: {  	[sflag:s11] =	ssyncset.done $0x0  }
0x16: {  	s0 =	simm.s32 $0x3C00;
	[sflag:s11] =	ssyncadd.s32 $0xFFFFC400  }
0x17: {  	[tilespmem:s0], [sflag:$0xB] =	stream.linear.gather [hbm4b:s7+s4], $0x3C00, $0x38;
	[tilespmem:$0x1B800] =	vst v63  }
0x18: {  	_ =	swait.ge [sflag:s11], $0x3C00  }
0x19: {  	[sflag:s11] =	ssyncset.done $0x0  }
0x1a: {  	s12 =	simm.s32 $0x100;
	s0 =	simm.s32 $0x0;
	[sflag:s11] =	ssyncadd.s32 $0xFFFFC400  }
.LBB2_2:
0x1b: {  	p0 =	sne.s32 s12, $0x27F00;
	[tilespmem:s0+$0x7830] =	vst v0;
	s31 =	smov.u32 s12;
	s12 =	sadd.s32 $0x100, s12  }
.Ltmp0:
0x1c: {  	[tilespmem:s0+$0x7820] =	vst v0;
	(pc) =	sbr.rel @p0 .LBB2_2-.Ltmp0, $3  }
0x1d: {  	[tilespmem:s0+$0x7800] =	vst v0  }
0x1e: {  	[tilespmem:s0+$0x7810] =	vst v0;
	_ =	sdelay $0x1  }
0x1f: {  	s0 =	sshra.s32 s31, $0x2  }
0x20: {  	[tilespmem:s0+$0x7830] =	vst v0  }
0x21: {  	[tilespmem:s0+$0x7820] =	vst v0  }
0x22: {  	[tilespmem:s0+$0x7800] =	vst v0  }
0x23: {  	[tilespmem:s0+$0x7810] =	vst v0;
	p1 =	sne.s32 s6, $0xA00  }
0x24: {  	[spmem:s8] =	stream.linear.scatter [tilespmem:s13], [sflag:$0xB], $0xA000, $0x38;
	[tilespmem:$0x1B800] =	vst v63  }
.Ltmp1:
0x25: {  	_ =	swait.ge [sflag:s11], $0xA000;
	(pc) =	sbr.rel @!p1 .LBB2_8-.Ltmp1, $4  }
0x26: {  	[sflag:s11] =	ssyncset.done $0x0  }
0x27: {  	[sflag:s11] =	ssyncadd.s32 $0xFFFF6000  }
0x28: {  	[bflag:$0x0] =	sbarrier.arrive $0xFFFF  }
0x29: {  	s0 =	simm.s32 $0x0;
	s31 =	simm.s32 $0xA00;
	p0 =	por $0x0, $0x0  }
0x2a: {  	s0 =	simm.s32 $0x0  }
0x2b: {  	[tilespmem:s13], [sflag:$0x1] =	stream.indirect.gather [hbm4b:s2+s14], $0x40, s0, s14, $0xb8;
	[tilespmem:$0x1B800] =	vst v63  }
0x2c: {  	s12 =	simm.s32 $0x80  }
0x2d: {  	[tilespmem:s15], [sflag:$0x2] =	stream.indirect.gather [hbm4b:s2+s14], $0x40, s12, s14, $0xb8;
	[tilespmem:$0x1B800] =	vst v63  }
0x2e: {  	s1 =	simm.s32 $0x100  }
0x2f: {  	[tilespmem:s16], [sflag:$0x3] =	stream.indirect.gather [hbm4b:s2+s14], $0x40, s1, s14, $0xb8;
	[tilespmem:$0x1B800] =	vst v63  }
0x30: {  	s12 =	simm.s32 $0x180  }
0x31: {  	[tilespmem:s17], [sflag:$0x4] =	stream.indirect.gather [hbm4b:s2+s14], $0x40, s12, s14, $0xb8;
	[tilespmem:$0x1B800] =	vst v63  }
0x32: {  	s1 =	simm.s32 $0x200  }
0x33: {  	[tilespmem:s18], [sflag:$0x5] =	stream.indirect.gather [hbm4b:s2+s14], $0x40, s1, s14, $0xb8;
	[tilespmem:$0x1B800] =	vst v63  }
0x34: {  	_ =	swait.ge [sflag:s19], $0x2000  }
0x35: {  	[sflag:s19] =	ssyncset.done $0x0  }
0x36: {  	s12 =	simm.s32 $0x3C00;
	[sflag:s19] =	ssyncadd.s32 $0xFFFFE000  }
0x37: {  	[spmem:s3] =	stream.indirect.scatter.add.f32 [tilespmem:s13], [sflag:$0x6], $0x40, s12, s14, $0xb8;
	[tilespmem:$0x1B800] =	vst v63  }
0x38: {  	_ =	swait.ge [sflag:s20], $0x2000  }
0x39: {  	[sflag:s20] =	ssyncset.done $0x0  }
0x3a: {  	s1 =	simm.s32 $0x3C80;
	[sflag:s20] =	ssyncadd.s32 $0xFFFFE000  }
0x3b: {  	[spmem:s3] =	stream.indirect.scatter.add.f32 [tilespmem:s15], [sflag:$0x7], $0x40, s1, s14, $0xb8;
	[tilespmem:$0x1B800] =	vst v63  }
0x3c: {  	_ =	swait.ge [sflag:s21], $0x2000  }
0x3d: {  	[sflag:s21] =	ssyncset.done $0x0  }
0x3e: {  	s12 =	simm.s32 $0x3D00;
	[sflag:s21] =	ssyncadd.s32 $0xFFFFE000  }
0x3f: {  	[spmem:s3] =	stream.indirect.scatter.add.f32 [tilespmem:s16], [sflag:$0x8], $0x40, s12, s14, $0xb8;
	[tilespmem:$0x1B800] =	vst v63  }
0x40: {  	_ =	swait.ge [sflag:s22], $0x2000  }
0x41: {  	[sflag:s22] =	ssyncset.done $0x0  }
0x42: {  	s1 =	simm.s32 $0x3D80;
	[sflag:s22] =	ssyncadd.s32 $0xFFFFE000  }
0x43: {  	[spmem:s3] =	stream.indirect.scatter.add.f32 [tilespmem:s17], [sflag:$0x9], $0x40, s1, s14, $0xb8;
	[tilespmem:$0x1B800] =	vst v63  }
0x44: {  	_ =	swait.ge [sflag:s23], $0x2000  }
0x45: {  	[sflag:s23] =	ssyncset.done $0x0  }
0x46: {  	s12 =	simm.s32 $0x3E00;
	[sflag:s23] =	ssyncadd.s32 $0xFFFFE000  }
0x47: {  	[spmem:s3] =	stream.indirect.scatter.add.f32 [tilespmem:s18], [sflag:$0xA], $0x40, s12, s14, $0xb8;
	[tilespmem:$0x1B800] =	vst v63  }
0x48: {  	_ =	swait.ge [sflag:s24], $0x2000  }
0x49: {  	[sflag:s24] =	ssyncset.done $0x0  }
0x4a: {  	[sflag:s24] =	ssyncadd.s32 $0xFFFFE000  }
0x4b: {  	_ =	swait.ge [sflag:s25], $0x2000  }
0x4c: {  	[sflag:s25] =	ssyncset.done $0x0  }
0x4d: {  	[sflag:s25] =	ssyncadd.s32 $0xFFFFE000  }
0x4e: {  	_ =	swait.ge [sflag:s26], $0x2000  }
0x4f: {  	[sflag:s26] =	ssyncset.done $0x0  }
0x50: {  	p1 =	sne.s32 s6, $0x1400;
	[sflag:s26] =	ssyncadd.s32 $0xFFFFE000  }
.Ltmp2:
0x51: {  	_ =	swait.ge [sflag:s28], $0x2000;
	(pc) =	sbr.rel @!p1 .LBB2_5-.Ltmp2, $4  }
0x52: {  	[sflag:s28] =	ssyncset.done $0x0  }
0x53: {  	[sflag:s28] =	ssyncadd.s32 $0xFFFFE000  }
0x54: {  	_ =	swait.ge [sflag:s29], $0x2000  }
0x55: {  	p0 =	por $0x1, $0x1;
	s0 =	simm.s32 $0x1400;
	[sflag:s29] =	ssyncset.done $0x0  }
.LBB2_6:
0x56: {  	s12 =	sshra.s32 s31, $0x2  }
0x57: {  	[sflag:s29] =	ssyncadd.s32 $0xFFFFE000;
	s31 =	smov.u32 s0;
	s0 =	sadd.s32 $0xA00, s0  }
0x58: {  	[tilespmem:s13], [sflag:$0x1] =	stream.indirect.gather [hbm4b:s2+s14], $0x40, s12, s14, $0xb8;
	[tilespmem:$0x1B800] =	vst v63  }
0x59: {  	p1 =	sne.s32 s6, s0;
	s1 =	sadd.s32 $0x80, s12  }
0x5a: {  	[tilespmem:s15], [sflag:$0x2] =	stream.indirect.gather [hbm4b:s2+s14], $0x40, s1, s14, $0xb8;
	[tilespmem:$0x1B800] =	vst v63  }
0x5b: {  	s1 =	sadd.s32 $0x100, s12  }
0x5c: {  	[tilespmem:s16], [sflag:$0x3] =	stream.indirect.gather [hbm4b:s2+s14], $0x40, s1, s14, $0xb8;
	[tilespmem:$0x1B800] =	vst v63  }
0x5d: {  	s1 =	sadd.s32 $0x180, s12  }
0x5e: {  	[tilespmem:s17], [sflag:$0x4] =	stream.indirect.gather [hbm4b:s2+s14], $0x40, s1, s14, $0xb8;
	[tilespmem:$0x1B800] =	vst v63  }
0x5f: {  	s1 =	sadd.s32 $0x200, s12  }
0x60: {  	[tilespmem:s18], [sflag:$0x5] =	stream.indirect.gather [hbm4b:s2+s14], $0x40, s1, s14, $0xb8;
	[tilespmem:$0x1B800] =	vst v63  }
0x61: {  	_ =	swait.ge [sflag:s19], $0x2000  }
0x62: {  	[sflag:s19] =	ssyncset.done $0x0  }
0x63: {  	s1 =	sadd.s32 $0x3C00, s12;
	[sflag:s19] =	ssyncadd.s32 $0xFFFFE000  }
0x64: {  	[spmem:s3] =	stream.indirect.scatter.add.f32 [tilespmem:s13], [sflag:$0x6], $0x40, s1, s14, $0xb8;
	[tilespmem:$0x1B800] =	vst v63  }
0x65: {  	_ =	swait.ge [sflag:s20], $0x2000  }
0x66: {  	[sflag:s20] =	ssyncset.done $0x0  }
0x67: {  	s1 =	sadd.s32 $0x3C80, s12;
	[sflag:s20] =	ssyncadd.s32 $0xFFFFE000  }
0x68: {  	[spmem:s3] =	stream.indirect.scatter.add.f32 [tilespmem:s15], [sflag:$0x7], $0x40, s1, s14, $0xb8;
	[tilespmem:$0x1B800] =	vst v63  }
0x69: {  	_ =	swait.ge [sflag:s21], $0x2000  }
0x6a: {  	[sflag:s21] =	ssyncset.done $0x0  }
0x6b: {  	s1 =	sadd.s32 $0x3D00, s12;
	[sflag:s21] =	ssyncadd.s32 $0xFFFFE000  }
0x6c: {  	[spmem:s3] =	stream.indirect.scatter.add.f32 [tilespmem:s16], [sflag:$0x8], $0x40, s1, s14, $0xb8;
	[tilespmem:$0x1B800] =	vst v63  }
0x6d: {  	_ =	swait.ge [sflag:s22], $0x2000  }
0x6e: {  	[sflag:s22] =	ssyncset.done $0x0  }
0x6f: {  	s1 =	sadd.s32 $0x3D80, s12;
	[sflag:s22] =	ssyncadd.s32 $0xFFFFE000  }
0x70: {  	[spmem:s3] =	stream.indirect.scatter.add.f32 [tilespmem:s17], [sflag:$0x9], $0x40, s1, s14, $0xb8;
	[tilespmem:$0x1B800] =	vst v63  }
0x71: {  	_ =	swait.ge [sflag:s23], $0x2000  }
0x72: {  	[sflag:s23] =	ssyncset.done $0x0  }
0x73: {  	s1 =	sadd.s32 $0x3E00, s12;
	[sflag:s23] =	ssyncadd.s32 $0xFFFFE000  }
0x74: {  	[spmem:s3] =	stream.indirect.scatter.add.f32 [tilespmem:s18], [sflag:$0xA], $0x40, s1, s14, $0xb8;
	[tilespmem:$0x1B800] =	vst v63  }
0x75: {  	_ =	swait.ge [sflag:s24], $0x2000  }
0x76: {  	[sflag:s24] =	ssyncset.done $0x0  }
0x77: {  	[sflag:s24] =	ssyncadd.s32 $0xFFFFE000  }
0x78: {  	_ =	swait.ge [sflag:s25], $0x2000  }
0x79: {  	[sflag:s25] =	ssyncset.done $0x0  }
0x7a: {  	[sflag:s25] =	ssyncadd.s32 $0xFFFFE000  }
0x7b: {  	_ =	swait.ge [sflag:s26], $0x2000  }
0x7c: {  	[sflag:s26] =	ssyncset.done $0x0  }
0x7d: {  	[sflag:s26] =	ssyncadd.s32 $0xFFFFE000  }
.Ltmp3:
0x7e: {  	_ =	swait.ge [sflag:s28], $0x2000;
	(pc) =	sbr.rel @p1 .LBB2_6-.Ltmp3, $4  }
0x7f: {  	[sflag:s28] =	ssyncset.done $0x0  }
0x80: {  	[sflag:s28] =	ssyncadd.s32 $0xFFFFE000  }
0x81: {  	_ =	swait.ge [sflag:s29], $0x2000  }
0x82: {  	[sflag:s29] =	ssyncset.done $0x0  }
0x83: {  	s0 =	smov.u32 s31  }
.LBB2_8:
0x84: {  	s0 =	sshra.s32 s0, $0x2;
	[sflag:s29] =	ssyncadd.s32 @p0 $0xFFFFE000  }
0x85: {  	[tilespmem:s13], [sflag:$0x1] =	stream.indirect.gather [hbm4b:s2+s14], $0x40, s0, s14, $0xb8;
	[tilespmem:$0x1B800] =	vst v63  }
0x86: {  	s1 =	sadd.s32 $0x80, s0  }
0x87: {  	[tilespmem:s15], [sflag:$0x2] =	stream.indirect.gather [hbm4b:s2+s14], $0x40, s1, s14, $0xb8;
	[tilespmem:$0x1B800] =	vst v63  }
0x88: {  	s31 =	sadd.s32 $0x100, s0  }
0x89: {  	[tilespmem:s16], [sflag:$0x3] =	stream.indirect.gather [hbm4b:s2+s14], $0x40, s31, s14, $0xb8;
	[tilespmem:$0x1B800] =	vst v63  }
0x8a: {  	s12 =	sadd.s32 $0x180, s0  }
0x8b: {  	[tilespmem:s17], [sflag:$0x4] =	stream.indirect.gather [hbm4b:s2+s14], $0x40, s12, s14, $0xb8;
	[tilespmem:$0x1B800] =	vst v63  }
0x8c: {  	s31 =	sadd.s32 $0x200, s0  }
0x8d: {  	[tilespmem:s18], [sflag:$0x5] =	stream.indirect.gather [hbm4b:s2+s14], $0x40, s31, s14, $0xb8;
	[tilespmem:$0x1B800] =	vst v63  }
0x8e: {  	_ =	swait.ge [sflag:s19], $0x2000  }
0x8f: {  	[sflag:s19] =	ssyncset.done $0x0  }
0x90: {  	s12 =	sadd.s32 $0x3C00, s0;
	[sflag:s19] =	ssyncadd.s32 $0xFFFFE000  }
0x91: {  	[spmem:s3] =	stream.indirect.scatter.add.f32 [tilespmem:s13], [sflag:$0x6], $0x40, s12, s14, $0xb8;
	[tilespmem:$0x1B800] =	vst v63  }
0x92: {  	_ =	swait.ge [sflag:s20], $0x2000  }
0x93: {  	[sflag:s20] =	ssyncset.done $0x0  }
0x94: {  	s31 =	sadd.s32 $0x3C80, s0;
	[sflag:s20] =	ssyncadd.s32 $0xFFFFE000  }
0x95: {  	[spmem:s3] =	stream.indirect.scatter.add.f32 [tilespmem:s15], [sflag:$0x7], $0x40, s31, s14, $0xb8;
	[tilespmem:$0x1B800] =	vst v63  }
0x96: {  	_ =	swait.ge [sflag:s21], $0x2000  }
0x97: {  	[sflag:s21] =	ssyncset.done $0x0  }
0x98: {  	s12 =	sadd.s32 $0x3D00, s0;
	[sflag:s21] =	ssyncadd.s32 $0xFFFFE000  }
0x99: {  	[spmem:s3] =	stream.indirect.scatter.add.f32 [tilespmem:s16], [sflag:$0x8], $0x40, s12, s14, $0xb8;
	[tilespmem:$0x1B800] =	vst v63  }
0x9a: {  	_ =	swait.ge [sflag:s22], $0x2000  }
0x9b: {  	[sflag:s22] =	ssyncset.done $0x0  }
0x9c: {  	s31 =	sadd.s32 $0x3D80, s0;
	[sflag:s22] =	ssyncadd.s32 $0xFFFFE000  }
0x9d: {  	[spmem:s3] =	stream.indirect.scatter.add.f32 [tilespmem:s17], [sflag:$0x9], $0x40, s31, s14, $0xb8;
	[tilespmem:$0x1B800] =	vst v63  }
0x9e: {  	_ =	swait.ge [sflag:s23], $0x2000  }
0x9f: {  	[sflag:s23] =	ssyncset.done $0x0  }
0xa0: {  	s0 =	sadd.s32 $0x3E00, s0;
	[sflag:s23] =	ssyncadd.s32 $0xFFFFE000  }
0xa1: {  	[spmem:s3] =	stream.indirect.scatter.add.f32 [tilespmem:s18], [sflag:$0xA], $0x40, s0, s14, $0xb8;
	[tilespmem:$0x1B800] =	vst v63  }
0xa2: {  	_ =	swait.ge [sflag:s24], $0x2000  }
0xa3: {  	[sflag:s24] =	ssyncset.done $0x0  }
0xa4: {  	[sflag:s24] =	ssyncadd.s32 $0xFFFFE000  }
0xa5: {  	_ =	swait.ge [sflag:s25], $0x2000  }
0xa6: {  	[sflag:s25] =	ssyncset.done $0x0  }
0xa7: {  	[sflag:s25] =	ssyncadd.s32 $0xFFFFE000  }
0xa8: {  	_ =	swait.ge [sflag:s26], $0x2000  }
0xa9: {  	[sflag:s26] =	ssyncset.done $0x0  }
0xaa: {  	[sflag:s26] =	ssyncadd.s32 $0xFFFFE000  }
0xab: {  	_ =	swait.ge [sflag:s28], $0x2000  }
0xac: {  	[sflag:s28] =	ssyncset.done $0x0  }
0xad: {  	[sflag:s28] =	ssyncadd.s32 $0xFFFFE000  }
0xae: {  	_ =	swait.ge [sflag:s29], $0x2000  }
0xaf: {  	s30 =	sadd.s32 $0x1, s30;
	s12 =	stileid.u32;
	[sflag:s29] =	ssyncset.done $0x0  }
0xb0: {  	p0 =	sne.s32 s30, s10;
	s0 =	sshll.u32 s12, $0x6;
	[sflag:s29] =	ssyncadd.s32 $0xFFFFE000  }
0xb1: {  	s31 =	sshrl.u32 s8, $0x3;
	s0 =	sor.u32 $0x1C0B, s0;
	[bflag:$0x0] =	sbarrier.arrive $0xFFFF  }
0xb2: {  	[hbm:s9], [sflag:s0] =	dma.local [spmem:s31], $0x1400  }
.Ltmp4:
0xb3: {  	_ = 	snop;
	(pc) =	sbr.rel @p0 .LBB2_1-.Ltmp4, $4  }
.Ltmp5:
0xb4: {  	_ = 	snop;
	(pc) =	sbr.rel @!p0 .LBB2_9-.Ltmp5, $4  }
0xb5: {  	_ =	swait.ge [sflag:s11], $0x1400  }
0xb6: {  	[sflag:s11] =	ssyncset.done $0x0  }
0xb7: {  	[sflag:s11] =	ssyncadd.s32 $0xFFFFEC00  }
0xb8: {  	_ = 	snop  }
.LBB2_5:
.Ltmp6:
0xb9: {  	(pc) =	sbr.rel .LBB2_8-.Ltmp6, $2  }
0xba: {  	_ =	sdelay $0x2  }
0xbb: {  	s0 =	simm.s32 $0xA00  }
.LBB2_9:
0xbc: {  	_ =	sfence.sel $0x180000  }
0xbd: {  	[bflag:$0x0] =	sbarrier.arrive $0xFFFF  }
0xbe: {  	_ =	strace $0x9000004A  }
0xbf: {  	s0 =	stileid.u32;
	[bflag:$0x2] =	sbarrier.arrive $0xFFFF  }
0xc0: {  	p0 =	sne.s32 s0, $0x0;
	s0 =	rddreg [dreg:$0x3]  }
0xc1: {  	s0 =	sadd.s32 @!p0 $0x100000, s0  }
0xc2: {  	[sflag:s0] =	ssyncadd.tile.s32 @!p0 $0x1;
	_ =	shalt  }
.Lfunc_end2:
_tile_overlayer_lowered:
.L_overlay_start_2:
0xc3: {  	(tag) =	ssettag $0x2  }
0xc4: {  	s0 =	rddreg [dreg:$0x0];
	s2 =	stileid.u32  }
0xc5: {  	s1 =	rddreg [dreg:$0x1];
	p0 =	sne.s32 s2, $0x0  }
0xc6: {  	s3 =	rddreg [dreg:$0x2];
	[bflag:$0x3] =	sbarrier.arrive $0xFFFF;
	s2 =	simm.s32 @!p0 $0x1C0B  }
0xc7: {  	[timem:s3], [sflag:s2] =	dma.local @!p0 [hbm:s0], s1  }
0xc8: {  	s0 =	simm.s32 @!p0 $0xB  }
0xc9: {  	_ =	swait.ge @!p0 [sflag:s0], s1  }
0xca: {  	s1 =	ssub.s32 @!p0 $0x0, s1;
	[sflag:s0] =	ssyncset.done @!p0 $0x0  }
0xcb: {  	[sflag:s0] =	ssyncadd.s32 @!p0 s1  }
0xcc: {  	[bflag:$0x3] =	sbarrier.arrive $0xFFFF  }
0xcd: {  	_ =	shalt  }

// kernel: kernel.7.cloned.1.call-start
scs
__scs_entry_jumppad:
0x0: {  	(pc) =	sbr.rel $0x88, $3  }
0x1: {  	(tag) =	ssettag $0x0;
	lr =	simm.s32 $0x1  }
0x2: {  	[smem:$0x3F95] =	sst lr;
	_ =	strace $0xD0000000  }
0x3: {  	_ = 	snop  }
0x4: {  	_ = 	snop  }
0x5: {  	_ = 	snop  }
0x6: {  	_ = 	snop  }
0x7: {  	_ = 	snop  }
__scs_overlays_trampoline_lowered:
0x8: {  	[smem:$0x3FA4] =	sst s0  }
0x9: {  	[smem:$0x3FA5] =	sst s1  }
0xa: {  	[smem:$0x3FA6] =	sst s2  }
0xb: {  	[smem:$0x3FA7] =	sst s3  }
0xc: {  	[smem:$0x3FA8] =	sst s4  }
0xd: {  	[smem:$0x3FA9] =	sst s5  }
0xe: {  	[smem:$0x3FAA] =	sst s6  }
0xf: {  	[smem:$0x3FAB] =	sst s7  }
0x10: {  	[smem:$0x3FAC] =	sst s8  }
0x11: {  	[smem:$0x3FAD] =	sst s9;
	s0 =	simm.s32 @!p0 $0x0  }
0x12: {  	s1 =	sld [smem:$0x3F93];
	s0 =	simm.s32 @p0 $0x1  }
0x13: {  	[smem:$0x3FAE] =	sst s0;
	s0 =	simm.s32 @!p1 $0x0  }
0x14: {  	s2 =	sld [smem:$0x3F92];
	s0 =	simm.s32 @p1 $0x1  }
0x15: {  	[smem:$0x3FAF] =	sst s0;
	s0 =	simm.s32 @!p2 $0x0  }
0x16: {  	s3 =	sld [smem:$0x3FDB];
	s0 =	simm.s32 @p2 $0x1  }
0x17: {  	s4 =	simm.s32 $0x1BF5;
	[smem:$0x3FB1] =	sst s0  }
0x18: {  	s0 =	sld [smem:$0x3F94];
	_ =	swait.ge [sflag:s4], $0x0  }
0x19: {  	s7 =	sld [smem:$0x3F95]  }
0x1a: {  	s8 =	sadd.s32 $0xFFFFE003, lr  }
0x1b: {  	s9 =	sadd.s32 $0xFFFFFEF7, lr;
	s5 =	simm.s32 $0xFFFFFFFF;
	p2 =	slt.u32 s8, $0xFFFFF086  }
0x1c: {  	p1 =	slt.u32 s9, $0xF7A;
	s5 =	simm.s32 @!p2 $0x0  }
0x1d: {  	s5 =	simm.s32 @p1 $0x1;
	p0 =	seq.s32 s7, s2  }
0x1e: {  	s7 =	smul.u32 @!p0 $0xF7A, s2;
	p2 =	seq.s32 @!p0 s5, $0x0  }
0x1f: {  	s9 =	smul.u32 $0xF7A, s1;
	s8 =	simm.s32 @!p0 $0x1BF5;
	p2 =	por !p2, p0  }
0x20: {  	[sflag:s8] =	ssyncset.s32 @!p0 $0xFFFFF086;
	s6 =	sadd.s32 @!p0 s3, s7;
	s7 =	simm.s32 @!p0 $0x108  }
0x21: {  	s3 =	sadd.s32 s3, s9;
	s6 =	sadd.s32 @!p0 $0x88, s6;
	s7 =	simm.s32 @p2 $0x1082  }
0x22: {  	[simem:s7], [sflag:s8] =	dma.local @!p0 [hbm:s6], $0xF7A  }
0x23: {  	s9 =	sor.u32 $0xD0000000, s2;
	s6 =	simm.s32 $0x108;
	_ =	swait.ge @!p0 [sflag:s8], $0x0  }
0x24: {  	s3 =	sadd.s32 $0x88, s3;
	s6 =	simm.s32 @!p1 $0x1082;
	[sflag:s4] =	ssyncset.s32 $0xFFFFF086  }
0x25: {  	[simem:s6], [sflag:s4] =	dma.local [hbm:s3], $0xF7A  }
0x26: {  	[smem:$0x3F95] =	sst s1;
	(tag) =	ssettag s2;
	_ =	strace s9  }
0x27: {  	s1 =	sld [smem:$0x3FA5]  }
0x28: {  	s2 =	sld [smem:$0x3FA6]  }
0x29: {  	s4 =	sld [smem:$0x3FA8]  }
0x2a: {  	p0 =	seq.s32 s5, $0x0;
	s5 =	sld [smem:$0x3FA9]  }
0x2b: {  	s6 =	sld [smem:$0x3FAA]  }
0x2c: {  	s7 =	sld [smem:$0x3FAB]  }
0x2d: {  	s3 =	simm.s32 $0x108;
	s8 =	sld [smem:$0x3FAC]  }
0x2e: {  	s3 =	simm.s32 @!p0 $0x1082;
	s9 =	sld [smem:$0x3FAD]  }
0x2f: {  	lr =	sadd.s32 s0, s3;
	s0 =	sld [smem:$0x3FA4]  }
0x30: {  	s3 =	sld [smem:$0x3FA7]  }
0x31: {  	[smem:$0x3FB0] =	sst s10  }
0x32: {  	s10 =	sld [smem:$0x3FAE];
	_ =	sdelay $0x3  }
0x33: {  	p0 =	seq.s32 s10, $0x1;
	s10 =	sld [smem:$0x3FB0];
	_ =	sdelay $0x3  }
0x34: {  	[smem:$0x3FB0] =	sst s10  }
0x35: {  	s10 =	sld [smem:$0x3FAF];
	_ =	sdelay $0x3  }
0x36: {  	p1 =	seq.s32 s10, $0x1;
	s10 =	sld [smem:$0x3FB0];
	_ =	sdelay $0x3  }
0x37: {  	[smem:$0x3FB0] =	sst s10  }
0x38: {  	s10 =	sld [smem:$0x3FB1]  }
0x39: {  	_ = 	snop;
	(pc) =	sbr.ind lr, $3  }
0x3a: {  	_ = 	snop  }
0x3b: {  	_ = 	snop  }
0x3c: {  	p2 =	seq.s32 s10, $0x1;
	s10 =	sld [smem:$0x3FB0]  }
0x3d: {  	_ =	shalt  }
0x3e: {  	_ =	shalt  }
0x3f: {  	_ =	shalt  }
0x40: {  	_ =	shalt  }
0x41: {  	_ =	shalt  }
0x42: {  	_ =	shalt  }
0x43: {  	_ =	shalt  }
0x44: {  	_ =	shalt  }
0x45: {  	_ =	shalt  }
0x46: {  	_ =	shalt  }
0x47: {  	_ =	shalt  }
0x48: {  	_ =	shalt  }
0x49: {  	_ =	shalt  }
0x4a: {  	_ =	shalt  }
0x4b: {  	_ =	shalt  }
0x4c: {  	_ =	shalt  }
0x4d: {  	_ =	shalt  }
0x4e: {  	_ =	shalt  }
0x4f: {  	_ =	shalt  }
0x50: {  	_ =	shalt  }
0x51: {  	_ =	shalt  }
0x52: {  	_ =	shalt  }
0x53: {  	_ =	shalt  }
0x54: {  	_ =	shalt  }
0x55: {  	_ =	shalt  }
0x56: {  	_ =	shalt  }
0x57: {  	_ =	shalt  }
0x58: {  	_ =	shalt  }
0x59: {  	_ =	shalt  }
0x5a: {  	_ =	shalt  }
0x5b: {  	_ =	shalt  }
0x5c: {  	_ =	shalt  }
0x5d: {  	_ =	shalt  }
0x5e: {  	_ =	shalt  }
0x5f: {  	_ =	shalt  }
0x60: {  	_ =	shalt  }
0x61: {  	_ =	shalt  }
0x62: {  	_ =	shalt  }
0x63: {  	_ =	shalt  }
0x64: {  	_ =	shalt  }
0x65: {  	_ =	shalt  }
0x66: {  	_ =	shalt  }
0x67: {  	_ =	shalt  }
0x68: {  	_ =	shalt  }
0x69: {  	_ =	shalt  }
0x6a: {  	_ =	shalt  }
0x6b: {  	_ =	shalt  }
0x6c: {  	_ =	shalt  }
0x6d: {  	_ =	shalt  }
0x6e: {  	_ =	shalt  }
0x6f: {  	_ =	shalt  }
0x70: {  	_ =	shalt  }
0x71: {  	_ =	shalt  }
0x72: {  	_ =	shalt  }
0x73: {  	_ =	shalt  }
0x74: {  	_ =	shalt  }
0x75: {  	_ =	shalt  }
0x76: {  	_ =	shalt  }
0x77: {  	_ =	shalt  }
0x78: {  	_ =	shalt  }
0x79: {  	_ =	shalt  }
0x7a: {  	_ =	shalt  }
0x7b: {  	_ =	shalt  }
0x7c: {  	_ =	shalt  }
0x7d: {  	_ =	shalt  }
0x7e: {  	_ =	shalt  }
0x7f: {  	_ =	shalt  }
0x80: {  	_ =	shalt  }
0x81: {  	_ =	shalt  }
0x82: {  	_ =	shalt  }
0x83: {  	_ =	shalt  }
0x84: {  	_ =	shalt  }
0x85: {  	_ =	shalt  }
0x86: {  	_ =	shalt  }
0x87: {  	_ =	shalt  }
.Lfunc_end0:
.L_simem_size_0:
called_computation_lowered:
.L_overlay_start_0:
0x88: {  	s2 =	sld [smem:$0x3FD9]  }
0x89: {  	s3 =	sld [smem:$0x3FFE];
	_ =	sdelay $0x1  }
0x8a: {  	s1 =	srdreg.scid  }
0x8b: {  	s0 =	sand.u32 $0x1, s1  }
0x8c: {  	s17 =	sshll.u32 s0, $0xA;
	s2 =	sadd.s32 s3, s2  }
0x8d: {  	s2 =	sadd.s32 s2, s17  }
0x8e: {  	[smem:$0x3FBC] =	sst s2  }
0x8f: {  	_ = 	snop  }
0x90: {  	s2 =	sld [smem:$0x3FD0];
	(tm) =	ssettm $0x1  }
0x91: {  	s18 =	sld [smem:$0x3FFB];
	_ =	sdelay $0x3  }
0x92: {  	_ =	strace s18  }
0x93: {  	s3 =	sld [smem:$0x3FFC];
	_ =	sdelay $0x3  }
0x94: {  	_ =	strace s3  }
0x95: {  	s3 =	sld [smem:$0x3FFD];
	_ =	sdelay $0x3  }
0x96: {  	_ =	strace s3  }
0x97: {  	_ =	strace $0x8FFFFFFF  }
0x98: {  	s19 =	sld [smem:$0x3FDB];
	_ =	sdelay $0x1  }
0x99: {  	s4 =	simm.s32 $_scs_section_size  }
0x9a: {  	s5 =	simm.s32 $_size__tile_overlayer_lowered;
	s6 =	simm.s32 $_tile_overlayer_lowered  }
0x9b: {  	s22 =	simm.s32 $0x1BFF;
	s21 =	sshll.u32 s6, $0x1;
	s3 =	sadd.s32 s4, s19  }
0x9c: {  	s7 =	simm.s32 $0x0;
	s20 =	sshll.u32 s5, $0x1;
	s5 =	sadd.s32 s21, s3  }
0x9d: {  	[timem:s7], [sflag:s22] =	dma.local [hbm:s5], s20  }
0x9e: {  	_ =	swait.ge [sflag:s22], s20  }
0x9f: {  	s4 =	ssub.s32 $0x0, s20;
	[sflag:s22] =	ssyncset.done $0x0  }
0xa0: {  	[sflag:s22] =	ssyncadd.s32 s4;
	_ =	sdelay $0x1  }
0xa1: {  	s23 =	simm.s32 $0x1B8B  }
0xa2: {  	_ =	swait.ge [sflag:s23], $0x1  }
0xa3: {  	[sflag:s23] =	ssyncset.done $0x0  }
0xa4: {  	s25 =	simm.s32 $0x1B8E;
	s24 =	sld [smem:$0x3FFE];
	[sflag:s23] =	ssyncadd.s32 $0xFFFFFFFF  }
0xa5: {  	s26 =	simm.s32 $execute0_lowered;
	[smem:$0x3FD2] =	sst s25  }
0xa6: {  	s5 =	sshll.u32 s26, $0x1;
	_ =	strace $0x80000046;
	[dreg:$0x1] =	wrdreg $0xFFFFFFFF  }
0xa7: {  	s28 =	simm.s32 $_size_execute0_lowered;
	s3 =	sadd.s32 s3, s5;
	[dreg:$0x0] =	wrdreg $0x0  }
0xa8: {  	s5 =	sshll.u32 s28, $0x1;
	[dreg:$0x2] =	wrdreg s3  }
0xa9: {  	[dreg:$0x3] =	wrdreg s5  }
0xaa: {  	[dreg:$0x4] =	wrdreg $0xC0  }
0xab: {  	_ =	task [dreg:s7], $0x5FFFF  }
0xac: {  	[dreg:$0x1] =	wrdreg $0xFFFFFFFF  }
0xad: {  	[dreg:$0x0] =	wrdreg $0x60  }
0xae: {  	[dreg:$0x2] =	wrdreg s2  }
0xaf: {  	[dreg:$0x3] =	wrdreg s24  }
0xb0: {  	[dreg:$0x4] =	wrdreg $0x118000  }
0xb1: {  	[dreg:$0x5] =	wrdreg $0x1C0000  }
0xb2: {  	[dreg:$0x6] =	wrdreg $0x9  }
0xb3: {  	_ =	task.clear_ibuf [dreg:s7], $0x7FFFF;
	_ =	strace $0x90000046  }
0xb4: {  	s29 =	simm.s32 $0x9;
	_ =	strace $0x80000048  }
0xb5: {  	_ =	swait.ge [sflag:s29], $0x1  }
0xb6: {  	[sflag:s29] =	ssyncadd.s32 $0xFFFFFFFF  }
0xb7: {  	_ =	strace $0x90000048  }
0xb8: {  	_ =	sfence  }
0xb9: {  	s30 =	sld [smem:$0x0];
	_ =	sdelay $0x2  }
0xba: {  	s31 =	sshll.u32 s1, $0xD;
	s1 =	sshrl.u32 s1, $0x2  }
0xbb: {  	s3 =	sand.u32 $0x4000, s31;
	s1 =	sadd.s32 s1, s30  }
0xbc: {  	s0 =	sor.u32 s3, s0;
	s1 =	sshll.u32 s1, $0x11  }
0xbd: {  	s0 =	sor.u32 s1, s0  }
0xbe: {  	s0 =	sadd.s32 $0x8F2B, s0  }
0xbf: {  	[sflag:s0] =	ssyncadd.remote.s32 $0x1  }
0xc0: {  	_ =	sfence.sel $0xFFFF  }
0xc1: {  	[dreg:$0x0] =	wrdreg $0xFFFFFFFF;
	(pc) =	sbr.abs _section_cstart, $3  }
0xc2: {  	[dreg:$0x1] =	wrdreg $0xFFFFFFFF  }
0xc3: {  	_ =	task.clear_ibuf [dreg:s7], $0x2FFFF;
	_ =	strace $0x9FFFFFFF  }
0xc4: {  	(tm) =	ssettm $0x7FFFFFFF  }
0xc5: {  	_ =	shalt  }
tec
execute0_lowered:
.L_overlay_start_1:
0x0: {  	(tag) =	ssettag $0x1  }
0x1: {  	s1 =	rddreg [dreg:$0x0];
	s9 =	stileid.u32  }
0x2: {  	s0 =	rddreg [dreg:$0x1];
	s4 =	srdreg.scid  }
0x3: {  	s3 =	rddreg [dreg:$0x2];
	s10 =	simm.s32 $0x0;
	s28 =	simm.s32 $0x2  }
0x4: {  	s29 =	simm.s32 $0x3;
	s30 =	simm.s32 $0x4;
	s2 =	smul.u32 $0x78, s9  }
0x5: {  	s31 =	simm.s32 $0x5;
	s11 =	simm.s32 $0xE;
	s5 =	smul.u32 $0x28, s9  }
0x6: {  	s12 =	simm.s32 $0xA;
	s13 =	simm.s32 $0xF;
	s7 =	smul.u32 $0x280, s9  }
0x7: {  	s6 =	sand.u32 $0x1, s4;
	s4 =	rddreg [dreg:$0x3];
	s17 =	smul.u32 $0xA000, s9  }
0x8: {  	s14 =	simm.s32 $0x0;
	[smem:$0x7FF] =	sst s10;
	s9 =	smul.u32 $0x28000, s9  }
0x9: {  	s10 =	simm.s32 $0x9;
	s8 =	smul.u32 $0x2800, s6;
	p0 =	seq.s32 s6, $0x0  }
0xa: {  	_ =	strace $0x80000047;
	s6 =	ssub.s32 $0x2, s6;
	s5 =	sadd.s32 $0x780, s5  }
0xb: {  	s18 =	sshrl.u32 s6, $0x1;
	s20 =	sshrl.u32 s17, $0x2;
	s21 =	sshrl.u32 s9, $0x2  }
0xc: {  	s17 =	simm.s32 $0x10;
	s5 =	smov.u32 @p0 s2;
	s16 =	sadd.s32 s7, s8  }
0xd: {  	s8 =	sadd.s32 s20, s4;
	s20 =	simm.s32 $0x1B800;
	s5 =	sshll.u32 s5, $0x4  }
0xe: {  	s7 =	sshll.u32 s16, $0x3;
	s2 =	sshll.u32 s16, $0x1;
	s22 =	sadd.s32 $0x800, s8  }
0xf: {  	s23 =	sadd.s32 $0x1800, s8;
	s24 =	sadd.s32 $0x2000, s8;
	s5 =	sadd.s32 s5, s0  }
0x10: {  	s7 =	sadd.s32 s7, s0;
	s0 =	sadd.s32 s2, s0;
	[dreg:$0x9] =	wrdreg s22  }
0x11: {  	s2 =	ssub.s32 s6, s18;
	s6 =	sadd.s32 $0x1000, s8;
	[dreg:$0xb] =	wrdreg s23  }
0x12: {  	[dreg:$0xc] =	wrdreg s24;
	s22 =	simm.s32 $0x9800;
	s23 =	simm.s32 $0xB800  }
0x13: {  	s24 =	simm.s32 $0xD800;
	s19 =	sadd.s32 $0xC200, s5;
	[dreg:$0xa] =	wrdreg s6  }
0x14: {  	s18 =	simm.s32 $0x7;
	s5 =	sadd.s32 $0x1A00, s5;
	[dreg:$0x6] =	wrdreg s19  }
0x15: {  	s25 =	sadd.s32 $0x16A00, s7;
	s0 =	sadd.s32 $0x3EA00, s0;
	[dreg:$0x7] =	wrdreg s5  }
0x16: {  	s26 =	smax.u32 s2, $0x1;
	s2 =	simm.s32 $0x6;
	[dreg:$0xd] =	wrdreg s25  }
0x17: {  	s6 =	simm.s32 $0x8;
	s7 =	simm.s32 $0xD;
	[dreg:$0xe] =	wrdreg s0  }
0x18: {  	s5 =	sadd.s32 s21, s3;
	[dreg:$0xf] =	wrdreg s26;
	s19 =	simm.s32 $0x7800  }
0x19: {  	s21 =	simm.s32 $0x80;
	[dreg:$0x8] =	wrdreg s5;
	s5 =	simm.s32 $0xF000  }
0x1a: {  	s25 =	simm.s32 $0xF800;
	s26 =	simm.s32 $0x1;
	s5 =	simm.s32 @!p0 $0x5000  }
0x1b: {  	v0 =	vimm.f32 $0.0e+00;
	v1 =	vimm.f32 $1.000000000e+00;
	s0 =	simm.s32 $0xB;
	[dreg:$0x5] =	wrdreg s5;
	s5 =	simm.s32 $0xC  }
.LBB2_1:
0x1c: {  	s9 =	simm.s32 $0x0;
	s15 =	rddreg [dreg:$0x6]  }
0x1d: {  	[tilespmem:s9], [sflag:$0x10] =	stream.linear.gather [hbm4b:s15+s9], $0x3C00, $0x38;
	[tilespmem:$0x1E800] =	vst v63  }
0x1e: {  	_ =	swait.ge [sflag:s17], $0x3C00  }
0x1f: {  	[sflag:s17] =	ssyncset.done $0x0  }
0x20: {  	s16 =	simm.s32 $0x3C00;
	s15 =	rddreg [dreg:$0x7];
	[sflag:s17] =	ssyncadd.s32 $0xFFFFC400  }
0x21: {  	[tilespmem:s16], [sflag:$0x10] =	stream.linear.gather [hbm4b:s15+s9], $0x3C00, $0x38;
	[tilespmem:$0x1E800] =	vst v63  }
0x22: {  	_ =	swait.ge [sflag:s17], $0x3C00  }
0x23: {  	[sflag:s17] =	ssyncset.done $0x0  }
0x24: {  	s16 =	simm.s32 $0x100;
	s15 =	simm.s32 $0x0;
	[sflag:s17] =	ssyncadd.s32 $0xFFFFC400  }
.LBB2_2:
0x25: {  	p0 =	sne.s32 s16, $0x27F00;
	[tilespmem:s15+$0x7830] =	vst v0;
	s9 =	smov.u32 s16;
	s16 =	sadd.s32 $0x100, s16  }
.Ltmp0:
0x26: {  	[tilespmem:s15+$0x7820] =	vst v0;
	(pc) =	sbr.rel @p0 .LBB2_2-.Ltmp0, $3  }
0x27: {  	[tilespmem:s15+$0x7800] =	vst v0  }
0x28: {  	[tilespmem:s15+$0x7810] =	vst v0;
	_ =	sdelay $0x1  }
0x29: {  	s15 =	sshra.s32 s9, $0x2  }
0x2a: {  	[tilespmem:s15+$0x7830] =	vst v0  }
0x2b: {  	[tilespmem:s15+$0x7820] =	vst v0  }
0x2c: {  	[tilespmem:s15+$0x7800] =	vst v0  }
0x2d: {  	[tilespmem:s15+$0x7810] =	vst v0;
	s9 =	rddreg [dreg:$0x8]  }
0x2e: {  	[spmem:s9] =	stream.linear.scatter [tilespmem:s19], [sflag:$0x10], $0xA000, $0x38;
	[tilespmem:$0x1E800] =	vst v63  }
0x2f: {  	_ =	swait.ge [sflag:s17], $0xA000  }
0x30: {  	[sflag:s17] =	ssyncset.done $0x0  }
0x31: {  	s15 =	simm.s32 $0x40;
	s16 =	simm.s32 $0x0;
	[sflag:s17] =	ssyncadd.s32 $0xFFFF6000  }
.LBB2_4:
0x32: {  	p0 =	sne.s32 s15, $0x1FC0;
	[tilespmem:s16+$0x1B800] =	vst v0;
	s9 =	smov.u32 s15;
	s15 =	sadd.s32 $0x40, s15  }
.Ltmp1:
0x33: {  	(pc) =	sbr.rel @p0 .LBB2_4-.Ltmp1, $2  }
0x34: {  	_ =	sdelay $0x2  }
0x35: {  	s16 =	sshra.s32 s9, $0x2  }
0x36: {  	[tilespmem:s16+$0x1B800] =	vst v0  }
0x37: {  	[spmem:s8] =	stream.linear.scatter [tilespmem:s20], [sflag:$0x10], $0x800, $0x38;
	[tilespmem:$0x1E800] =	vst v63  }
0x38: {  	_ =	swait.ge [sflag:s17], $0x800  }
0x39: {  	[sflag:s17] =	ssyncset.done $0x0  }
0x3a: {  	s9 =	rddreg [dreg:$0x9];
	[sflag:s17] =	ssyncadd.s32 $0xFFFFF800  }
0x3b: {  	[spmem:s9] =	stream.linear.scatter [tilespmem:s20], [sflag:$0x10], $0x800, $0x38;
	[tilespmem:$0x1E800] =	vst v63  }
0x3c: {  	_ =	swait.ge [sflag:s17], $0x800  }
0x3d: {  	[sflag:s17] =	ssyncset.done $0x0  }
0x3e: {  	s16 =	rddreg [dreg:$0xa];
	[sflag:s17] =	ssyncadd.s32 $0xFFFFF800  }
0x3f: {  	[spmem:s16] =	stream.linear.scatter [tilespmem:s20], [sflag:$0x10], $0x800, $0x38;
	[tilespmem:$0x1E800] =	vst v63  }
0x40: {  	_ =	swait.ge [sflag:s17], $0x800  }
0x41: {  	[sflag:s17] =	ssyncset.done $0x0  }
0x42: {  	s15 =	rddreg [dreg:$0xb];
	[sflag:s17] =	ssyncadd.s32 $0xFFFFF800  }
0x43: {  	[spmem:s15] =	stream.linear.scatter [tilespmem:s20], [sflag:$0x10], $0x800, $0x38;
	[tilespmem:$0x1E800] =	vst v63  }
0x44: {  	_ =	swait.ge [sflag:s17], $0x800  }
0x45: {  	[sflag:s17] =	ssyncset.done $0x0  }
0x46: {  	s16 =	rddreg [dreg:$0xc];
	[sflag:s17] =	ssyncadd.s32 $0xFFFFF800  }
0x47: {  	[spmem:s16] =	stream.linear.scatter [tilespmem:s20], [sflag:$0x10], $0x800, $0x38;
	[tilespmem:$0x1E800] =	vst v63  }
0x48: {  	_ =	swait.ge [sflag:s17], $0x800  }
0x49: {  	[sflag:s17] =	ssyncset.done $0x0  }
0x4a: {  	s15 =	simm.s32 $0x40;
	s16 =	simm.s32 $0x0;
	[sflag:s17] =	ssyncadd.s32 $0xFFFFF800  }
.LBB2_6:
0x4b: {  	p0 =	sne.s32 s15, $0x1FC0;
	[tilespmem:s16+$0x1B800] =	vst v1;
	s9 =	smov.u32 s15;
	s15 =	sadd.s32 $0x40, s15  }
.Ltmp2:
0x4c: {  	(pc) =	sbr.rel @p0 .LBB2_6-.Ltmp2, $2  }
0x4d: {  	_ =	sdelay $0x2  }
0x4e: {  	s16 =	sshra.s32 s9, $0x2  }
0x4f: {  	[tilespmem:s16+$0x1B800] =	vst v1  }
0x50: {  	s15 =	simm.s32 $0x0;
	[bflag:$0x0] =	sbarrier.arrive $0xFFFF  }
.LBB2_8:
0x51: {  	s9 =	sshra.s32 s15, $0x2  }
0x52: {  	[tilespmem:s19], [sflag:$0x1] =	stream.indirect.gather [hbm4b:s1+s21], $0x40, s9, s21, $0xb8;
	[tilespmem:$0x1E800] =	vst v63  }
0x53: {  	s16 =	sadd.s32 $0x80, s9  }
0x54: {  	[tilespmem:s22], [sflag:$0x2] =	stream.indirect.gather [hbm4b:s1+s21], $0x40, s16, s21, $0xb8;
	[tilespmem:$0x1E800] =	vst v63  }
0x55: {  	s16 =	sadd.s32 $0x100, s9  }
0x56: {  	[tilespmem:s23], [sflag:$0x3] =	stream.indirect.gather [hbm4b:s1+s21], $0x40, s16, s21, $0xb8;
	[tilespmem:$0x1E800] =	vst v63  }
0x57: {  	s16 =	sadd.s32 $0x180, s9  }
0x58: {  	[tilespmem:s24], [sflag:$0x4] =	stream.indirect.gather [hbm4b:s1+s21], $0x40, s16, s21, $0xb8;
	[tilespmem:$0x1E800] =	vst v63  }
0x59: {  	s16 =	sadd.s32 $0x200, s9  }
0x5a: {  	[tilespmem:s25], [sflag:$0x5] =	stream.indirect.gather [hbm4b:s1+s21], $0x40, s16, s21, $0xb8;
	[tilespmem:$0x1E800] =	vst v63  }
0x5b: {  	_ =	swait.ge [sflag:s26], $0x2000  }
0x5c: {  	[sflag:s26] =	ssyncset.done $0x0  }
0x5d: {  	s16 =	sadd.s32 $0x3C00, s9;
	[sflag:s26] =	ssyncadd.s32 $0xFFFFE000  }
0x5e: {  	[spmem:s3] =	stream.indirect.scatter.add.f32 [tilespmem:s19], [sflag:$0x6], $0x40, s16, s21, $0xb8;
	[tilespmem:$0x1E800] =	vst v63  }
0x5f: {  	_ = 	snop  }
0x60: {  	[spmem:s4] =	stream.indirect.scatter.add.f32 [tilespmem:s20], [sflag:$0xB], $0x10, s16, s21, $0xb8;
	[tilespmem:$0x1E800] =	vst v63  }
0x61: {  	_ =	swait.ge [sflag:s28], $0x2000  }
0x62: {  	[sflag:s28] =	ssyncset.done $0x0  }
0x63: {  	s16 =	sadd.s32 $0x3C80, s9;
	[sflag:s28] =	ssyncadd.s32 $0xFFFFE000  }
0x64: {  	[spmem:s3] =	stream.indirect.scatter.add.f32 [tilespmem:s22], [sflag:$0x7], $0x40, s16, s21, $0xb8;
	[tilespmem:$0x1E800] =	vst v63  }
0x65: {  	_ = 	snop  }
0x66: {  	[spmem:s4] =	stream.indirect.scatter.add.f32 [tilespmem:s20], [sflag:$0xC], $0x10, s16, s21, $0xb8;
	[tilespmem:$0x1E800] =	vst v63  }
0x67: {  	_ =	swait.ge [sflag:s29], $0x2000  }
0x68: {  	[sflag:s29] =	ssyncset.done $0x0  }
0x69: {  	s16 =	sadd.s32 $0x3D00, s9;
	[sflag:s29] =	ssyncadd.s32 $0xFFFFE000  }
0x6a: {  	[spmem:s3] =	stream.indirect.scatter.add.f32 [tilespmem:s23], [sflag:$0x8], $0x40, s16, s21, $0xb8;
	[tilespmem:$0x1E800] =	vst v63  }
0x6b: {  	_ = 	snop  }
0x6c: {  	[spmem:s4] =	stream.indirect.scatter.add.f32 [tilespmem:s20], [sflag:$0xD], $0x10, s16, s21, $0xb8;
	[tilespmem:$0x1E800] =	vst v63  }
0x6d: {  	_ =	swait.ge [sflag:s30], $0x2000  }
0x6e: {  	[sflag:s30] =	ssyncset.done $0x0  }
0x6f: {  	s16 =	sadd.s32 $0x3D80, s9;
	[sflag:s30] =	ssyncadd.s32 $0xFFFFE000  }
0x70: {  	[spmem:s3] =	stream.indirect.scatter.add.f32 [tilespmem:s24], [sflag:$0x9], $0x40, s16, s21, $0xb8;
	[tilespmem:$0x1E800] =	vst v63  }
0x71: {  	_ = 	snop  }
0x72: {  	[spmem:s4] =	stream.indirect.scatter.add.f32 [tilespmem:s20], [sflag:$0xE], $0x10, s16, s21, $0xb8;
	[tilespmem:$0x1E800] =	vst v63  }
0x73: {  	_ =	swait.ge [sflag:s31], $0x2000  }
0x74: {  	[sflag:s31] =	ssyncset.done $0x0  }
0x75: {  	s9 =	sadd.s32 $0x3E00, s9;
	[sflag:s31] =	ssyncadd.s32 $0xFFFFE000  }
0x76: {  	[spmem:s3] =	stream.indirect.scatter.add.f32 [tilespmem:s25], [sflag:$0xA], $0x40, s9, s21, $0xb8;
	[tilespmem:$0x1E800] =	vst v63  }
0x77: {  	_ = 	snop  }
0x78: {  	[spmem:s4] =	stream.indirect.scatter.add.f32 [tilespmem:s20], [sflag:$0xF], $0x10, s9, s21, $0xb8;
	[tilespmem:$0x1E800] =	vst v63  }
0x79: {  	_ =	swait.ge [sflag:s2], $0x2000  }
0x7a: {  	[sflag:s2] =	ssyncset.done $0x0  }
0x7b: {  	[sflag:s2] =	ssyncadd.s32 $0xFFFFE000  }
0x7c: {  	_ =	swait.ge [sflag:s0], $0x800  }
0x7d: {  	[sflag:s0] =	ssyncset.done $0x0  }
0x7e: {  	[sflag:s0] =	ssyncadd.s32 $0xFFFFF800  }
0x7f: {  	_ =	swait.ge [sflag:s18], $0x2000  }
0x80: {  	[sflag:s18] =	ssyncset.done $0x0  }
0x81: {  	[sflag:s18] =	ssyncadd.s32 $0xFFFFE000  }
0x82: {  	_ =	swait.ge [sflag:s5], $0x800  }
0x83: {  	[sflag:s5] =	ssyncset.done $0x0  }
0x84: {  	[sflag:s5] =	ssyncadd.s32 $0xFFFFF800  }
0x85: {  	_ =	swait.ge [sflag:s6], $0x2000  }
0x86: {  	[sflag:s6] =	ssyncset.done $0x0  }
0x87: {  	[sflag:s6] =	ssyncadd.s32 $0xFFFFE000  }
0x88: {  	_ =	swait.ge [sflag:s7], $0x800  }
0x89: {  	[sflag:s7] =	ssyncset.done $0x0  }
0x8a: {  	[sflag:s7] =	ssyncadd.s32 $0xFFFFF800  }
0x8b: {  	_ =	swait.ge [sflag:s10], $0x2000  }
0x8c: {  	[sflag:s10] =	ssyncset.done $0x0  }
0x8d: {  	[sflag:s10] =	ssyncadd.s32 $0xFFFFE000  }
0x8e: {  	_ =	swait.ge [sflag:s11], $0x800  }
0x8f: {  	[sflag:s11] =	ssyncset.done $0x0  }
0x90: {  	[sflag:s11] =	ssyncadd.s32 $0xFFFFF800  }
0x91: {  	_ =	swait.ge [sflag:s12], $0x2000  }
0x92: {  	[sflag:s12] =	ssyncset.done $0x0  }
0x93: {  	[sflag:s12] =	ssyncadd.s32 $0xFFFFE000  }
0x94: {  	_ =	swait.ge [sflag:s13], $0x800  }
0x95: {  	s15 =	sadd.s32 $0xA00, s15;
	s16 =	rddreg [dreg:$0x5]  }
0x96: {  	p0 =	sne.s32 s16, s15  }
.Ltmp3:
0x97: {  	_ = 	snop;
	(pc) =	sbr.rel @p0 .LBB2_8-.Ltmp3, $3  }
0x98: {  	_ =	sdelay $0x1  }
0x99: {  	[sflag:s13] =	ssyncset.done $0x0  }
0x9a: {  	[sflag:s13] =	ssyncadd.s32 $0xFFFFF800  }
0x9b: {  	s9 =	stileid.u32;
	[bflag:$0x0] =	sbarrier.arrive $0xFFFF  }
0x9c: {  	s9 =	sshll.u32 s9, $0x6;
	s15 =	rddreg [dreg:$0x8]  }
0x9d: {  	s16 =	rddreg [dreg:$0xd];
	s9 =	sor.u32 $0x1C10, s9;
	s15 =	sshrl.u32 s15, $0x3  }
0x9e: {  	[hbm:s16], [sflag:s9] =	dma.local [spmem:s15], $0x1400  }
0x9f: {  	_ =	swait.ge [sflag:s17], $0x1400  }
0xa0: {  	[sflag:s17] =	ssyncset.done $0x0  }
0xa1: {  	s15 =	sshrl.u32 s8, $0x3;
	s16 =	rddreg [dreg:$0xe];
	[sflag:s17] =	ssyncadd.s32 $0xFFFFEC00  }
0xa2: {  	[hbm:s16], [sflag:s9] =	dma.local [spmem:s15], $0x500  }
0xa3: {  	_ =	swait.ge [sflag:s17], $0x500  }
0xa4: {  	s14 =	sadd.s32 $0x1, s14;
	s16 =	rddreg [dreg:$0xf]  }
0xa5: {  	p0 =	sne.s32 s14, s16  }
.Ltmp4:
0xa6: {  	_ = 	snop;
	(pc) =	sbr.rel @p0 .LBB2_1-.Ltmp4, $3  }
0xa7: {  	_ =	sdelay $0x1  }
0xa8: {  	[sflag:s17] =	ssyncset.done $0x0  }
0xa9: {  	[sflag:s17] =	ssyncadd.s32 $0xFFFFFB00  }
0xaa: {  	_ =	sfence.sel $0x180000  }
0xab: {  	[bflag:$0x0] =	sbarrier.arrive $0xFFFF  }
0xac: {  	_ =	strace $0x90000047  }
0xad: {  	s0 =	stileid.u32;
	[bflag:$0x2] =	sbarrier.arrive $0xFFFF  }
0xae: {  	p0 =	sne.s32 s0, $0x0;
	s0 =	rddreg [dreg:$0x4]  }
0xaf: {  	s0 =	sadd.s32 @!p0 $0x100000, s0  }
0xb0: {  	[sflag:s0] =	ssyncadd.tile.s32 @!p0 $0x1;
	_ =	shalt  }
.Lfunc_end2:
_tile_overlayer_lowered:
.L_overlay_start_2:
0xb1: {  	(tag) =	ssettag $0x2  }
0xb2: {  	s0 =	rddreg [dreg:$0x0];
	s2 =	stileid.u32  }
0xb3: {  	s1 =	rddreg [dreg:$0x1];
	p0 =	sne.s32 s2, $0x0  }
0xb4: {  	s3 =	rddreg [dreg:$0x2];
	[bflag:$0x3] =	sbarrier.arrive $0xFFFF;
	s2 =	simm.s32 @!p0 $0x1C10  }
0xb5: {  	[timem:s3], [sflag:s2] =	dma.local @!p0 [hbm:s0], s1  }
0xb6: {  	s0 =	simm.s32 @!p0 $0x10  }
0xb7: {  	_ =	swait.ge @!p0 [sflag:s0], s1  }
0xb8: {  	s1 =	ssub.s32 @!p0 $0x0, s1;
	[sflag:s0] =	ssyncset.done @!p0 $0x0  }
0xb9: {  	[sflag:s0] =	ssyncadd.s32 @!p0 s1  }
0xba: {  	[bflag:$0x3] =	sbarrier.arrive $0xFFFF  }
0xbb: {  	_ =	shalt  }

</sc_bundles>
